<compile_context>
chip_gen: v7x
topology: tpu7x:2x2x1
jax: 0.10.2.dev20260603
libtpu: 0.0.44.dev20260713+nightly
codegen_flags: <defaults>
</compile_context>

<pallas_src>
import functools

import jax
import jax.numpy as jnp
from jax import lax
from jax.experimental import pallas as pl
from jax.experimental.pallas import tpu as pltpu
from jax.experimental.pallas import tpu_sc as plsc

EPS = 1e-5



def _norm_body(tab_ref, g_ref, b_ref, out_ref):
    x = tab_ref[...]
    mean = jnp.mean(x, axis=0, keepdims=True)
    xc = x - mean
    var = jnp.mean(xc * xc, axis=0, keepdims=True)
    inv = lax.rsqrt(var + EPS)
    out_ref[...] = (xc * inv * g_ref[...] + b_ref[...]).T


def _normalize_table(table_t, gamma, beta):
    D, V = table_t.shape
    R = 2048
    grid = (V + R - 1) // R
    return pl.pallas_call(
        _norm_body,
        grid=(grid,),
        in_specs=[
            pl.BlockSpec((D, R), lambda i: (0, i)),
            pl.BlockSpec((D, 1), lambda i: (0, 0)),
            pl.BlockSpec((D, 1), lambda i: (0, 0)),
        ],
        out_specs=pl.BlockSpec((R, D), lambda i: (i, 0)),
        out_shape=jax.ShapeDtypeStruct((V, D), jnp.float32),
    )(table_t, gamma.reshape(D, 1), beta.reshape(D, 1))



_HP = 8
_SB = 128


@functools.partial(jax.jit, static_argnums=(2,))
def _sc_gather_t(ntable, ids_t, d):
    info = plsc.get_sparse_core_info()
    nc, ns = info.num_cores, info.num_subcores
    nw = nc * ns
    h, b = ids_t.shape
    nbj = b // _SB
    nhr = h // _HP
    nitems = (nbj * nhr) // nw
    dblks = d // 8

    mesh = plsc.VectorSubcoreMesh(core_axis_name="c", subcore_axis_name="s")

    @functools.partial(
        pl.kernel,
        mesh=mesh,
        out_type=jax.ShapeDtypeStruct((h, dblks, nbj, 8, _SB), jnp.float32),
        scratch_types=[pltpu.VMEM((_HP, _SB), jnp.int32)] * 3
        + [pltpu.VMEM((_HP * _SB, d), jnp.float32)] * 3
        + [pltpu.VMEM((_HP, dblks, 1, 8, _SB + 1), jnp.float32)] * 3
        + [pltpu.SemaphoreType.DMA] * 9,
        compiler_params=pltpu.CompilerParams(
            use_tc_tiling_on_sc=False, needs_layout_passes=False),
    )
    def k(tab_hbm, ids_hbm, out_hbm, i0, i1, i2, g0, g1, g2, t0, t1, t2,
          gs0, gs1, gs2, os0, os1, os2, is0, is1, is2):
        idxs, gbufs, tbufs = (i0, i1, i2), (g0, g1, g2), (t0, t1, t2)
        gsems, osems, isems = (gs0, gs1, gs2), (os0, os1, os2), (is0, is1, is2)
        wid = lax.axis_index("s") * nc + lax.axis_index("c")
        gbase = wid * nitems
        iota = lax.iota(jnp.int32, 16)
        p_dblk = iota // 8
        p_dsub = iota % 8
        zv = jnp.zeros((16,), jnp.int32)

        def coords(i):
            g = gbase + i
            return g // nhr, g % nhr

        def idx_cp(i, bb):
            bj, hr = coords(i)
            return pltpu.make_async_copy(
                ids_hbm.at[pl.ds(hr * _HP, _HP), pl.ds(bj * _SB, _SB)],
                idxs[bb], isems[bb])

        def fire(i, bb):
            idx_cp(i, bb).wait()
            for s in range(_HP):
                pltpu.async_copy(
                    tab_hbm.at[idxs[bb].at[s]],
                    gbufs[bb].at[pl.ds(s * _SB, _SB)],
                    gsems[bb])

        def gather_wait(bb):
            pltpu.make_async_copy(
                tab_hbm.at[pl.ds(0, _HP * _SB)], gbufs[bb], gsems[bb]).wait()

        def store_cps(i, bb):
            bj, hr = coords(i)
            return [
                pltpu.make_async_copy(
                    tbufs[bb].at[:, pl.ds(dblk, 1), :, :, pl.ds(0, _SB)],
                    out_hbm.at[pl.ds(hr * _HP, _HP), pl.ds(dblk, 1),
                               pl.ds(bj, 1), :, :],
                    osems[bb])
                for dblk in range(dblks)
            ]

        def transpose(bb):
            gb, tb = gbufs[bb], tbufs[bb]

            def hbody(h_, carry):
                h16 = zv + h_

                def blbody(bq, carry2):
                    for j in range(8):
                        bl = bq * 8 + j
                        v = gb[h_ * _SB + bl, :]
                        plsc.store_scatter(
                            tb, [h16, p_dblk, zv, p_dsub, zv + bl], v)
                    return carry2

                lax.fori_loop(0, _SB // 8, blbody, carry)
                return carry

            lax.fori_loop(0, _HP, hbody, 0)

        idx_cp(0, 0).start()
        idx_cp(1, 1).start()
        idx_cp(2, 2).start()
        fire(0, 0)
        fire(1, 1)

        nrounds = (nitems + 2) // 3

        def round_body(r, carry):
            for bb in range(3):
                i = 3 * r + bb

                b2 = (bb + 2) % 3

                @pl.when(i < nitems)
                def _():
                    gather_wait(bb)

                    @pl.when(i + 3 < nitems)
                    def _():
                        idx_cp(i + 3, bb).start()

                    @pl.when(i + 2 < nitems)
                    def _():
                        fire(i + 2, b2)

                    @pl.when(i >= 3)
                    def _():
                        for cp in store_cps(i - 3, bb):
                            cp.wait()

                    transpose(bb)
                    for cp in store_cps(i, bb):
                        cp.start()

            return carry

        lax.fori_loop(0, nrounds, round_body, 0)
        for j in range(3):
            for cp in store_cps(nitems - 3 + j, (nitems - 3 + j) % 3):
                cp.wait()

    return k(ntable, ids_t)


def kernel(venue_id, table, gamma, beta):
    B, H = venue_id.shape
    V, D = table.shape
    ntable = _normalize_table(table.astype(jnp.float32).T, gamma, beta)
    ids_t = venue_id.astype(jnp.int32).T
    out5 = _sc_gather_t(ntable, ids_t, D)
    return jnp.transpose(out5, (2, 4, 0, 1, 3)).reshape(B, H, D)

# --- scband reference (transcript-rebuilt; emitter-appended) ---
"""Pipeline reference for scband-venue-encoder-1391569404140 (READ-ONLY COPY).

The authoritative reference and input builder live on the scoring server;
editing this copy changes nothing except your own understanding.
"""

import jax, jax.numpy as jnp
import numpy as np

NUM_TEAMS = 100000
EMBED_DIM = 16
BATCH = 16384
HIST = 200
EPS = 1e-5

def setup_inputs(seed: int = 0) -> dict:
    key = jax.random.key(seed)
    k1, k2 = jax.random.split(key)
    venue_id = jax.random.randint(k1, (BATCH, HIST), 0, NUM_TEAMS + 1, dtype=jnp.int64 if jax.config.jax_enable_x64 else jnp.int32)
    table = jax.random.normal(k2, (NUM_TEAMS + 1, EMBED_DIM), dtype=jnp.float32) * 0.01
    table = table.at[0].set(0.0)  # padding_idx=0
    gamma = jnp.ones((EMBED_DIM,), dtype=jnp.float32)
    beta = jnp.zeros((EMBED_DIM,), dtype=jnp.float32)
    return {"venue_id": venue_id, "table": table, "gamma": gamma, "beta": beta}

def reference(venue_id, table, gamma, beta):
    # embedding lookup (gather)
    vec = jnp.take(table, venue_id, axis=0)  # [B, L, D]
    # LayerNorm over last dim
    mean = jnp.mean(vec, axis=-1, keepdims=True)
    var = jnp.var(vec, axis=-1, keepdims=True)
    normed = (vec - mean) / jnp.sqrt(var + EPS)
    out = normed * gamma + beta
    # dropout is identity in eval mode
    return out

if __name__ == "__main__":
    import jax
    _d = setup_inputs()
    print(jax.jit(kernel)(*tuple(_d.values())))

</pallas_src>

<mosaic_0001>
#map = affine_map<(d0, d1) -> (0, 0)>
#map1 = affine_map<(d0, d1) -> (0, 0, 0, 0, 0)>
module attributes {stable_mosaic.version = 14 : i64} {
  func.func @k(%arg0: i32, %arg1: i32, %arg2: memref<100001x16xf32, #tpu.memory_space<hbm>>, %arg3: memref<200x16384xi32, #tpu.memory_space<hbm>>, %arg4: memref<200x2x128x8x128xf32, #tpu.memory_space<hbm>>, %arg5: memref<8x128xi32, #tpu.memory_space<vmem>>, %arg6: memref<8x128xi32, #tpu.memory_space<vmem>>, %arg7: memref<8x128xi32, #tpu.memory_space<vmem>>, %arg8: memref<1024x16xf32, #tpu.memory_space<vmem>>, %arg9: memref<1024x16xf32, #tpu.memory_space<vmem>>, %arg10: memref<1024x16xf32, #tpu.memory_space<vmem>>, %arg11: memref<8x2x1x8x129xf32, #tpu.memory_space<vmem>>, %arg12: memref<8x2x1x8x129xf32, #tpu.memory_space<vmem>>, %arg13: memref<8x2x1x8x129xf32, #tpu.memory_space<vmem>>, %arg14: memref<!tpu.dma_semaphore, #tpu.memory_space<semaphore_mem>>, %arg15: memref<!tpu.dma_semaphore, #tpu.memory_space<semaphore_mem>>, %arg16: memref<!tpu.dma_semaphore, #tpu.memory_space<semaphore_mem>>, %arg17: memref<!tpu.dma_semaphore, #tpu.memory_space<semaphore_mem>>, %arg18: memref<!tpu.dma_semaphore, #tpu.memory_space<semaphore_mem>>, %arg19: memref<!tpu.dma_semaphore, #tpu.memory_space<semaphore_mem>>, %arg20: memref<!tpu.dma_semaphore, #tpu.memory_space<semaphore_mem>>, %arg21: memref<!tpu.dma_semaphore, #tpu.memory_space<semaphore_mem>>, %arg22: memref<!tpu.dma_semaphore, #tpu.memory_space<semaphore_mem>>) attributes {dimension_semantics = [#tpu.dimension_semantics<core_parallel>, #tpu.dimension_semantics<subcore_parallel>], iteration_bounds = array<i64: 2, 16>, scalar_prefetch = 0 : i64, scratch_operands = 18 : i64, tpu.core_type = #tpu.core_type<sc_vector_subcore>, window_params = [{transform_indices = #map}, {transform_indices = #map}, {transform_indices = #map1}]} {
    %mul3A = arith.constant 2 : i32
    %mul3A_0 = arith.muli %arg1, %mul3A : i32
    %add3A = arith.addi %mul3A_0, %arg0 : i32
    %mul3A_1 = arith.constant 100 : i32
    %mul3A_2 = arith.muli %add3A, %mul3A_1 : i32
    %iota3A = tpu.iota {dimensions = array<i32: 0>} : vector<16xi32>
    %jit3A = arith.constant 8 : i32
    %div3A = vector.broadcast %jit3A : i32 to vector<16xi32>
    %div3A_3 = arith.divsi %iota3A, %div3A : vector<16xi32>
    %sign3A = arith.constant 0 : i32
    %sign3A_4 = vector.broadcast %sign3A : i32 to vector<16xi32>
    %sign3A_5 = arith.cmpi sgt, %iota3A, %sign3A_4 : vector<16xi32>
    %sign3A_6 = arith.extui %sign3A_5 : vector<16xi1> to vector<16xi32>
    %sign3A_7 = arith.constant 0 : i32
    %sign3A_8 = vector.broadcast %sign3A_7 : i32 to vector<16xi32>
    %sign3A_9 = arith.cmpi slt, %iota3A, %sign3A_8 : vector<16xi32>
    %sign3A_10 = arith.extui %sign3A_9 : vector<16xi1> to vector<16xi32>
    %sign3A_11 = arith.subi %sign3A_6, %sign3A_10 : vector<16xi32>
    %sign3A_12 = arith.constant 0 : i32
    %sign3A_13 = arith.cmpi sgt, %jit3A, %sign3A_12 : i32
    %sign3A_14 = arith.extui %sign3A_13 : i1 to i32
    %sign3A_15 = arith.constant 0 : i32
    %sign3A_16 = arith.cmpi slt, %jit3A, %sign3A_15 : i32
    %sign3A_17 = arith.extui %sign3A_16 : i1 to i32
    %sign3A_18 = arith.subi %sign3A_14, %sign3A_17 : i32
    %ne3A = vector.broadcast %sign3A_18 : i32 to vector<16xi32>
    %ne3A_19 = arith.cmpi ne, %sign3A_11, %ne3A : vector<16xi32>
    %rem3A = vector.broadcast %jit3A : i32 to vector<16xi32>
    %rem3A_20 = arith.remsi %iota3A, %rem3A : vector<16xi32>
    %ne3A_21 = arith.constant 0 : i32
    %ne3A_22 = vector.broadcast %ne3A_21 : i32 to vector<16xi32>
    %ne3A_23 = arith.cmpi ne, %rem3A_20, %ne3A_22 : vector<16xi32>
    %and3A = arith.andi %ne3A_19, %ne3A_23 : vector<16xi1>
    %sub3A = arith.constant 1 : i32
    %sub3A_24 = vector.broadcast %sub3A : i32 to vector<16xi32>
    %sub3A_25 = arith.subi %div3A_3, %sub3A_24 : vector<16xi32>
    %select_n3A = arith.select %and3A, %sub3A_25, %div3A_3 : vector<16xi1>, vector<16xi32>
    %jit3A_26 = arith.constant 8 : i32
    %eq3A = arith.constant 0 : i32
    %eq3A_27 = arith.cmpi eq, %jit3A_26, %eq3A : i32
    %jit3A_28 = arith.constant 1 : i32
    %select_n3A_29 = arith.select %eq3A_27, %jit3A_28, %jit3A_26 : i32
    %rem3A_30 = vector.broadcast %select_n3A_29 : i32 to vector<16xi32>
    %rem3A_31 = arith.remsi %iota3A, %rem3A_30 : vector<16xi32>
    %ne3A_32 = arith.constant 0 : i32
    %ne3A_33 = vector.broadcast %ne3A_32 : i32 to vector<16xi32>
    %ne3A_34 = arith.cmpi ne, %rem3A_31, %ne3A_33 : vector<16xi32>
    %lt3A = arith.constant 0 : i32
    %lt3A_35 = vector.broadcast %lt3A : i32 to vector<16xi32>
    %lt3A_36 = arith.cmpi slt, %rem3A_31, %lt3A_35 : vector<16xi32>
    %lt3A_37 = arith.constant 0 : i32
    %lt3A_38 = arith.cmpi slt, %select_n3A_29, %lt3A_37 : i32
    %ne3A_39 = vector.broadcast %lt3A_38 : i1 to vector<16xi1>
    %ne3A_40 = vector.broadcast %ne3A_39 : vector<16xi1> to vector<16xi1>
    %ne3A_41 = arith.xori %lt3A_36, %ne3A_40 : vector<16xi1>
    %and3A_42 = arith.andi %ne3A_41, %ne3A_34 : vector<16xi1>
    %add3A_43 = vector.broadcast %select_n3A_29 : i32 to vector<16xi32>
    %add3A_44 = arith.addi %rem3A_31, %add3A_43 : vector<16xi32>
    %select_n3A_45 = arith.select %and3A_42, %add3A_44, %rem3A_31 : vector<16xi1>, vector<16xi32>
    %broadcast_in_dim3A = arith.constant 0 : i32
    %broadcast_in_dim3A_46 = vector.broadcast %broadcast_in_dim3A : i32 to vector<16xi32>
    %add3A_47 = arith.constant 0 : i32
    %add3A_48 = arith.addi %mul3A_2, %add3A_47 : i32
    %jit3A_49 = arith.constant 25 : i32
    %div3A_50 = arith.divsi %add3A_48, %jit3A_49 : i32
    %sign3A_51 = arith.constant 0 : i32
    %sign3A_52 = arith.cmpi sgt, %add3A_48, %sign3A_51 : i32
    %sign3A_53 = arith.extui %sign3A_52 : i1 to i32
    %sign3A_54 = arith.constant 0 : i32
    %sign3A_55 = arith.cmpi slt, %add3A_48, %sign3A_54 : i32
    %sign3A_56 = arith.extui %sign3A_55 : i1 to i32
    %sign3A_57 = arith.subi %sign3A_53, %sign3A_56 : i32
    %sign3A_58 = arith.constant 0 : i32
    %sign3A_59 = arith.cmpi sgt, %jit3A_49, %sign3A_58 : i32
    %sign3A_60 = arith.extui %sign3A_59 : i1 to i32
    %sign3A_61 = arith.constant 0 : i32
    %sign3A_62 = arith.cmpi slt, %jit3A_49, %sign3A_61 : i32
    %sign3A_63 = arith.extui %sign3A_62 : i1 to i32
    %sign3A_64 = arith.subi %sign3A_60, %sign3A_63 : i32
    %ne3A_65 = arith.cmpi ne, %sign3A_57, %sign3A_64 : i32
    %rem3A_66 = arith.remsi %add3A_48, %jit3A_49 : i32
    %ne3A_67 = arith.constant 0 : i32
    %ne3A_68 = arith.cmpi ne, %rem3A_66, %ne3A_67 : i32
    %and3A_69 = arith.andi %ne3A_65, %ne3A_68 : i1
    %sub3A_70 = arith.constant 1 : i32
    %sub3A_71 = arith.subi %div3A_50, %sub3A_70 : i32
    %select_n3A_72 = arith.select %and3A_69, %sub3A_71, %div3A_50 : i32
    %jit3A_73 = arith.constant 25 : i32
    %eq3A_74 = arith.constant 0 : i32
    %eq3A_75 = arith.cmpi eq, %jit3A_73, %eq3A_74 : i32
    %jit3A_76 = arith.constant 1 : i32
    %select_n3A_77 = arith.select %eq3A_75, %jit3A_76, %jit3A_73 : i32
    %rem3A_78 = arith.remsi %add3A_48, %select_n3A_77 : i32
    %ne3A_79 = arith.constant 0 : i32
    %ne3A_80 = arith.cmpi ne, %rem3A_78, %ne3A_79 : i32
    %lt3A_81 = arith.constant 0 : i32
    %lt3A_82 = arith.cmpi slt, %rem3A_78, %lt3A_81 : i32
    %lt3A_83 = arith.constant 0 : i32
    %lt3A_84 = arith.cmpi slt, %select_n3A_77, %lt3A_83 : i32
    %ne3A_85 = arith.xori %lt3A_82, %lt3A_84 : i1
    %and3A_86 = arith.andi %ne3A_85, %ne3A_80 : i1
    %add3A_87 = arith.addi %rem3A_78, %select_n3A_77 : i32
    %select_n3A_88 = arith.select %and3A_86, %add3A_87, %rem3A_78 : i32
    %mul3A_89 = arith.constant 8 : i32
    %mul3A_90 = arith.muli %select_n3A_88, %mul3A_89 : i32
    %mul3A_91 = arith.constant 128 : i32
    %mul3A_92 = arith.muli %select_n3A_72, %mul3A_91 : i32
    %dma_start3A = tpu.memref_slice %arg3[%mul3A_90, %mul3A_92] : memref<200x16384xi32, #tpu.memory_space<hbm>> -> memref<8x128xi32, #tpu.memory_space<hbm>>
    %dma_start3A_93 = tpu.memref_slice %arg3[%mul3A_90, %mul3A_92] : memref<200x16384xi32, #tpu.memory_space<hbm>> -> memref<8x128xi32, #tpu.memory_space<hbm>>
    tpu.enqueue_dma source(%dma_start3A_93 : memref<8x128xi32, #tpu.memory_space<hbm>>) target(%arg5 : memref<8x128xi32, #tpu.memory_space<vmem>>) target_semaphore(%arg20 : memref<!tpu.dma_semaphore, #tpu.memory_space<semaphore_mem>>)
    %add3A_94 = arith.constant 1 : i32
    %add3A_95 = arith.addi %mul3A_2, %add3A_94 : i32
    %jit3A_96 = arith.constant 25 : i32
    %div3A_97 = arith.divsi %add3A_95, %jit3A_96 : i32
    %sign3A_98 = arith.constant 0 : i32
    %sign3A_99 = arith.cmpi sgt, %add3A_95, %sign3A_98 : i32
    %sign3A_100 = arith.extui %sign3A_99 : i1 to i32
    %sign3A_101 = arith.constant 0 : i32
    %sign3A_102 = arith.cmpi slt, %add3A_95, %sign3A_101 : i32
    %sign3A_103 = arith.extui %sign3A_102 : i1 to i32
    %sign3A_104 = arith.subi %sign3A_100, %sign3A_103 : i32
    %sign3A_105 = arith.constant 0 : i32
    %sign3A_106 = arith.cmpi sgt, %jit3A_96, %sign3A_105 : i32
    %sign3A_107 = arith.extui %sign3A_106 : i1 to i32
    %sign3A_108 = arith.constant 0 : i32
    %sign3A_109 = arith.cmpi slt, %jit3A_96, %sign3A_108 : i32
    %sign3A_110 = arith.extui %sign3A_109 : i1 to i32
    %sign3A_111 = arith.subi %sign3A_107, %sign3A_110 : i32
    %ne3A_112 = arith.cmpi ne, %sign3A_104, %sign3A_111 : i32
    %rem3A_113 = arith.remsi %add3A_95, %jit3A_96 : i32
    %ne3A_114 = arith.constant 0 : i32
    %ne3A_115 = arith.cmpi ne, %rem3A_113, %ne3A_114 : i32
    %and3A_116 = arith.andi %ne3A_112, %ne3A_115 : i1
    %sub3A_117 = arith.constant 1 : i32
    %sub3A_118 = arith.subi %div3A_97, %sub3A_117 : i32
    %select_n3A_119 = arith.select %and3A_116, %sub3A_118, %div3A_97 : i32
    %jit3A_120 = arith.constant 25 : i32
    %eq3A_121 = arith.constant 0 : i32
    %eq3A_122 = arith.cmpi eq, %jit3A_120, %eq3A_121 : i32
    %jit3A_123 = arith.constant 1 : i32
    %select_n3A_124 = arith.select %eq3A_122, %jit3A_123, %jit3A_120 : i32
    %rem3A_125 = arith.remsi %add3A_95, %select_n3A_124 : i32
    %ne3A_126 = arith.constant 0 : i32
    %ne3A_127 = arith.cmpi ne, %rem3A_125, %ne3A_126 : i32
    %lt3A_128 = arith.constant 0 : i32
    %lt3A_129 = arith.cmpi slt, %rem3A_125, %lt3A_128 : i32
    %lt3A_130 = arith.constant 0 : i32
    %lt3A_131 = arith.cmpi slt, %select_n3A_124, %lt3A_130 : i32
    %ne3A_132 = arith.xori %lt3A_129, %lt3A_131 : i1
    %and3A_133 = arith.andi %ne3A_132, %ne3A_127 : i1
    %add3A_134 = arith.addi %rem3A_125, %select_n3A_124 : i32
    %select_n3A_135 = arith.select %and3A_133, %add3A_134, %rem3A_125 : i32
    %mul3A_136 = arith.constant 8 : i32
    %mul3A_137 = arith.muli %select_n3A_135, %mul3A_136 : i32
    %mul3A_138 = arith.constant 128 : i32
    %mul3A_139 = arith.muli %select_n3A_119, %mul3A_138 : i32
    %dma_start3A_140 = tpu.memref_slice %arg3[%mul3A_137, %mul3A_139] : memref<200x16384xi32, #tpu.memory_space<hbm>> -> memref<8x128xi32, #tpu.memory_space<hbm>>
    %dma_start3A_141 = tpu.memref_slice %arg3[%mul3A_137, %mul3A_139] : memref<200x16384xi32, #tpu.memory_space<hbm>> -> memref<8x128xi32, #tpu.memory_space<hbm>>
    tpu.enqueue_dma source(%dma_start3A_141 : memref<8x128xi32, #tpu.memory_space<hbm>>) target(%arg6 : memref<8x128xi32, #tpu.memory_space<vmem>>) target_semaphore(%arg21 : memref<!tpu.dma_semaphore, #tpu.memory_space<semaphore_mem>>)
    %add3A_142 = arith.constant 2 : i32
    %add3A_143 = arith.addi %mul3A_2, %add3A_142 : i32
    %jit3A_144 = arith.constant 25 : i32
    %div3A_145 = arith.divsi %add3A_143, %jit3A_144 : i32
    %sign3A_146 = arith.constant 0 : i32
    %sign3A_147 = arith.cmpi sgt, %add3A_143, %sign3A_146 : i32
    %sign3A_148 = arith.extui %sign3A_147 : i1 to i32
    %sign3A_149 = arith.constant 0 : i32
    %sign3A_150 = arith.cmpi slt, %add3A_143, %sign3A_149 : i32
    %sign3A_151 = arith.extui %sign3A_150 : i1 to i32
    %sign3A_152 = arith.subi %sign3A_148, %sign3A_151 : i32
    %sign3A_153 = arith.constant 0 : i32
    %sign3A_154 = arith.cmpi sgt, %jit3A_144, %sign3A_153 : i32
    %sign3A_155 = arith.extui %sign3A_154 : i1 to i32
    %sign3A_156 = arith.constant 0 : i32
    %sign3A_157 = arith.cmpi slt, %jit3A_144, %sign3A_156 : i32
    %sign3A_158 = arith.extui %sign3A_157 : i1 to i32
    %sign3A_159 = arith.subi %sign3A_155, %sign3A_158 : i32
    %ne3A_160 = arith.cmpi ne, %sign3A_152, %sign3A_159 : i32
    %rem3A_161 = arith.remsi %add3A_143, %jit3A_144 : i32
    %ne3A_162 = arith.constant 0 : i32
    %ne3A_163 = arith.cmpi ne, %rem3A_161, %ne3A_162 : i32
    %and3A_164 = arith.andi %ne3A_160, %ne3A_163 : i1
    %sub3A_165 = arith.constant 1 : i32
    %sub3A_166 = arith.subi %div3A_145, %sub3A_165 : i32
    %select_n3A_167 = arith.select %and3A_164, %sub3A_166, %div3A_145 : i32
    %jit3A_168 = arith.constant 25 : i32
    %eq3A_169 = arith.constant 0 : i32
    %eq3A_170 = arith.cmpi eq, %jit3A_168, %eq3A_169 : i32
    %jit3A_171 = arith.constant 1 : i32
    %select_n3A_172 = arith.select %eq3A_170, %jit3A_171, %jit3A_168 : i32
    %rem3A_173 = arith.remsi %add3A_143, %select_n3A_172 : i32
    %ne3A_174 = arith.constant 0 : i32
    %ne3A_175 = arith.cmpi ne, %rem3A_173, %ne3A_174 : i32
    %lt3A_176 = arith.constant 0 : i32
    %lt3A_177 = arith.cmpi slt, %rem3A_173, %lt3A_176 : i32
    %lt3A_178 = arith.constant 0 : i32
    %lt3A_179 = arith.cmpi slt, %select_n3A_172, %lt3A_178 : i32
    %ne3A_180 = arith.xori %lt3A_177, %lt3A_179 : i1
    %and3A_181 = arith.andi %ne3A_180, %ne3A_175 : i1
    %add3A_182 = arith.addi %rem3A_173, %select_n3A_172 : i32
    %select_n3A_183 = arith.select %and3A_181, %add3A_182, %rem3A_173 : i32
    %mul3A_184 = arith.constant 8 : i32
    %mul3A_185 = arith.muli %select_n3A_183, %mul3A_184 : i32
    %mul3A_186 = arith.constant 128 : i32
    %mul3A_187 = arith.muli %select_n3A_167, %mul3A_186 : i32
    %dma_start3A_188 = tpu.memref_slice %arg3[%mul3A_185, %mul3A_187] : memref<200x16384xi32, #tpu.memory_space<hbm>> -> memref<8x128xi32, #tpu.memory_space<hbm>>
    %dma_start3A_189 = tpu.memref_slice %arg3[%mul3A_185, %mul3A_187] : memref<200x16384xi32, #tpu.memory_space<hbm>> -> memref<8x128xi32, #tpu.memory_space<hbm>>
    tpu.enqueue_dma source(%dma_start3A_189 : memref<8x128xi32, #tpu.memory_space<hbm>>) target(%arg7 : memref<8x128xi32, #tpu.memory_space<vmem>>) target_semaphore(%arg22 : memref<!tpu.dma_semaphore, #tpu.memory_space<semaphore_mem>>)
    %add3A_190 = arith.constant 0 : i32
    %add3A_191 = arith.addi %mul3A_2, %add3A_190 : i32
    %jit3A_192 = arith.constant 25 : i32
    %div3A_193 = arith.divsi %add3A_191, %jit3A_192 : i32
    %sign3A_194 = arith.constant 0 : i32
    %sign3A_195 = arith.cmpi sgt, %add3A_191, %sign3A_194 : i32
    %sign3A_196 = arith.extui %sign3A_195 : i1 to i32
    %sign3A_197 = arith.constant 0 : i32
    %sign3A_198 = arith.cmpi slt, %add3A_191, %sign3A_197 : i32
    %sign3A_199 = arith.extui %sign3A_198 : i1 to i32
    %sign3A_200 = arith.subi %sign3A_196, %sign3A_199 : i32
    %sign3A_201 = arith.constant 0 : i32
    %sign3A_202 = arith.cmpi sgt, %jit3A_192, %sign3A_201 : i32
    %sign3A_203 = arith.extui %sign3A_202 : i1 to i32
    %sign3A_204 = arith.constant 0 : i32
    %sign3A_205 = arith.cmpi slt, %jit3A_192, %sign3A_204 : i32
    %sign3A_206 = arith.extui %sign3A_205 : i1 to i32
    %sign3A_207 = arith.subi %sign3A_203, %sign3A_206 : i32
    %ne3A_208 = arith.cmpi ne, %sign3A_200, %sign3A_207 : i32
    %rem3A_209 = arith.remsi %add3A_191, %jit3A_192 : i32
    %ne3A_210 = arith.constant 0 : i32
    %ne3A_211 = arith.cmpi ne, %rem3A_209, %ne3A_210 : i32
    %and3A_212 = arith.andi %ne3A_208, %ne3A_211 : i1
    %sub3A_213 = arith.constant 1 : i32
    %sub3A_214 = arith.subi %div3A_193, %sub3A_213 : i32
    %select_n3A_215 = arith.select %and3A_212, %sub3A_214, %div3A_193 : i32
    %jit3A_216 = arith.constant 25 : i32
    %eq3A_217 = arith.constant 0 : i32
    %eq3A_218 = arith.cmpi eq, %jit3A_216, %eq3A_217 : i32
    %jit3A_219 = arith.constant 1 : i32
    %select_n3A_220 = arith.select %eq3A_218, %jit3A_219, %jit3A_216 : i32
    %rem3A_221 = arith.remsi %add3A_191, %select_n3A_220 : i32
    %ne3A_222 = arith.constant 0 : i32
    %ne3A_223 = arith.cmpi ne, %rem3A_221, %ne3A_222 : i32
    %lt3A_224 = arith.constant 0 : i32
    %lt3A_225 = arith.cmpi slt, %rem3A_221, %lt3A_224 : i32
    %lt3A_226 = arith.constant 0 : i32
    %lt3A_227 = arith.cmpi slt, %select_n3A_220, %lt3A_226 : i32
    %ne3A_228 = arith.xori %lt3A_225, %lt3A_227 : i1
    %and3A_229 = arith.andi %ne3A_228, %ne3A_223 : i1
    %add3A_230 = arith.addi %rem3A_221, %select_n3A_220 : i32
    %select_n3A_231 = arith.select %and3A_229, %add3A_230, %rem3A_221 : i32
    %mul3A_232 = arith.constant 8 : i32
    %mul3A_233 = arith.muli %select_n3A_231, %mul3A_232 : i32
    %mul3A_234 = arith.constant 128 : i32
    %mul3A_235 = arith.muli %select_n3A_215, %mul3A_234 : i32
    %dma_wait3A = tpu.memref_slice %arg3[%mul3A_233, %mul3A_235] : memref<200x16384xi32, #tpu.memory_space<hbm>> -> memref<8x128xi32, #tpu.memory_space<hbm>>
    %dma_wait3A_236 = tpu.memref_slice %arg3[%mul3A_233, %mul3A_235] : memref<200x16384xi32, #tpu.memory_space<hbm>> -> memref<8x128xi32, #tpu.memory_space<hbm>>
    tpu.wait_dma2 semaphore(%arg20 : memref<!tpu.dma_semaphore, #tpu.memory_space<semaphore_mem>>) src(%dma_wait3A_236 : memref<8x128xi32, #tpu.memory_space<hbm>>) dst(%arg5 : memref<8x128xi32, #tpu.memory_space<vmem>>)
    %dma_start3A_237 = arith.constant 0 : i32
    %dma_start3A_238 = arith.constant 0 : i32
    %dma_start3A_239 = arith.constant 0 : i32
    %dma_start3A_240 = tpu.memref_slice %arg8[%dma_start3A_238, %dma_start3A_239] : memref<1024x16xf32, #tpu.memory_space<vmem>> -> memref<128x16xf32, #tpu.memory_space<vmem>>
    %dma_start3A_241 = arith.constant 0 : i32
    %dma_start3A_242 = tpu.memref_slice %arg5[%dma_start3A_237, %dma_start3A_241] : memref<8x128xi32, #tpu.memory_space<vmem>> -> memref<1x128xi32, #tpu.memory_space<vmem>>
    %dma_start3A_243 = tpu.memref_squeeze %dma_start3A_242 : memref<1x128xi32, #tpu.memory_space<vmem>> -> memref<128xi32, #tpu.memory_space<vmem>>
    %dma_start3A_244 = arith.constant 0 : i32
    %dma_start3A_245 = arith.constant 0 : i32
    %dma_start3A_246 = tpu.memref_slice %arg2[%dma_start3A_244, %dma_start3A_245] : memref<100001x16xf32, #tpu.memory_space<hbm>> -> memref<100001x16xf32, #tpu.memory_space<hbm>>
    tpu.enqueue_indirect_dma source(%dma_start3A_246 : memref<100001x16xf32, #tpu.memory_space<hbm>>) target(%dma_start3A_240 : memref<128x16xf32, #tpu.memory_space<vmem>>) offsets(%dma_start3A_243 : memref<128xi32, #tpu.memory_space<vmem>>) semaphore(%arg14 : memref<!tpu.dma_semaphore, #tpu.memory_space<semaphore_mem>>)
    %dma_start3A_247 = arith.constant 1 : i32
    %dma_start3A_248 = arith.constant 128 : i32
    %dma_start3A_249 = arith.constant 0 : i32
    %dma_start3A_250 = tpu.memref_slice %arg8[%dma_start3A_248, %dma_start3A_249] : memref<1024x16xf32, #tpu.memory_space<vmem>> -> memref<128x16xf32, #tpu.memory_space<vmem>>
    %dma_start3A_251 = arith.constant 0 : i32
    %dma_start3A_252 = tpu.memref_slice %arg5[%dma_start3A_247, %dma_start3A_251] : memref<8x128xi32, #tpu.memory_space<vmem>> -> memref<1x128xi32, #tpu.memory_space<vmem>>
    %dma_start3A_253 = tpu.memref_squeeze %dma_start3A_252 : memref<1x128xi32, #tpu.memory_space<vmem>> -> memref<128xi32, #tpu.memory_space<vmem>>
    %dma_start3A_254 = arith.constant 0 : i32
    %dma_start3A_255 = arith.constant 0 : i32
    %dma_start3A_256 = tpu.memref_slice %arg2[%dma_start3A_254, %dma_start3A_255] : memref<100001x16xf32, #tpu.memory_space<hbm>> -> memref<100001x16xf32, #tpu.memory_space<hbm>>
    tpu.enqueue_indirect_dma source(%dma_start3A_256 : memref<100001x16xf32, #tpu.memory_space<hbm>>) target(%dma_start3A_250 : memref<128x16xf32, #tpu.memory_space<vmem>>) offsets(%dma_start3A_253 : memref<128xi32, #tpu.memory_space<vmem>>) semaphore(%arg14 : memref<!tpu.dma_semaphore, #tpu.memory_space<semaphore_mem>>)
    %dma_start3A_257 = arith.constant 2 : i32
    %dma_start3A_258 = arith.constant 256 : i32
    %dma_start3A_259 = arith.constant 0 : i32
    %dma_start3A_260 = tpu.memref_slice %arg8[%dma_start3A_258, %dma_start3A_259] : memref<1024x16xf32, #tpu.memory_space<vmem>> -> memref<128x16xf32, #tpu.memory_space<vmem>>
    %dma_start3A_261 = arith.constant 0 : i32
    %dma_start3A_262 = tpu.memref_slice %arg5[%dma_start3A_257, %dma_start3A_261] : memref<8x128xi32, #tpu.memory_space<vmem>> -> memref<1x128xi32, #tpu.memory_space<vmem>>
    %dma_start3A_263 = tpu.memref_squeeze %dma_start3A_262 : memref<1x128xi32, #tpu.memory_space<vmem>> -> memref<128xi32, #tpu.memory_space<vmem>>
    %dma_start3A_264 = arith.constant 0 : i32
    %dma_start3A_265 = arith.constant 0 : i32
    %dma_start3A_266 = tpu.memref_slice %arg2[%dma_start3A_264, %dma_start3A_265] : memref<100001x16xf32, #tpu.memory_space<hbm>> -> memref<100001x16xf32, #tpu.memory_space<hbm>>
    tpu.enqueue_indirect_dma source(%dma_start3A_266 : memref<100001x16xf32, #tpu.memory_space<hbm>>) target(%dma_start3A_260 : memref<128x16xf32, #tpu.memory_space<vmem>>) offsets(%dma_start3A_263 : memref<128xi32, #tpu.memory_space<vmem>>) semaphore(%arg14 : memref<!tpu.dma_semaphore, #tpu.memory_space<semaphore_mem>>)
    %dma_start3A_267 = arith.constant 3 : i32
    %dma_start3A_268 = arith.constant 384 : i32
    %dma_start3A_269 = arith.constant 0 : i32
    %dma_start3A_270 = tpu.memref_slice %arg8[%dma_start3A_268, %dma_start3A_269] : memref<1024x16xf32, #tpu.memory_space<vmem>> -> memref<128x16xf32, #tpu.memory_space<vmem>>
    %dma_start3A_271 = arith.constant 0 : i32
    %dma_start3A_272 = tpu.memref_slice %arg5[%dma_start3A_267, %dma_start3A_271] : memref<8x128xi32, #tpu.memory_space<vmem>> -> memref<1x128xi32, #tpu.memory_space<vmem>>
    %dma_start3A_273 = tpu.memref_squeeze %dma_start3A_272 : memref<1x128xi32, #tpu.memory_space<vmem>> -> memref<128xi32, #tpu.memory_space<vmem>>
    %dma_start3A_274 = arith.constant 0 : i32
    %dma_start3A_275 = arith.constant 0 : i32
    %dma_start3A_276 = tpu.memref_slice %arg2[%dma_start3A_274, %dma_start3A_275] : memref<100001x16xf32, #tpu.memory_space<hbm>> -> memref<100001x16xf32, #tpu.memory_space<hbm>>
    tpu.enqueue_indirect_dma source(%dma_start3A_276 : memref<100001x16xf32, #tpu.memory_space<hbm>>) target(%dma_start3A_270 : memref<128x16xf32, #tpu.memory_space<vmem>>) offsets(%dma_start3A_273 : memref<128xi32, #tpu.memory_space<vmem>>) semaphore(%arg14 : memref<!tpu.dma_semaphore, #tpu.memory_space<semaphore_mem>>)
    %dma_start3A_277 = arith.constant 4 : i32
    %dma_start3A_278 = arith.constant 512 : i32
    %dma_start3A_279 = arith.constant 0 : i32
    %dma_start3A_280 = tpu.memref_slice %arg8[%dma_start3A_278, %dma_start3A_279] : memref<1024x16xf32, #tpu.memory_space<vmem>> -> memref<128x16xf32, #tpu.memory_space<vmem>>
    %dma_start3A_281 = arith.constant 0 : i32
    %dma_start3A_282 = tpu.memref_slice %arg5[%dma_start3A_277, %dma_start3A_281] : memref<8x128xi32, #tpu.memory_space<vmem>> -> memref<1x128xi32, #tpu.memory_space<vmem>>
    %dma_start3A_283 = tpu.memref_squeeze %dma_start3A_282 : memref<1x128xi32, #tpu.memory_space<vmem>> -> memref<128xi32, #tpu.memory_space<vmem>>
    %dma_start3A_284 = arith.constant 0 : i32
    %dma_start3A_285 = arith.constant 0 : i32
    %dma_start3A_286 = tpu.memref_slice %arg2[%dma_start3A_284, %dma_start3A_285] : memref<100001x16xf32, #tpu.memory_space<hbm>> -> memref<100001x16xf32, #tpu.memory_space<hbm>>
    tpu.enqueue_indirect_dma source(%dma_start3A_286 : memref<100001x16xf32, #tpu.memory_space<hbm>>) target(%dma_start3A_280 : memref<128x16xf32, #tpu.memory_space<vmem>>) offsets(%dma_start3A_283 : memref<128xi32, #tpu.memory_space<vmem>>) semaphore(%arg14 : memref<!tpu.dma_semaphore, #tpu.memory_space<semaphore_mem>>)
    %dma_start3A_287 = arith.constant 5 : i32
    %dma_start3A_288 = arith.constant 640 : i32
    %dma_start3A_289 = arith.constant 0 : i32
    %dma_start3A_290 = tpu.memref_slice %arg8[%dma_start3A_288, %dma_start3A_289] : memref<1024x16xf32, #tpu.memory_space<vmem>> -> memref<128x16xf32, #tpu.memory_space<vmem>>
    %dma_start3A_291 = arith.constant 0 : i32
    %dma_start3A_292 = tpu.memref_slice %arg5[%dma_start3A_287, %dma_start3A_291] : memref<8x128xi32, #tpu.memory_space<vmem>> -> memref<1x128xi32, #tpu.memory_space<vmem>>
    %dma_start3A_293 = tpu.memref_squeeze %dma_start3A_292 : memref<1x128xi32, #tpu.memory_space<vmem>> -> memref<128xi32, #tpu.memory_space<vmem>>
    %dma_start3A_294 = arith.constant 0 : i32
    %dma_start3A_295 = arith.constant 0 : i32
    %dma_start3A_296 = tpu.memref_slice %arg2[%dma_start3A_294, %dma_start3A_295] : memref<100001x16xf32, #tpu.memory_space<hbm>> -> memref<100001x16xf32, #tpu.memory_space<hbm>>
    tpu.enqueue_indirect_dma source(%dma_start3A_296 : memref<100001x16xf32, #tpu.memory_space<hbm>>) target(%dma_start3A_290 : memref<128x16xf32, #tpu.memory_space<vmem>>) offsets(%dma_start3A_293 : memref<128xi32, #tpu.memory_space<vmem>>) semaphore(%arg14 : memref<!tpu.dma_semaphore, #tpu.memory_space<semaphore_mem>>)
    %dma_start3A_297 = arith.constant 6 : i32
    %dma_start3A_298 = arith.constant 768 : i32
    %dma_start3A_299 = arith.constant 0 : i32
    %dma_start3A_300 = tpu.memref_slice %arg8[%dma_start3A_298, %dma_start3A_299] : memref<1024x16xf32, #tpu.memory_space<vmem>> -> memref<128x16xf32, #tpu.memory_space<vmem>>
    %dma_start3A_301 = arith.constant 0 : i32
    %dma_start3A_302 = tpu.memref_slice %arg5[%dma_start3A_297, %dma_start3A_301] : memref<8x128xi32, #tpu.memory_space<vmem>> -> memref<1x128xi32, #tpu.memory_space<vmem>>
    %dma_start3A_303 = tpu.memref_squeeze %dma_start3A_302 : memref<1x128xi32, #tpu.memory_space<vmem>> -> memref<128xi32, #tpu.memory_space<vmem>>
    %dma_start3A_304 = arith.constant 0 : i32
    %dma_start3A_305 = arith.constant 0 : i32
    %dma_start3A_306 = tpu.memref_slice %arg2[%dma_start3A_304, %dma_start3A_305] : memref<100001x16xf32, #tpu.memory_space<hbm>> -> memref<100001x16xf32, #tpu.memory_space<hbm>>
    tpu.enqueue_indirect_dma source(%dma_start3A_306 : memref<100001x16xf32, #tpu.memory_space<hbm>>) target(%dma_start3A_300 : memref<128x16xf32, #tpu.memory_space<vmem>>) offsets(%dma_start3A_303 : memref<128xi32, #tpu.memory_space<vmem>>) semaphore(%arg14 : memref<!tpu.dma_semaphore, #tpu.memory_space<semaphore_mem>>)
    %dma_start3A_307 = arith.constant 7 : i32
    %dma_start3A_308 = arith.constant 896 : i32
    %dma_start3A_309 = arith.constant 0 : i32
    %dma_start3A_310 = tpu.memref_slice %arg8[%dma_start3A_308, %dma_start3A_309] : memref<1024x16xf32, #tpu.memory_space<vmem>> -> memref<128x16xf32, #tpu.memory_space<vmem>>
    %dma_start3A_311 = arith.constant 0 : i32
    %dma_start3A_312 = tpu.memref_slice %arg5[%dma_start3A_307, %dma_start3A_311] : memref<8x128xi32, #tpu.memory_space<vmem>> -> memref<1x128xi32, #tpu.memory_space<vmem>>
    %dma_start3A_313 = tpu.memref_squeeze %dma_start3A_312 : memref<1x128xi32, #tpu.memory_space<vmem>> -> memref<128xi32, #tpu.memory_space<vmem>>
    %dma_start3A_314 = arith.constant 0 : i32
    %dma_start3A_315 = arith.constant 0 : i32
    %dma_start3A_316 = tpu.memref_slice %arg2[%dma_start3A_314, %dma_start3A_315] : memref<100001x16xf32, #tpu.memory_space<hbm>> -> memref<100001x16xf32, #tpu.memory_space<hbm>>
    tpu.enqueue_indirect_dma source(%dma_start3A_316 : memref<100001x16xf32, #tpu.memory_space<hbm>>) target(%dma_start3A_310 : memref<128x16xf32, #tpu.memory_space<vmem>>) offsets(%dma_start3A_313 : memref<128xi32, #tpu.memory_space<vmem>>) semaphore(%arg14 : memref<!tpu.dma_semaphore, #tpu.memory_space<semaphore_mem>>)
    %add3A_317 = arith.constant 1 : i32
    %add3A_318 = arith.addi %mul3A_2, %add3A_317 : i32
    %jit3A_319 = arith.constant 25 : i32
    %div3A_320 = arith.divsi %add3A_318, %jit3A_319 : i32
    %sign3A_321 = arith.constant 0 : i32
    %sign3A_322 = arith.cmpi sgt, %add3A_318, %sign3A_321 : i32
    %sign3A_323 = arith.extui %sign3A_322 : i1 to i32
    %sign3A_324 = arith.constant 0 : i32
    %sign3A_325 = arith.cmpi slt, %add3A_318, %sign3A_324 : i32
    %sign3A_326 = arith.extui %sign3A_325 : i1 to i32
    %sign3A_327 = arith.subi %sign3A_323, %sign3A_326 : i32
    %sign3A_328 = arith.constant 0 : i32
    %sign3A_329 = arith.cmpi sgt, %jit3A_319, %sign3A_328 : i32
    %sign3A_330 = arith.extui %sign3A_329 : i1 to i32
    %sign3A_331 = arith.constant 0 : i32
    %sign3A_332 = arith.cmpi slt, %jit3A_319, %sign3A_331 : i32
    %sign3A_333 = arith.extui %sign3A_332 : i1 to i32
    %sign3A_334 = arith.subi %sign3A_330, %sign3A_333 : i32
    %ne3A_335 = arith.cmpi ne, %sign3A_327, %sign3A_334 : i32
    %rem3A_336 = arith.remsi %add3A_318, %jit3A_319 : i32
    %ne3A_337 = arith.constant 0 : i32
    %ne3A_338 = arith.cmpi ne, %rem3A_336, %ne3A_337 : i32
    %and3A_339 = arith.andi %ne3A_335, %ne3A_338 : i1
    %sub3A_340 = arith.constant 1 : i32
    %sub3A_341 = arith.subi %div3A_320, %sub3A_340 : i32
    %select_n3A_342 = arith.select %and3A_339, %sub3A_341, %div3A_320 : i32
    %jit3A_343 = arith.constant 25 : i32
    %eq3A_344 = arith.constant 0 : i32
    %eq3A_345 = arith.cmpi eq, %jit3A_343, %eq3A_344 : i32
    %jit3A_346 = arith.constant 1 : i32
    %select_n3A_347 = arith.select %eq3A_345, %jit3A_346, %jit3A_343 : i32
    %rem3A_348 = arith.remsi %add3A_318, %select_n3A_347 : i32
    %ne3A_349 = arith.constant 0 : i32
    %ne3A_350 = arith.cmpi ne, %rem3A_348, %ne3A_349 : i32
    %lt3A_351 = arith.constant 0 : i32
    %lt3A_352 = arith.cmpi slt, %rem3A_348, %lt3A_351 : i32
    %lt3A_353 = arith.constant 0 : i32
    %lt3A_354 = arith.cmpi slt, %select_n3A_347, %lt3A_353 : i32
    %ne3A_355 = arith.xori %lt3A_352, %lt3A_354 : i1
    %and3A_356 = arith.andi %ne3A_355, %ne3A_350 : i1
    %add3A_357 = arith.addi %rem3A_348, %select_n3A_347 : i32
    %select_n3A_358 = arith.select %and3A_356, %add3A_357, %rem3A_348 : i32
    %mul3A_359 = arith.constant 8 : i32
    %mul3A_360 = arith.muli %select_n3A_358, %mul3A_359 : i32
    %mul3A_361 = arith.constant 128 : i32
    %mul3A_362 = arith.muli %select_n3A_342, %mul3A_361 : i32
    %dma_wait3A_363 = tpu.memref_slice %arg3[%mul3A_360, %mul3A_362] : memref<200x16384xi32, #tpu.memory_space<hbm>> -> memref<8x128xi32, #tpu.memory_space<hbm>>
    %dma_wait3A_364 = tpu.memref_slice %arg3[%mul3A_360, %mul3A_362] : memref<200x16384xi32, #tpu.memory_space<hbm>> -> memref<8x128xi32, #tpu.memory_space<hbm>>
    tpu.wait_dma2 semaphore(%arg21 : memref<!tpu.dma_semaphore, #tpu.memory_space<semaphore_mem>>) src(%dma_wait3A_364 : memref<8x128xi32, #tpu.memory_space<hbm>>) dst(%arg6 : memref<8x128xi32, #tpu.memory_space<vmem>>)
    %dma_start3A_365 = arith.constant 0 : i32
    %dma_start3A_366 = arith.constant 0 : i32
    %dma_start3A_367 = arith.constant 0 : i32
    %dma_start3A_368 = tpu.memref_slice %arg9[%dma_start3A_366, %dma_start3A_367] : memref<1024x16xf32, #tpu.memory_space<vmem>> -> memref<128x16xf32, #tpu.memory_space<vmem>>
    %dma_start3A_369 = arith.constant 0 : i32
    %dma_start3A_370 = tpu.memref_slice %arg6[%dma_start3A_365, %dma_start3A_369] : memref<8x128xi32, #tpu.memory_space<vmem>> -> memref<1x128xi32, #tpu.memory_space<vmem>>
    %dma_start3A_371 = tpu.memref_squeeze %dma_start3A_370 : memref<1x128xi32, #tpu.memory_space<vmem>> -> memref<128xi32, #tpu.memory_space<vmem>>
    %dma_start3A_372 = arith.constant 0 : i32
    %dma_start3A_373 = arith.constant 0 : i32
    %dma_start3A_374 = tpu.memref_slice %arg2[%dma_start3A_372, %dma_start3A_373] : memref<100001x16xf32, #tpu.memory_space<hbm>> -> memref<100001x16xf32, #tpu.memory_space<hbm>>
    tpu.enqueue_indirect_dma source(%dma_start3A_374 : memref<100001x16xf32, #tpu.memory_space<hbm>>) target(%dma_start3A_368 : memref<128x16xf32, #tpu.memory_space<vmem>>) offsets(%dma_start3A_371 : memref<128xi32, #tpu.memory_space<vmem>>) semaphore(%arg15 : memref<!tpu.dma_semaphore, #tpu.memory_space<semaphore_mem>>)
    %dma_start3A_375 = arith.constant 1 : i32
    %dma_start3A_376 = arith.constant 128 : i32
    %dma_start3A_377 = arith.constant 0 : i32
    %dma_start3A_378 = tpu.memref_slice %arg9[%dma_start3A_376, %dma_start3A_377] : memref<1024x16xf32, #tpu.memory_space<vmem>> -> memref<128x16xf32, #tpu.memory_space<vmem>>
    %dma_start3A_379 = arith.constant 0 : i32
    %dma_start3A_380 = tpu.memref_slice %arg6[%dma_start3A_375, %dma_start3A_379] : memref<8x128xi32, #tpu.memory_space<vmem>> -> memref<1x128xi32, #tpu.memory_space<vmem>>
    %dma_start3A_381 = tpu.memref_squeeze %dma_start3A_380 : memref<1x128xi32, #tpu.memory_space<vmem>> -> memref<128xi32, #tpu.memory_space<vmem>>
    %dma_start3A_382 = arith.constant 0 : i32
    %dma_start3A_383 = arith.constant 0 : i32
    %dma_start3A_384 = tpu.memref_slice %arg2[%dma_start3A_382, %dma_start3A_383] : memref<100001x16xf32, #tpu.memory_space<hbm>> -> memref<100001x16xf32, #tpu.memory_space<hbm>>
    tpu.enqueue_indirect_dma source(%dma_start3A_384 : memref<100001x16xf32, #tpu.memory_space<hbm>>) target(%dma_start3A_378 : memref<128x16xf32, #tpu.memory_space<vmem>>) offsets(%dma_start3A_381 : memref<128xi32, #tpu.memory_space<vmem>>) semaphore(%arg15 : memref<!tpu.dma_semaphore, #tpu.memory_space<semaphore_mem>>)
    %dma_start3A_385 = arith.constant 2 : i32
    %dma_start3A_386 = arith.constant 256 : i32
    %dma_start3A_387 = arith.constant 0 : i32
    %dma_start3A_388 = tpu.memref_slice %arg9[%dma_start3A_386, %dma_start3A_387] : memref<1024x16xf32, #tpu.memory_space<vmem>> -> memref<128x16xf32, #tpu.memory_space<vmem>>
    %dma_start3A_389 = arith.constant 0 : i32
    %dma_start3A_390 = tpu.memref_slice %arg6[%dma_start3A_385, %dma_start3A_389] : memref<8x128xi32, #tpu.memory_space<vmem>> -> memref<1x128xi32, #tpu.memory_space<vmem>>
    %dma_start3A_391 = tpu.memref_squeeze %dma_start3A_390 : memref<1x128xi32, #tpu.memory_space<vmem>> -> memref<128xi32, #tpu.memory_space<vmem>>
    %dma_start3A_392 = arith.constant 0 : i32
    %dma_start3A_393 = arith.constant 0 : i32
    %dma_start3A_394 = tpu.memref_slice %arg2[%dma_start3A_392, %dma_start3A_393] : memref<100001x16xf32, #tpu.memory_space<hbm>> -> memref<100001x16xf32, #tpu.memory_space<hbm>>
    tpu.enqueue_indirect_dma source(%dma_start3A_394 : memref<100001x16xf32, #tpu.memory_space<hbm>>) target(%dma_start3A_388 : memref<128x16xf32, #tpu.memory_space<vmem>>) offsets(%dma_start3A_391 : memref<128xi32, #tpu.memory_space<vmem>>) semaphore(%arg15 : memref<!tpu.dma_semaphore, #tpu.memory_space<semaphore_mem>>)
    %dma_start3A_395 = arith.constant 3 : i32
    %dma_start3A_396 = arith.constant 384 : i32
    %dma_start3A_397 = arith.constant 0 : i32
    %dma_start3A_398 = tpu.memref_slice %arg9[%dma_start3A_396, %dma_start3A_397] : memref<1024x16xf32, #tpu.memory_space<vmem>> -> memref<128x16xf32, #tpu.memory_space<vmem>>
    %dma_start3A_399 = arith.constant 0 : i32
    %dma_start3A_400 = tpu.memref_slice %arg6[%dma_start3A_395, %dma_start3A_399] : memref<8x128xi32, #tpu.memory_space<vmem>> -> memref<1x128xi32, #tpu.memory_space<vmem>>
    %dma_start3A_401 = tpu.memref_squeeze %dma_start3A_400 : memref<1x128xi32, #tpu.memory_space<vmem>> -> memref<128xi32, #tpu.memory_space<vmem>>
    %dma_start3A_402 = arith.constant 0 : i32
    %dma_start3A_403 = arith.constant 0 : i32
    %dma_start3A_404 = tpu.memref_slice %arg2[%dma_start3A_402, %dma_start3A_403] : memref<100001x16xf32, #tpu.memory_space<hbm>> -> memref<100001x16xf32, #tpu.memory_space<hbm>>
    tpu.enqueue_indirect_dma source(%dma_start3A_404 : memref<100001x16xf32, #tpu.memory_space<hbm>>) target(%dma_start3A_398 : memref<128x16xf32, #tpu.memory_space<vmem>>) offsets(%dma_start3A_401 : memref<128xi32, #tpu.memory_space<vmem>>) semaphore(%arg15 : memref<!tpu.dma_semaphore, #tpu.memory_space<semaphore_mem>>)
    %dma_start3A_405 = arith.constant 4 : i32
    %dma_start3A_406 = arith.constant 512 : i32
    %dma_start3A_407 = arith.constant 0 : i32
    %dma_start3A_408 = tpu.memref_slice %arg9[%dma_start3A_406, %dma_start3A_407] : memref<1024x16xf32, #tpu.memory_space<vmem>> -> memref<128x16xf32, #tpu.memory_space<vmem>>
    %dma_start3A_409 = arith.constant 0 : i32
    %dma_start3A_410 = tpu.memref_slice %arg6[%dma_start3A_405, %dma_start3A_409] : memref<8x128xi32, #tpu.memory_space<vmem>> -> memref<1x128xi32, #tpu.memory_space<vmem>>
    %dma_start3A_411 = tpu.memref_squeeze %dma_start3A_410 : memref<1x128xi32, #tpu.memory_space<vmem>> -> memref<128xi32, #tpu.memory_space<vmem>>
    %dma_start3A_412 = arith.constant 0 : i32
    %dma_start3A_413 = arith.constant 0 : i32
    %dma_start3A_414 = tpu.memref_slice %arg2[%dma_start3A_412, %dma_start3A_413] : memref<100001x16xf32, #tpu.memory_space<hbm>> -> memref<100001x16xf32, #tpu.memory_space<hbm>>
    tpu.enqueue_indirect_dma source(%dma_start3A_414 : memref<100001x16xf32, #tpu.memory_space<hbm>>) target(%dma_start3A_408 : memref<128x16xf32, #tpu.memory_space<vmem>>) offsets(%dma_start3A_411 : memref<128xi32, #tpu.memory_space<vmem>>) semaphore(%arg15 : memref<!tpu.dma_semaphore, #tpu.memory_space<semaphore_mem>>)
    %dma_start3A_415 = arith.constant 5 : i32
    %dma_start3A_416 = arith.constant 640 : i32
    %dma_start3A_417 = arith.constant 0 : i32
    %dma_start3A_418 = tpu.memref_slice %arg9[%dma_start3A_416, %dma_start3A_417] : memref<1024x16xf32, #tpu.memory_space<vmem>> -> memref<128x16xf32, #tpu.memory_space<vmem>>
    %dma_start3A_419 = arith.constant 0 : i32
    %dma_start3A_420 = tpu.memref_slice %arg6[%dma_start3A_415, %dma_start3A_419] : memref<8x128xi32, #tpu.memory_space<vmem>> -> memref<1x128xi32, #tpu.memory_space<vmem>>
    %dma_start3A_421 = tpu.memref_squeeze %dma_start3A_420 : memref<1x128xi32, #tpu.memory_space<vmem>> -> memref<128xi32, #tpu.memory_space<vmem>>
    %dma_start3A_422 = arith.constant 0 : i32
    %dma_start3A_423 = arith.constant 0 : i32
    %dma_start3A_424 = tpu.memref_slice %arg2[%dma_start3A_422, %dma_start3A_423] : memref<100001x16xf32, #tpu.memory_space<hbm>> -> memref<100001x16xf32, #tpu.memory_space<hbm>>
    tpu.enqueue_indirect_dma source(%dma_start3A_424 : memref<100001x16xf32, #tpu.memory_space<hbm>>) target(%dma_start3A_418 : memref<128x16xf32, #tpu.memory_space<vmem>>) offsets(%dma_start3A_421 : memref<128xi32, #tpu.memory_space<vmem>>) semaphore(%arg15 : memref<!tpu.dma_semaphore, #tpu.memory_space<semaphore_mem>>)
    %dma_start3A_425 = arith.constant 6 : i32
    %dma_start3A_426 = arith.constant 768 : i32
    %dma_start3A_427 = arith.constant 0 : i32
    %dma_start3A_428 = tpu.memref_slice %arg9[%dma_start3A_426, %dma_start3A_427] : memref<1024x16xf32, #tpu.memory_space<vmem>> -> memref<128x16xf32, #tpu.memory_space<vmem>>
    %dma_start3A_429 = arith.constant 0 : i32
    %dma_start3A_430 = tpu.memref_slice %arg6[%dma_start3A_425, %dma_start3A_429] : memref<8x128xi32, #tpu.memory_space<vmem>> -> memref<1x128xi32, #tpu.memory_space<vmem>>
    %dma_start3A_431 = tpu.memref_squeeze %dma_start3A_430 : memref<1x128xi32, #tpu.memory_space<vmem>> -> memref<128xi32, #tpu.memory_space<vmem>>
    %dma_start3A_432 = arith.constant 0 : i32
    %dma_start3A_433 = arith.constant 0 : i32
    %dma_start3A_434 = tpu.memref_slice %arg2[%dma_start3A_432, %dma_start3A_433] : memref<100001x16xf32, #tpu.memory_space<hbm>> -> memref<100001x16xf32, #tpu.memory_space<hbm>>
    tpu.enqueue_indirect_dma source(%dma_start3A_434 : memref<100001x16xf32, #tpu.memory_space<hbm>>) target(%dma_start3A_428 : memref<128x16xf32, #tpu.memory_space<vmem>>) offsets(%dma_start3A_431 : memref<128xi32, #tpu.memory_space<vmem>>) semaphore(%arg15 : memref<!tpu.dma_semaphore, #tpu.memory_space<semaphore_mem>>)
    %dma_start3A_435 = arith.constant 7 : i32
    %dma_start3A_436 = arith.constant 896 : i32
    %dma_start3A_437 = arith.constant 0 : i32
    %dma_start3A_438 = tpu.memref_slice %arg9[%dma_start3A_436, %dma_start3A_437] : memref<1024x16xf32, #tpu.memory_space<vmem>> -> memref<128x16xf32, #tpu.memory_space<vmem>>
    %dma_start3A_439 = arith.constant 0 : i32
    %dma_start3A_440 = tpu.memref_slice %arg6[%dma_start3A_435, %dma_start3A_439] : memref<8x128xi32, #tpu.memory_space<vmem>> -> memref<1x128xi32, #tpu.memory_space<vmem>>
    %dma_start3A_441 = tpu.memref_squeeze %dma_start3A_440 : memref<1x128xi32, #tpu.memory_space<vmem>> -> memref<128xi32, #tpu.memory_space<vmem>>
    %dma_start3A_442 = arith.constant 0 : i32
    %dma_start3A_443 = arith.constant 0 : i32
    %dma_start3A_444 = tpu.memref_slice %arg2[%dma_start3A_442, %dma_start3A_443] : memref<100001x16xf32, #tpu.memory_space<hbm>> -> memref<100001x16xf32, #tpu.memory_space<hbm>>
    tpu.enqueue_indirect_dma source(%dma_start3A_444 : memref<100001x16xf32, #tpu.memory_space<hbm>>) target(%dma_start3A_438 : memref<128x16xf32, #tpu.memory_space<vmem>>) offsets(%dma_start3A_441 : memref<128xi32, #tpu.memory_space<vmem>>) semaphore(%arg15 : memref<!tpu.dma_semaphore, #tpu.memory_space<semaphore_mem>>)
    %scan3A = arith.constant 0 : i32
    %scan3A_445 = arith.constant 0 : i32
    %scan3A_446 = arith.constant 34 : i32
    %scan3A_447 = arith.addi %scan3A_445, %scan3A_446 : i32
    %scan3A_448 = arith.constant 1 : i32
    scf.for %scan3A_708 = %scan3A_445 to %scan3A_447 step %scan3A_448  : i32 {
      %mul3A_709 = arith.constant 3 : i32
      %mul3A_710 = arith.muli %mul3A_709, %scan3A_708 : i32
      %add3A_711 = arith.constant 0 : i32
      %add3A_712 = arith.addi %mul3A_710, %add3A_711 : i32
      %lt3A_713 = arith.constant 100 : i32
      %lt3A_714 = arith.cmpi slt, %add3A_712, %lt3A_713 : i32
      %convert_element_type3A = arith.extui %lt3A_714 : i1 to i32
      %cond3A = arith.constant 0 : i32
      %cond3A_715 = arith.cmpi ne, %convert_element_type3A, %cond3A : i32
      scf.if %cond3A_715 {
        %dma_wait3A_734 = arith.constant 0 : i32
        %dma_wait3A_735 = arith.constant 0 : i32
        %dma_wait3A_736 = tpu.memref_slice %arg2[%dma_wait3A_734, %dma_wait3A_735] : memref<100001x16xf32, #tpu.memory_space<hbm>> -> memref<1024x16xf32, #tpu.memory_space<hbm>>
        %dma_wait3A_737 = arith.constant 0 : i32
        %dma_wait3A_738 = arith.constant 0 : i32
        %dma_wait3A_739 = tpu.memref_slice %arg2[%dma_wait3A_737, %dma_wait3A_738] : memref<100001x16xf32, #tpu.memory_space<hbm>> -> memref<1024x16xf32, #tpu.memory_space<hbm>>
        tpu.wait_dma2 semaphore(%arg14 : memref<!tpu.dma_semaphore, #tpu.memory_space<semaphore_mem>>) src(%dma_wait3A_739 : memref<1024x16xf32, #tpu.memory_space<hbm>>) dst(%arg8 : memref<1024x16xf32, #tpu.memory_space<vmem>>)
        %add3A_740 = arith.constant 3 : i32
        %add3A_741 = arith.addi %add3A_712, %add3A_740 : i32
        %lt3A_742 = arith.constant 100 : i32
        %lt3A_743 = arith.cmpi slt, %add3A_741, %lt3A_742 : i32
        %convert_element_type3A_744 = arith.extui %lt3A_743 : i1 to i32
        %cond3A_745 = arith.constant 0 : i32
        %cond3A_746 = arith.cmpi ne, %convert_element_type3A_744, %cond3A_745 : i32
        scf.if %cond3A_746 {
          %add3A_849 = arith.constant 3 : i32
          %add3A_850 = arith.addi %add3A_712, %add3A_849 : i32
          %add3A_851 = arith.addi %mul3A_2, %add3A_850 : i32
          %jit3A_852 = arith.constant 25 : i32
          %div3A_853 = arith.divsi %add3A_851, %jit3A_852 : i32
          %sign3A_854 = arith.constant 0 : i32
          %sign3A_855 = arith.cmpi sgt, %add3A_851, %sign3A_854 : i32
          %sign3A_856 = arith.extui %sign3A_855 : i1 to i32
          %sign3A_857 = arith.constant 0 : i32
          %sign3A_858 = arith.cmpi slt, %add3A_851, %sign3A_857 : i32
          %sign3A_859 = arith.extui %sign3A_858 : i1 to i32
          %sign3A_860 = arith.subi %sign3A_856, %sign3A_859 : i32
          %sign3A_861 = arith.constant 0 : i32
          %sign3A_862 = arith.cmpi sgt, %jit3A_852, %sign3A_861 : i32
          %sign3A_863 = arith.extui %sign3A_862 : i1 to i32
          %sign3A_864 = arith.constant 0 : i32
          %sign3A_865 = arith.cmpi slt, %jit3A_852, %sign3A_864 : i32
          %sign3A_866 = arith.extui %sign3A_865 : i1 to i32
          %sign3A_867 = arith.subi %sign3A_863, %sign3A_866 : i32
          %ne3A_868 = arith.cmpi ne, %sign3A_860, %sign3A_867 : i32
          %rem3A_869 = arith.remsi %add3A_851, %jit3A_852 : i32
          %ne3A_870 = arith.constant 0 : i32
          %ne3A_871 = arith.cmpi ne, %rem3A_869, %ne3A_870 : i32
          %and3A_872 = arith.andi %ne3A_868, %ne3A_871 : i1
          %sub3A_873 = arith.constant 1 : i32
          %sub3A_874 = arith.subi %div3A_853, %sub3A_873 : i32
          %select_n3A_875 = arith.select %and3A_872, %sub3A_874, %div3A_853 : i32
          %jit3A_876 = arith.constant 25 : i32
          %eq3A_877 = arith.constant 0 : i32
          %eq3A_878 = arith.cmpi eq, %jit3A_876, %eq3A_877 : i32
          %jit3A_879 = arith.constant 1 : i32
          %select_n3A_880 = arith.select %eq3A_878, %jit3A_879, %jit3A_876 : i32
          %rem3A_881 = arith.remsi %add3A_851, %select_n3A_880 : i32
          %ne3A_882 = arith.constant 0 : i32
          %ne3A_883 = arith.cmpi ne, %rem3A_881, %ne3A_882 : i32
          %lt3A_884 = arith.constant 0 : i32
          %lt3A_885 = arith.cmpi slt, %rem3A_881, %lt3A_884 : i32
          %lt3A_886 = arith.constant 0 : i32
          %lt3A_887 = arith.cmpi slt, %select_n3A_880, %lt3A_886 : i32
          %ne3A_888 = arith.xori %lt3A_885, %lt3A_887 : i1
          %and3A_889 = arith.andi %ne3A_888, %ne3A_883 : i1
          %add3A_890 = arith.addi %rem3A_881, %select_n3A_880 : i32
          %select_n3A_891 = arith.select %and3A_889, %add3A_890, %rem3A_881 : i32
          %mul3A_892 = arith.constant 8 : i32
          %mul3A_893 = arith.muli %select_n3A_891, %mul3A_892 : i32
          %mul3A_894 = arith.constant 128 : i32
          %mul3A_895 = arith.muli %select_n3A_875, %mul3A_894 : i32
          %dma_start3A_896 = tpu.memref_slice %arg3[%mul3A_893, %mul3A_895] : memref<200x16384xi32, #tpu.memory_space<hbm>> -> memref<8x128xi32, #tpu.memory_space<hbm>>
          %dma_start3A_897 = tpu.memref_slice %arg3[%mul3A_893, %mul3A_895] : memref<200x16384xi32, #tpu.memory_space<hbm>> -> memref<8x128xi32, #tpu.memory_space<hbm>>
          tpu.enqueue_dma source(%dma_start3A_897 : memref<8x128xi32, #tpu.memory_space<hbm>>) target(%arg5 : memref<8x128xi32, #tpu.memory_space<vmem>>) target_semaphore(%arg20 : memref<!tpu.dma_semaphore, #tpu.memory_space<semaphore_mem>>)
        } else {
        }
        %add3A_747 = arith.constant 2 : i32
        %add3A_748 = arith.addi %add3A_712, %add3A_747 : i32
        %lt3A_749 = arith.constant 100 : i32
        %lt3A_750 = arith.cmpi slt, %add3A_748, %lt3A_749 : i32
        %convert_element_type3A_751 = arith.extui %lt3A_750 : i1 to i32
        %cond3A_752 = arith.constant 0 : i32
        %cond3A_753 = arith.cmpi ne, %convert_element_type3A_751, %cond3A_752 : i32
        scf.if %cond3A_753 {
          %add3A_849 = arith.constant 2 : i32
          %add3A_850 = arith.addi %add3A_712, %add3A_849 : i32
          %add3A_851 = arith.addi %mul3A_2, %add3A_850 : i32
          %jit3A_852 = arith.constant 25 : i32
          %div3A_853 = arith.divsi %add3A_851, %jit3A_852 : i32
          %sign3A_854 = arith.constant 0 : i32
          %sign3A_855 = arith.cmpi sgt, %add3A_851, %sign3A_854 : i32
          %sign3A_856 = arith.extui %sign3A_855 : i1 to i32
          %sign3A_857 = arith.constant 0 : i32
          %sign3A_858 = arith.cmpi slt, %add3A_851, %sign3A_857 : i32
          %sign3A_859 = arith.extui %sign3A_858 : i1 to i32
          %sign3A_860 = arith.subi %sign3A_856, %sign3A_859 : i32
          %sign3A_861 = arith.constant 0 : i32
          %sign3A_862 = arith.cmpi sgt, %jit3A_852, %sign3A_861 : i32
          %sign3A_863 = arith.extui %sign3A_862 : i1 to i32
          %sign3A_864 = arith.constant 0 : i32
          %sign3A_865 = arith.cmpi slt, %jit3A_852, %sign3A_864 : i32
          %sign3A_866 = arith.extui %sign3A_865 : i1 to i32
          %sign3A_867 = arith.subi %sign3A_863, %sign3A_866 : i32
          %ne3A_868 = arith.cmpi ne, %sign3A_860, %sign3A_867 : i32
          %rem3A_869 = arith.remsi %add3A_851, %jit3A_852 : i32
          %ne3A_870 = arith.constant 0 : i32
          %ne3A_871 = arith.cmpi ne, %rem3A_869, %ne3A_870 : i32
          %and3A_872 = arith.andi %ne3A_868, %ne3A_871 : i1
          %sub3A_873 = arith.constant 1 : i32
          %sub3A_874 = arith.subi %div3A_853, %sub3A_873 : i32
          %select_n3A_875 = arith.select %and3A_872, %sub3A_874, %div3A_853 : i32
          %jit3A_876 = arith.constant 25 : i32
          %eq3A_877 = arith.constant 0 : i32
          %eq3A_878 = arith.cmpi eq, %jit3A_876, %eq3A_877 : i32
          %jit3A_879 = arith.constant 1 : i32
          %select_n3A_880 = arith.select %eq3A_878, %jit3A_879, %jit3A_876 : i32
          %rem3A_881 = arith.remsi %add3A_851, %select_n3A_880 : i32
          %ne3A_882 = arith.constant 0 : i32
          %ne3A_883 = arith.cmpi ne, %rem3A_881, %ne3A_882 : i32
          %lt3A_884 = arith.constant 0 : i32
          %lt3A_885 = arith.cmpi slt, %rem3A_881, %lt3A_884 : i32
          %lt3A_886 = arith.constant 0 : i32
          %lt3A_887 = arith.cmpi slt, %select_n3A_880, %lt3A_886 : i32
          %ne3A_888 = arith.xori %lt3A_885, %lt3A_887 : i1
          %and3A_889 = arith.andi %ne3A_888, %ne3A_883 : i1
          %add3A_890 = arith.addi %rem3A_881, %select_n3A_880 : i32
          %select_n3A_891 = arith.select %and3A_889, %add3A_890, %rem3A_881 : i32
          %mul3A_892 = arith.constant 8 : i32
          %mul3A_893 = arith.muli %select_n3A_891, %mul3A_892 : i32
          %mul3A_894 = arith.constant 128 : i32
          %mul3A_895 = arith.muli %select_n3A_875, %mul3A_894 : i32
          %dma_wait3A_896 = tpu.memref_slice %arg3[%mul3A_893, %mul3A_895] : memref<200x16384xi32, #tpu.memory_space<hbm>> -> memref<8x128xi32, #tpu.memory_space<hbm>>
          %dma_wait3A_897 = tpu.memref_slice %arg3[%mul3A_893, %mul3A_895] : memref<200x16384xi32, #tpu.memory_space<hbm>> -> memref<8x128xi32, #tpu.memory_space<hbm>>
          tpu.wait_dma2 semaphore(%arg22 : memref<!tpu.dma_semaphore, #tpu.memory_space<semaphore_mem>>) src(%dma_wait3A_897 : memref<8x128xi32, #tpu.memory_space<hbm>>) dst(%arg7 : memref<8x128xi32, #tpu.memory_space<vmem>>)
          %dma_start3A_898 = arith.constant 0 : i32
          %dma_start3A_899 = arith.constant 0 : i32
          %dma_start3A_900 = arith.constant 0 : i32
          %dma_start3A_901 = tpu.memref_slice %arg10[%dma_start3A_899, %dma_start3A_900] : memref<1024x16xf32, #tpu.memory_space<vmem>> -> memref<128x16xf32, #tpu.memory_space<vmem>>
          %dma_start3A_902 = arith.constant 0 : i32
          %dma_start3A_903 = tpu.memref_slice %arg7[%dma_start3A_898, %dma_start3A_902] : memref<8x128xi32, #tpu.memory_space<vmem>> -> memref<1x128xi32, #tpu.memory_space<vmem>>
          %dma_start3A_904 = tpu.memref_squeeze %dma_start3A_903 : memref<1x128xi32, #tpu.memory_space<vmem>> -> memref<128xi32, #tpu.memory_space<vmem>>
          %dma_start3A_905 = arith.constant 0 : i32
          %dma_start3A_906 = arith.constant 0 : i32
          %dma_start3A_907 = tpu.memref_slice %arg2[%dma_start3A_905, %dma_start3A_906] : memref<100001x16xf32, #tpu.memory_space<hbm>> -> memref<100001x16xf32, #tpu.memory_space<hbm>>
          tpu.enqueue_indirect_dma source(%dma_start3A_907 : memref<100001x16xf32, #tpu.memory_space<hbm>>) target(%dma_start3A_901 : memref<128x16xf32, #tpu.memory_space<vmem>>) offsets(%dma_start3A_904 : memref<128xi32, #tpu.memory_space<vmem>>) semaphore(%arg16 : memref<!tpu.dma_semaphore, #tpu.memory_space<semaphore_mem>>)
          %dma_start3A_908 = arith.constant 1 : i32
          %dma_start3A_909 = arith.constant 128 : i32
          %dma_start3A_910 = arith.constant 0 : i32
          %dma_start3A_911 = tpu.memref_slice %arg10[%dma_start3A_909, %dma_start3A_910] : memref<1024x16xf32, #tpu.memory_space<vmem>> -> memref<128x16xf32, #tpu.memory_space<vmem>>
          %dma_start3A_912 = arith.constant 0 : i32
          %dma_start3A_913 = tpu.memref_slice %arg7[%dma_start3A_908, %dma_start3A_912] : memref<8x128xi32, #tpu.memory_space<vmem>> -> memref<1x128xi32, #tpu.memory_space<vmem>>
          %dma_start3A_914 = tpu.memref_squeeze %dma_start3A_913 : memref<1x128xi32, #tpu.memory_space<vmem>> -> memref<128xi32, #tpu.memory_space<vmem>>
          %dma_start3A_915 = arith.constant 0 : i32
          %dma_start3A_916 = arith.constant 0 : i32
          %dma_start3A_917 = tpu.memref_slice %arg2[%dma_start3A_915, %dma_start3A_916] : memref<100001x16xf32, #tpu.memory_space<hbm>> -> memref<100001x16xf32, #tpu.memory_space<hbm>>
          tpu.enqueue_indirect_dma source(%dma_start3A_917 : memref<100001x16xf32, #tpu.memory_space<hbm>>) target(%dma_start3A_911 : memref<128x16xf32, #tpu.memory_space<vmem>>) offsets(%dma_start3A_914 : memref<128xi32, #tpu.memory_space<vmem>>) semaphore(%arg16 : memref<!tpu.dma_semaphore, #tpu.memory_space<semaphore_mem>>)
          %dma_start3A_918 = arith.constant 2 : i32
          %dma_start3A_919 = arith.constant 256 : i32
          %dma_start3A_920 = arith.constant 0 : i32
          %dma_start3A_921 = tpu.memref_slice %arg10[%dma_start3A_919, %dma_start3A_920] : memref<1024x16xf32, #tpu.memory_space<vmem>> -> memref<128x16xf32, #tpu.memory_space<vmem>>
          %dma_start3A_922 = arith.constant 0 : i32
          %dma_start3A_923 = tpu.memref_slice %arg7[%dma_start3A_918, %dma_start3A_922] : memref<8x128xi32, #tpu.memory_space<vmem>> -> memref<1x128xi32, #tpu.memory_space<vmem>>
          %dma_start3A_924 = tpu.memref_squeeze %dma_start3A_923 : memref<1x128xi32, #tpu.memory_space<vmem>> -> memref<128xi32, #tpu.memory_space<vmem>>
          %dma_start3A_925 = arith.constant 0 : i32
          %dma_start3A_926 = arith.constant 0 : i32
          %dma_start3A_927 = tpu.memref_slice %arg2[%dma_start3A_925, %dma_start3A_926] : memref<100001x16xf32, #tpu.memory_space<hbm>> -> memref<100001x16xf32, #tpu.memory_space<hbm>>
          tpu.enqueue_indirect_dma source(%dma_start3A_927 : memref<100001x16xf32, #tpu.memory_space<hbm>>) target(%dma_start3A_921 : memref<128x16xf32, #tpu.memory_space<vmem>>) offsets(%dma_start3A_924 : memref<128xi32, #tpu.memory_space<vmem>>) semaphore(%arg16 : memref<!tpu.dma_semaphore, #tpu.memory_space<semaphore_mem>>)
          %dma_start3A_928 = arith.constant 3 : i32
          %dma_start3A_929 = arith.constant 384 : i32
          %dma_start3A_930 = arith.constant 0 : i32
          %dma_start3A_931 = tpu.memref_slice %arg10[%dma_start3A_929, %dma_start3A_930] : memref<1024x16xf32, #tpu.memory_space<vmem>> -> memref<128x16xf32, #tpu.memory_space<vmem>>
          %dma_start3A_932 = arith.constant 0 : i32
          %dma_start3A_933 = tpu.memref_slice %arg7[%dma_start3A_928, %dma_start3A_932] : memref<8x128xi32, #tpu.memory_space<vmem>> -> memref<1x128xi32, #tpu.memory_space<vmem>>
          %dma_start3A_934 = tpu.memref_squeeze %dma_start3A_933 : memref<1x128xi32, #tpu.memory_space<vmem>> -> memref<128xi32, #tpu.memory_space<vmem>>
          %dma_start3A_935 = arith.constant 0 : i32
          %dma_start3A_936 = arith.constant 0 : i32
          %dma_start3A_937 = tpu.memref_slice %arg2[%dma_start3A_935, %dma_start3A_936] : memref<100001x16xf32, #tpu.memory_space<hbm>> -> memref<100001x16xf32, #tpu.memory_space<hbm>>
          tpu.enqueue_indirect_dma source(%dma_start3A_937 : memref<100001x16xf32, #tpu.memory_space<hbm>>) target(%dma_start3A_931 : memref<128x16xf32, #tpu.memory_space<vmem>>) offsets(%dma_start3A_934 : memref<128xi32, #tpu.memory_space<vmem>>) semaphore(%arg16 : memref<!tpu.dma_semaphore, #tpu.memory_space<semaphore_mem>>)
          %dma_start3A_938 = arith.constant 4 : i32
          %dma_start3A_939 = arith.constant 512 : i32
          %dma_start3A_940 = arith.constant 0 : i32
          %dma_start3A_941 = tpu.memref_slice %arg10[%dma_start3A_939, %dma_start3A_940] : memref<1024x16xf32, #tpu.memory_space<vmem>> -> memref<128x16xf32, #tpu.memory_space<vmem>>
          %dma_start3A_942 = arith.constant 0 : i32
          %dma_start3A_943 = tpu.memref_slice %arg7[%dma_start3A_938, %dma_start3A_942] : memref<8x128xi32, #tpu.memory_space<vmem>> -> memref<1x128xi32, #tpu.memory_space<vmem>>
          %dma_start3A_944 = tpu.memref_squeeze %dma_start3A_943 : memref<1x128xi32, #tpu.memory_space<vmem>> -> memref<128xi32, #tpu.memory_space<vmem>>
          %dma_start3A_945 = arith.constant 0 : i32
          %dma_start3A_946 = arith.constant 0 : i32
          %dma_start3A_947 = tpu.memref_slice %arg2[%dma_start3A_945, %dma_start3A_946] : memref<100001x16xf32, #tpu.memory_space<hbm>> -> memref<100001x16xf32, #tpu.memory_space<hbm>>
          tpu.enqueue_indirect_dma source(%dma_start3A_947 : memref<100001x16xf32, #tpu.memory_space<hbm>>) target(%dma_start3A_941 : memref<128x16xf32, #tpu.memory_space<vmem>>) offsets(%dma_start3A_944 : memref<128xi32, #tpu.memory_space<vmem>>) semaphore(%arg16 : memref<!tpu.dma_semaphore, #tpu.memory_space<semaphore_mem>>)
          %dma_start3A_948 = arith.constant 5 : i32
          %dma_start3A_949 = arith.constant 640 : i32
          %dma_start3A_950 = arith.constant 0 : i32
          %dma_start3A_951 = tpu.memref_slice %arg10[%dma_start3A_949, %dma_start3A_950] : memref<1024x16xf32, #tpu.memory_space<vmem>> -> memref<128x16xf32, #tpu.memory_space<vmem>>
          %dma_start3A_952 = arith.constant 0 : i32
          %dma_start3A_953 = tpu.memref_slice %arg7[%dma_start3A_948, %dma_start3A_952] : memref<8x128xi32, #tpu.memory_space<vmem>> -> memref<1x128xi32, #tpu.memory_space<vmem>>
          %dma_start3A_954 = tpu.memref_squeeze %dma_start3A_953 : memref<1x128xi32, #tpu.memory_space<vmem>> -> memref<128xi32, #tpu.memory_space<vmem>>
          %dma_start3A_955 = arith.constant 0 : i32
          %dma_start3A_956 = arith.constant 0 : i32
          %dma_start3A_957 = tpu.memref_slice %arg2[%dma_start3A_955, %dma_start3A_956] : memref<100001x16xf32, #tpu.memory_space<hbm>> -> memref<100001x16xf32, #tpu.memory_space<hbm>>
          tpu.enqueue_indirect_dma source(%dma_start3A_957 : memref<100001x16xf32, #tpu.memory_space<hbm>>) target(%dma_start3A_951 : memref<128x16xf32, #tpu.memory_space<vmem>>) offsets(%dma_start3A_954 : memref<128xi32, #tpu.memory_space<vmem>>) semaphore(%arg16 : memref<!tpu.dma_semaphore, #tpu.memory_space<semaphore_mem>>)
          %dma_start3A_958 = arith.constant 6 : i32
          %dma_start3A_959 = arith.constant 768 : i32
          %dma_start3A_960 = arith.constant 0 : i32
          %dma_start3A_961 = tpu.memref_slice %arg10[%dma_start3A_959, %dma_start3A_960] : memref<1024x16xf32, #tpu.memory_space<vmem>> -> memref<128x16xf32, #tpu.memory_space<vmem>>
          %dma_start3A_962 = arith.constant 0 : i32
          %dma_start3A_963 = tpu.memref_slice %arg7[%dma_start3A_958, %dma_start3A_962] : memref<8x128xi32, #tpu.memory_space<vmem>> -> memref<1x128xi32, #tpu.memory_space<vmem>>
          %dma_start3A_964 = tpu.memref_squeeze %dma_start3A_963 : memref<1x128xi32, #tpu.memory_space<vmem>> -> memref<128xi32, #tpu.memory_space<vmem>>
          %dma_start3A_965 = arith.constant 0 : i32
          %dma_start3A_966 = arith.constant 0 : i32
          %dma_start3A_967 = tpu.memref_slice %arg2[%dma_start3A_965, %dma_start3A_966] : memref<100001x16xf32, #tpu.memory_space<hbm>> -> memref<100001x16xf32, #tpu.memory_space<hbm>>
          tpu.enqueue_indirect_dma source(%dma_start3A_967 : memref<100001x16xf32, #tpu.memory_space<hbm>>) target(%dma_start3A_961 : memref<128x16xf32, #tpu.memory_space<vmem>>) offsets(%dma_start3A_964 : memref<128xi32, #tpu.memory_space<vmem>>) semaphore(%arg16 : memref<!tpu.dma_semaphore, #tpu.memory_space<semaphore_mem>>)
          %dma_start3A_968 = arith.constant 7 : i32
          %dma_start3A_969 = arith.constant 896 : i32
          %dma_start3A_970 = arith.constant 0 : i32
          %dma_start3A_971 = tpu.memref_slice %arg10[%dma_start3A_969, %dma_start3A_970] : memref<1024x16xf32, #tpu.memory_space<vmem>> -> memref<128x16xf32, #tpu.memory_space<vmem>>
          %dma_start3A_972 = arith.constant 0 : i32
          %dma_start3A_973 = tpu.memref_slice %arg7[%dma_start3A_968, %dma_start3A_972] : memref<8x128xi32, #tpu.memory_space<vmem>> -> memref<1x128xi32, #tpu.memory_space<vmem>>
          %dma_start3A_974 = tpu.memref_squeeze %dma_start3A_973 : memref<1x128xi32, #tpu.memory_space<vmem>> -> memref<128xi32, #tpu.memory_space<vmem>>
          %dma_start3A_975 = arith.constant 0 : i32
          %dma_start3A_976 = arith.constant 0 : i32
          %dma_start3A_977 = tpu.memref_slice %arg2[%dma_start3A_975, %dma_start3A_976] : memref<100001x16xf32, #tpu.memory_space<hbm>> -> memref<100001x16xf32, #tpu.memory_space<hbm>>
          tpu.enqueue_indirect_dma source(%dma_start3A_977 : memref<100001x16xf32, #tpu.memory_space<hbm>>) target(%dma_start3A_971 : memref<128x16xf32, #tpu.memory_space<vmem>>) offsets(%dma_start3A_974 : memref<128xi32, #tpu.memory_space<vmem>>) semaphore(%arg16 : memref<!tpu.dma_semaphore, #tpu.memory_space<semaphore_mem>>)
        } else {
        }
        %ge3A = arith.constant 3 : i32
        %ge3A_754 = arith.cmpi sge, %add3A_712, %ge3A : i32
        %convert_element_type3A_755 = arith.extui %ge3A_754 : i1 to i32
        %cond3A_756 = arith.constant 0 : i32
        %cond3A_757 = arith.cmpi ne, %convert_element_type3A_755, %cond3A_756 : i32
        scf.if %cond3A_757 {
          %sub3A_849 = arith.constant 3 : i32
          %sub3A_850 = arith.subi %add3A_712, %sub3A_849 : i32
          %add3A_851 = arith.addi %mul3A_2, %sub3A_850 : i32
          %jit3A_852 = arith.constant 25 : i32
          %div3A_853 = arith.divsi %add3A_851, %jit3A_852 : i32
          %sign3A_854 = arith.constant 0 : i32
          %sign3A_855 = arith.cmpi sgt, %add3A_851, %sign3A_854 : i32
          %sign3A_856 = arith.extui %sign3A_855 : i1 to i32
          %sign3A_857 = arith.constant 0 : i32
          %sign3A_858 = arith.cmpi slt, %add3A_851, %sign3A_857 : i32
          %sign3A_859 = arith.extui %sign3A_858 : i1 to i32
          %sign3A_860 = arith.subi %sign3A_856, %sign3A_859 : i32
          %sign3A_861 = arith.constant 0 : i32
          %sign3A_862 = arith.cmpi sgt, %jit3A_852, %sign3A_861 : i32
          %sign3A_863 = arith.extui %sign3A_862 : i1 to i32
          %sign3A_864 = arith.constant 0 : i32
          %sign3A_865 = arith.cmpi slt, %jit3A_852, %sign3A_864 : i32
          %sign3A_866 = arith.extui %sign3A_865 : i1 to i32
          %sign3A_867 = arith.subi %sign3A_863, %sign3A_866 : i32
          %ne3A_868 = arith.cmpi ne, %sign3A_860, %sign3A_867 : i32
          %rem3A_869 = arith.remsi %add3A_851, %jit3A_852 : i32
          %ne3A_870 = arith.constant 0 : i32
          %ne3A_871 = arith.cmpi ne, %rem3A_869, %ne3A_870 : i32
          %and3A_872 = arith.andi %ne3A_868, %ne3A_871 : i1
          %sub3A_873 = arith.constant 1 : i32
          %sub3A_874 = arith.subi %div3A_853, %sub3A_873 : i32
          %select_n3A_875 = arith.select %and3A_872, %sub3A_874, %div3A_853 : i32
          %jit3A_876 = arith.constant 25 : i32
          %eq3A_877 = arith.constant 0 : i32
          %eq3A_878 = arith.cmpi eq, %jit3A_876, %eq3A_877 : i32
          %jit3A_879 = arith.constant 1 : i32
          %select_n3A_880 = arith.select %eq3A_878, %jit3A_879, %jit3A_876 : i32
          %rem3A_881 = arith.remsi %add3A_851, %select_n3A_880 : i32
          %ne3A_882 = arith.constant 0 : i32
          %ne3A_883 = arith.cmpi ne, %rem3A_881, %ne3A_882 : i32
          %lt3A_884 = arith.constant 0 : i32
          %lt3A_885 = arith.cmpi slt, %rem3A_881, %lt3A_884 : i32
          %lt3A_886 = arith.constant 0 : i32
          %lt3A_887 = arith.cmpi slt, %select_n3A_880, %lt3A_886 : i32
          %ne3A_888 = arith.xori %lt3A_885, %lt3A_887 : i1
          %and3A_889 = arith.andi %ne3A_888, %ne3A_883 : i1
          %add3A_890 = arith.addi %rem3A_881, %select_n3A_880 : i32
          %select_n3A_891 = arith.select %and3A_889, %add3A_890, %rem3A_881 : i32
          %mul3A_892 = arith.constant 8 : i32
          %mul3A_893 = arith.muli %select_n3A_891, %mul3A_892 : i32
          %mul3A_894 = arith.constant 8 : i32
          %mul3A_895 = arith.muli %select_n3A_891, %mul3A_894 : i32
          %dma_wait3A_896 = arith.constant 0 : i32
          %dma_wait3A_897 = arith.constant 0 : i32
          %dma_wait3A_898 = arith.constant 0 : i32
          %dma_wait3A_899 = arith.constant 0 : i32
          %dma_wait3A_900 = arith.constant 0 : i32
          %dma_wait3A_901 = tpu.memref_slice %arg11[%dma_wait3A_896, %dma_wait3A_897, %dma_wait3A_898, %dma_wait3A_899, %dma_wait3A_900] : memref<8x2x1x8x129xf32, #tpu.memory_space<vmem>> -> memref<8x1x1x8x128xf32, #tpu.memory_space<vmem>>
          %dma_wait3A_902 = arith.constant 0 : i32
          %dma_wait3A_903 = arith.constant 0 : i32
          %dma_wait3A_904 = arith.constant 0 : i32
          %dma_wait3A_905 = tpu.memref_slice %arg4[%mul3A_893, %dma_wait3A_902, %select_n3A_875, %dma_wait3A_903, %dma_wait3A_904] : memref<200x2x128x8x128xf32, #tpu.memory_space<hbm>> -> memref<8x1x1x8x128xf32, #tpu.memory_space<hbm>>
          %dma_wait3A_906 = arith.constant 0 : i32
          %dma_wait3A_907 = arith.constant 0 : i32
          %dma_wait3A_908 = arith.constant 0 : i32
          %dma_wait3A_909 = tpu.memref_slice %arg4[%mul3A_893, %dma_wait3A_906, %select_n3A_875, %dma_wait3A_907, %dma_wait3A_908] : memref<200x2x128x8x128xf32, #tpu.memory_space<hbm>> -> memref<8x1x1x8x128xf32, #tpu.memory_space<hbm>>
          %dma_wait3A_910 = arith.constant 0 : i32
          %dma_wait3A_911 = arith.constant 0 : i32
          %dma_wait3A_912 = arith.constant 0 : i32
          %dma_wait3A_913 = arith.constant 0 : i32
          %dma_wait3A_914 = arith.constant 0 : i32
          %dma_wait3A_915 = tpu.memref_slice %arg11[%dma_wait3A_910, %dma_wait3A_911, %dma_wait3A_912, %dma_wait3A_913, %dma_wait3A_914] : memref<8x2x1x8x129xf32, #tpu.memory_space<vmem>> -> memref<8x1x1x8x128xf32, #tpu.memory_space<vmem>>
          tpu.wait_dma2 semaphore(%arg17 : memref<!tpu.dma_semaphore, #tpu.memory_space<semaphore_mem>>) src(%dma_wait3A_915 : memref<8x1x1x8x128xf32, #tpu.memory_space<vmem>>) dst(%dma_wait3A_909 : memref<8x1x1x8x128xf32, #tpu.memory_space<hbm>>)
          %dma_wait3A_916 = arith.constant 0 : i32
          %dma_wait3A_917 = arith.constant 1 : i32
          %dma_wait3A_918 = arith.constant 0 : i32
          %dma_wait3A_919 = arith.constant 0 : i32
          %dma_wait3A_920 = arith.constant 0 : i32
          %dma_wait3A_921 = tpu.memref_slice %arg11[%dma_wait3A_916, %dma_wait3A_917, %dma_wait3A_918, %dma_wait3A_919, %dma_wait3A_920] : memref<8x2x1x8x129xf32, #tpu.memory_space<vmem>> -> memref<8x1x1x8x128xf32, #tpu.memory_space<vmem>>
          %dma_wait3A_922 = arith.constant 1 : i32
          %dma_wait3A_923 = arith.constant 0 : i32
          %dma_wait3A_924 = arith.constant 0 : i32
          %dma_wait3A_925 = tpu.memref_slice %arg4[%mul3A_895, %dma_wait3A_922, %select_n3A_875, %dma_wait3A_923, %dma_wait3A_924] : memref<200x2x128x8x128xf32, #tpu.memory_space<hbm>> -> memref<8x1x1x8x128xf32, #tpu.memory_space<hbm>>
          %dma_wait3A_926 = arith.constant 1 : i32
          %dma_wait3A_927 = arith.constant 0 : i32
          %dma_wait3A_928 = arith.constant 0 : i32
          %dma_wait3A_929 = tpu.memref_slice %arg4[%mul3A_895, %dma_wait3A_926, %select_n3A_875, %dma_wait3A_927, %dma_wait3A_928] : memref<200x2x128x8x128xf32, #tpu.memory_space<hbm>> -> memref<8x1x1x8x128xf32, #tpu.memory_space<hbm>>
          %dma_wait3A_930 = arith.constant 0 : i32
          %dma_wait3A_931 = arith.constant 1 : i32
          %dma_wait3A_932 = arith.constant 0 : i32
          %dma_wait3A_933 = arith.constant 0 : i32
          %dma_wait3A_934 = arith.constant 0 : i32
          %dma_wait3A_935 = tpu.memref_slice %arg11[%dma_wait3A_930, %dma_wait3A_931, %dma_wait3A_932, %dma_wait3A_933, %dma_wait3A_934] : memref<8x2x1x8x129xf32, #tpu.memory_space<vmem>> -> memref<8x1x1x8x128xf32, #tpu.memory_space<vmem>>
          tpu.wait_dma2 semaphore(%arg17 : memref<!tpu.dma_semaphore, #tpu.memory_space<semaphore_mem>>) src(%dma_wait3A_935 : memref<8x1x1x8x128xf32, #tpu.memory_space<vmem>>) dst(%dma_wait3A_929 : memref<8x1x1x8x128xf32, #tpu.memory_space<hbm>>)
        } else {
        }
        %scan3A_758 = arith.constant 0 : i32
        %scan3A_759 = arith.constant 0 : i32
        %scan3A_760 = arith.constant 8 : i32
        %scan3A_761 = arith.addi %scan3A_759, %scan3A_760 : i32
        %scan3A_762 = arith.constant 1 : i32
        scf.for %scan3A_849 = %scan3A_759 to %scan3A_761 step %scan3A_762  : i32 {
          %add3A_850 = vector.broadcast %scan3A_849 : i32 to vector<16xi32>
          %add3A_851 = arith.addi %broadcast_in_dim3A_46, %add3A_850 : vector<16xi32>
          %scan3A_852 = arith.constant 0 : i32
          %scan3A_853 = arith.constant 16 : i32
          %scan3A_854 = arith.addi %scan3A_852, %scan3A_853 : i32
          %scan3A_855 = arith.constant 1 : i32
          scf.for %scan3A_857 = %scan3A_852 to %scan3A_854 step %scan3A_855  : i32 {
            %mul3A_858 = arith.constant 8 : i32
            %mul3A_859 = arith.muli %scan3A_857, %mul3A_858 : i32
            %add3A_860 = arith.constant 0 : i32
            %add3A_861 = arith.addi %mul3A_859, %add3A_860 : i32
            %mul3A_862 = arith.constant 128 : i32
            %mul3A_863 = arith.muli %scan3A_849, %mul3A_862 : i32
            %add3A_864 = arith.addi %mul3A_863, %add3A_861 : i32
            %get3A = arith.index_cast %add3A_864 : i32 to index
            %get3A_865 = arith.constant 0 : index
            %get3A_866 = tpu.vector_load %arg8[%get3A, %get3A_865] {strides = array<i32>} : memref<1024x16xf32, #tpu.memory_space<vmem>>, vector<16xf32>,
            %add3A_867 = vector.broadcast %add3A_861 : i32 to vector<16xi32>
            %add3A_868 = arith.addi %broadcast_in_dim3A_46, %add3A_867 : vector<16xi32>
            tpu.vector_store_idx %arg11[%add3A_851, %select_n3A, %broadcast_in_dim3A_46, %select_n3A_45, %add3A_868], %get3A_866 : memref<8x2x1x8x129xf32, #tpu.memory_space<vmem>>[vector<16xi32>, vector<16xi32>, vector<16xi32>, vector<16xi32>, vector<16xi32>], vector<16xf32>,
            %mul3A_869 = arith.constant 8 : i32
            %mul3A_870 = arith.muli %scan3A_857, %mul3A_869 : i32
            %add3A_871 = arith.constant 1 : i32
            %add3A_872 = arith.addi %mul3A_870, %add3A_871 : i32
            %mul3A_873 = arith.constant 128 : i32
            %mul3A_874 = arith.muli %scan3A_849, %mul3A_873 : i32
            %add3A_875 = arith.addi %mul3A_874, %add3A_872 : i32
            %get3A_876 = arith.index_cast %add3A_875 : i32 to index
            %get3A_877 = arith.constant 0 : index
            %get3A_878 = tpu.vector_load %arg8[%get3A_876, %get3A_877] {strides = array<i32>} : memref<1024x16xf32, #tpu.memory_space<vmem>>, vector<16xf32>,
            %add3A_879 = vector.broadcast %add3A_872 : i32 to vector<16xi32>
            %add3A_880 = arith.addi %broadcast_in_dim3A_46, %add3A_879 : vector<16xi32>
            tpu.vector_store_idx %arg11[%add3A_851, %select_n3A, %broadcast_in_dim3A_46, %select_n3A_45, %add3A_880], %get3A_878 : memref<8x2x1x8x129xf32, #tpu.memory_space<vmem>>[vector<16xi32>, vector<16xi32>, vector<16xi32>, vector<16xi32>, vector<16xi32>], vector<16xf32>,
            %mul3A_881 = arith.constant 8 : i32
            %mul3A_882 = arith.muli %scan3A_857, %mul3A_881 : i32
            %add3A_883 = arith.constant 2 : i32
            %add3A_884 = arith.addi %mul3A_882, %add3A_883 : i32
            %mul3A_885 = arith.constant 128 : i32
            %mul3A_886 = arith.muli %scan3A_849, %mul3A_885 : i32
            %add3A_887 = arith.addi %mul3A_886, %add3A_884 : i32
            %get3A_888 = arith.index_cast %add3A_887 : i32 to index
            %get3A_889 = arith.constant 0 : index
            %get3A_890 = tpu.vector_load %arg8[%get3A_888, %get3A_889] {strides = array<i32>} : memref<1024x16xf32, #tpu.memory_space<vmem>>, vector<16xf32>,
            %add3A_891 = vector.broadcast %add3A_884 : i32 to vector<16xi32>
            %add3A_892 = arith.addi %broadcast_in_dim3A_46, %add3A_891 : vector<16xi32>
            tpu.vector_store_idx %arg11[%add3A_851, %select_n3A, %broadcast_in_dim3A_46, %select_n3A_45, %add3A_892], %get3A_890 : memref<8x2x1x8x129xf32, #tpu.memory_space<vmem>>[vector<16xi32>, vector<16xi32>, vector<16xi32>, vector<16xi32>, vector<16xi32>], vector<16xf32>,
            %mul3A_893 = arith.constant 8 : i32
            %mul3A_894 = arith.muli %scan3A_857, %mul3A_893 : i32
            %add3A_895 = arith.constant 3 : i32
            %add3A_896 = arith.addi %mul3A_894, %add3A_895 : i32
            %mul3A_897 = arith.constant 128 : i32
            %mul3A_898 = arith.muli %scan3A_849, %mul3A_897 : i32
            %add3A_899 = arith.addi %mul3A_898, %add3A_896 : i32
            %get3A_900 = arith.index_cast %add3A_899 : i32 to index
            %get3A_901 = arith.constant 0 : index
            %get3A_902 = tpu.vector_load %arg8[%get3A_900, %get3A_901] {strides = array<i32>} : memref<1024x16xf32, #tpu.memory_space<vmem>>, vector<16xf32>,
            %add3A_903 = vector.broadcast %add3A_896 : i32 to vector<16xi32>
            %add3A_904 = arith.addi %broadcast_in_dim3A_46, %add3A_903 : vector<16xi32>
            tpu.vector_store_idx %arg11[%add3A_851, %select_n3A, %broadcast_in_dim3A_46, %select_n3A_45, %add3A_904], %get3A_902 : memref<8x2x1x8x129xf32, #tpu.memory_space<vmem>>[vector<16xi32>, vector<16xi32>, vector<16xi32>, vector<16xi32>, vector<16xi32>], vector<16xf32>,
            %mul3A_905 = arith.constant 8 : i32
            %mul3A_906 = arith.muli %scan3A_857, %mul3A_905 : i32
            %add3A_907 = arith.constant 4 : i32
            %add3A_908 = arith.addi %mul3A_906, %add3A_907 : i32
            %mul3A_909 = arith.constant 128 : i32
            %mul3A_910 = arith.muli %scan3A_849, %mul3A_909 : i32
            %add3A_911 = arith.addi %mul3A_910, %add3A_908 : i32
            %get3A_912 = arith.index_cast %add3A_911 : i32 to index
            %get3A_913 = arith.constant 0 : index
            %get3A_914 = tpu.vector_load %arg8[%get3A_912, %get3A_913] {strides = array<i32>} : memref<1024x16xf32, #tpu.memory_space<vmem>>, vector<16xf32>,
            %add3A_915 = vector.broadcast %add3A_908 : i32 to vector<16xi32>
            %add3A_916 = arith.addi %broadcast_in_dim3A_46, %add3A_915 : vector<16xi32>
            tpu.vector_store_idx %arg11[%add3A_851, %select_n3A, %broadcast_in_dim3A_46, %select_n3A_45, %add3A_916], %get3A_914 : memref<8x2x1x8x129xf32, #tpu.memory_space<vmem>>[vector<16xi32>, vector<16xi32>, vector<16xi32>, vector<16xi32>, vector<16xi32>], vector<16xf32>,
            %mul3A_917 = arith.constant 8 : i32
            %mul3A_918 = arith.muli %scan3A_857, %mul3A_917 : i32
            %add3A_919 = arith.constant 5 : i32
            %add3A_920 = arith.addi %mul3A_918, %add3A_919 : i32
            %mul3A_921 = arith.constant 128 : i32
            %mul3A_922 = arith.muli %scan3A_849, %mul3A_921 : i32
            %add3A_923 = arith.addi %mul3A_922, %add3A_920 : i32
            %get3A_924 = arith.index_cast %add3A_923 : i32 to index
            %get3A_925 = arith.constant 0 : index
            %get3A_926 = tpu.vector_load %arg8[%get3A_924, %get3A_925] {strides = array<i32>} : memref<1024x16xf32, #tpu.memory_space<vmem>>, vector<16xf32>,
            %add3A_927 = vector.broadcast %add3A_920 : i32 to vector<16xi32>
            %add3A_928 = arith.addi %broadcast_in_dim3A_46, %add3A_927 : vector<16xi32>
            tpu.vector_store_idx %arg11[%add3A_851, %select_n3A, %broadcast_in_dim3A_46, %select_n3A_45, %add3A_928], %get3A_926 : memref<8x2x1x8x129xf32, #tpu.memory_space<vmem>>[vector<16xi32>, vector<16xi32>, vector<16xi32>, vector<16xi32>, vector<16xi32>], vector<16xf32>,
            %mul3A_929 = arith.constant 8 : i32
            %mul3A_930 = arith.muli %scan3A_857, %mul3A_929 : i32
            %add3A_931 = arith.constant 6 : i32
            %add3A_932 = arith.addi %mul3A_930, %add3A_931 : i32
            %mul3A_933 = arith.constant 128 : i32
            %mul3A_934 = arith.muli %scan3A_849, %mul3A_933 : i32
            %add3A_935 = arith.addi %mul3A_934, %add3A_932 : i32
            %get3A_936 = arith.index_cast %add3A_935 : i32 to index
            %get3A_937 = arith.constant 0 : index
            %get3A_938 = tpu.vector_load %arg8[%get3A_936, %get3A_937] {strides = array<i32>} : memref<1024x16xf32, #tpu.memory_space<vmem>>, vector<16xf32>,
            %add3A_939 = vector.broadcast %add3A_932 : i32 to vector<16xi32>
            %add3A_940 = arith.addi %broadcast_in_dim3A_46, %add3A_939 : vector<16xi32>
            tpu.vector_store_idx %arg11[%add3A_851, %select_n3A, %broadcast_in_dim3A_46, %select_n3A_45, %add3A_940], %get3A_938 : memref<8x2x1x8x129xf32, #tpu.memory_space<vmem>>[vector<16xi32>, vector<16xi32>, vector<16xi32>, vector<16xi32>, vector<16xi32>], vector<16xf32>,
            %mul3A_941 = arith.constant 8 : i32
            %mul3A_942 = arith.muli %scan3A_857, %mul3A_941 : i32
            %add3A_943 = arith.constant 7 : i32
            %add3A_944 = arith.addi %mul3A_942, %add3A_943 : i32
            %mul3A_945 = arith.constant 128 : i32
            %mul3A_946 = arith.muli %scan3A_849, %mul3A_945 : i32
            %add3A_947 = arith.addi %mul3A_946, %add3A_944 : i32
            %get3A_948 = arith.index_cast %add3A_947 : i32 to index
            %get3A_949 = arith.constant 0 : index
            %get3A_950 = tpu.vector_load %arg8[%get3A_948, %get3A_949] {strides = array<i32>} : memref<1024x16xf32, #tpu.memory_space<vmem>>, vector<16xf32>,
            %add3A_951 = vector.broadcast %add3A_944 : i32 to vector<16xi32>
            %add3A_952 = arith.addi %broadcast_in_dim3A_46, %add3A_951 : vector<16xi32>
            tpu.vector_store_idx %arg11[%add3A_851, %select_n3A, %broadcast_in_dim3A_46, %select_n3A_45, %add3A_952], %get3A_950 : memref<8x2x1x8x129xf32, #tpu.memory_space<vmem>>[vector<16xi32>, vector<16xi32>, vector<16xi32>, vector<16xi32>, vector<16xi32>], vector<16xf32>,
          }
          %scan3A_856 = arith.constant 16 : i32
        }
        %scan3A_763 = arith.constant 8 : i32
        %add3A_764 = arith.addi %mul3A_2, %add3A_712 : i32
        %jit3A_765 = arith.constant 25 : i32
        %div3A_766 = arith.divsi %add3A_764, %jit3A_765 : i32
        %sign3A_767 = arith.constant 0 : i32
        %sign3A_768 = arith.cmpi sgt, %add3A_764, %sign3A_767 : i32
        %sign3A_769 = arith.extui %sign3A_768 : i1 to i32
        %sign3A_770 = arith.constant 0 : i32
        %sign3A_771 = arith.cmpi slt, %add3A_764, %sign3A_770 : i32
        %sign3A_772 = arith.extui %sign3A_771 : i1 to i32
        %sign3A_773 = arith.subi %sign3A_769, %sign3A_772 : i32
        %sign3A_774 = arith.constant 0 : i32
        %sign3A_775 = arith.cmpi sgt, %jit3A_765, %sign3A_774 : i32
        %sign3A_776 = arith.extui %sign3A_775 : i1 to i32
        %sign3A_777 = arith.constant 0 : i32
        %sign3A_778 = arith.cmpi slt, %jit3A_765, %sign3A_777 : i32
        %sign3A_779 = arith.extui %sign3A_778 : i1 to i32
        %sign3A_780 = arith.subi %sign3A_776, %sign3A_779 : i32
        %ne3A_781 = arith.cmpi ne, %sign3A_773, %sign3A_780 : i32
        %rem3A_782 = arith.remsi %add3A_764, %jit3A_765 : i32
        %ne3A_783 = arith.constant 0 : i32
        %ne3A_784 = arith.cmpi ne, %rem3A_782, %ne3A_783 : i32
        %and3A_785 = arith.andi %ne3A_781, %ne3A_784 : i1
        %sub3A_786 = arith.constant 1 : i32
        %sub3A_787 = arith.subi %div3A_766, %sub3A_786 : i32
        %select_n3A_788 = arith.select %and3A_785, %sub3A_787, %div3A_766 : i32
        %jit3A_789 = arith.constant 25 : i32
        %eq3A_790 = arith.constant 0 : i32
        %eq3A_791 = arith.cmpi eq, %jit3A_789, %eq3A_790 : i32
        %jit3A_792 = arith.constant 1 : i32
        %select_n3A_793 = arith.select %eq3A_791, %jit3A_792, %jit3A_789 : i32
        %rem3A_794 = arith.remsi %add3A_764, %select_n3A_793 : i32
        %ne3A_795 = arith.constant 0 : i32
        %ne3A_796 = arith.cmpi ne, %rem3A_794, %ne3A_795 : i32
        %lt3A_797 = arith.constant 0 : i32
        %lt3A_798 = arith.cmpi slt, %rem3A_794, %lt3A_797 : i32
        %lt3A_799 = arith.constant 0 : i32
        %lt3A_800 = arith.cmpi slt, %select_n3A_793, %lt3A_799 : i32
        %ne3A_801 = arith.xori %lt3A_798, %lt3A_800 : i1
        %and3A_802 = arith.andi %ne3A_801, %ne3A_796 : i1
        %add3A_803 = arith.addi %rem3A_794, %select_n3A_793 : i32
        %select_n3A_804 = arith.select %and3A_802, %add3A_803, %rem3A_794 : i32
        %mul3A_805 = arith.constant 8 : i32
        %mul3A_806 = arith.muli %select_n3A_804, %mul3A_805 : i32
        %mul3A_807 = arith.constant 8 : i32
        %mul3A_808 = arith.muli %select_n3A_804, %mul3A_807 : i32
        %dma_start3A_809 = arith.constant 0 : i32
        %dma_start3A_810 = arith.constant 0 : i32
        %dma_start3A_811 = arith.constant 0 : i32
        %dma_start3A_812 = arith.constant 0 : i32
        %dma_start3A_813 = arith.constant 0 : i32
        %dma_start3A_814 = tpu.memref_slice %arg11[%dma_start3A_809, %dma_start3A_810, %dma_start3A_811, %dma_start3A_812, %dma_start3A_813] : memref<8x2x1x8x129xf32, #tpu.memory_space<vmem>> -> memref<8x1x1x8x128xf32, #tpu.memory_space<vmem>>
        %dma_start3A_815 = arith.constant 0 : i32
        %dma_start3A_816 = arith.constant 0 : i32
        %dma_start3A_817 = arith.constant 0 : i32
        %dma_start3A_818 = tpu.memref_slice %arg4[%mul3A_806, %dma_start3A_815, %select_n3A_788, %dma_start3A_816, %dma_start3A_817] : memref<200x2x128x8x128xf32, #tpu.memory_space<hbm>> -> memref<8x1x1x8x128xf32, #tpu.memory_space<hbm>>
        %dma_start3A_819 = arith.constant 0 : i32
        %dma_start3A_820 = arith.constant 0 : i32
        %dma_start3A_821 = arith.constant 0 : i32
        %dma_start3A_822 = tpu.memref_slice %arg4[%mul3A_806, %dma_start3A_819, %select_n3A_788, %dma_start3A_820, %dma_start3A_821] : memref<200x2x128x8x128xf32, #tpu.memory_space<hbm>> -> memref<8x1x1x8x128xf32, #tpu.memory_space<hbm>>
        %dma_start3A_823 = arith.constant 0 : i32
        %dma_start3A_824 = arith.constant 0 : i32
        %dma_start3A_825 = arith.constant 0 : i32
        %dma_start3A_826 = arith.constant 0 : i32
        %dma_start3A_827 = arith.constant 0 : i32
        %dma_start3A_828 = tpu.memref_slice %arg11[%dma_start3A_823, %dma_start3A_824, %dma_start3A_825, %dma_start3A_826, %dma_start3A_827] : memref<8x2x1x8x129xf32, #tpu.memory_space<vmem>> -> memref<8x1x1x8x128xf32, #tpu.memory_space<vmem>>
        tpu.enqueue_dma source(%dma_start3A_828 : memref<8x1x1x8x128xf32, #tpu.memory_space<vmem>>) target(%dma_start3A_822 : memref<8x1x1x8x128xf32, #tpu.memory_space<hbm>>) target_semaphore(%arg17 : memref<!tpu.dma_semaphore, #tpu.memory_space<semaphore_mem>>)
        %dma_start3A_829 = arith.constant 0 : i32
        %dma_start3A_830 = arith.constant 1 : i32
        %dma_start3A_831 = arith.constant 0 : i32
        %dma_start3A_832 = arith.constant 0 : i32
        %dma_start3A_833 = arith.constant 0 : i32
        %dma_start3A_834 = tpu.memref_slice %arg11[%dma_start3A_829, %dma_start3A_830, %dma_start3A_831, %dma_start3A_832, %dma_start3A_833] : memref<8x2x1x8x129xf32, #tpu.memory_space<vmem>> -> memref<8x1x1x8x128xf32, #tpu.memory_space<vmem>>
        %dma_start3A_835 = arith.constant 1 : i32
        %dma_start3A_836 = arith.constant 0 : i32
        %dma_start3A_837 = arith.constant 0 : i32
        %dma_start3A_838 = tpu.memref_slice %arg4[%mul3A_808, %dma_start3A_835, %select_n3A_788, %dma_start3A_836, %dma_start3A_837] : memref<200x2x128x8x128xf32, #tpu.memory_space<hbm>> -> memref<8x1x1x8x128xf32, #tpu.memory_space<hbm>>
        %dma_start3A_839 = arith.constant 1 : i32
        %dma_start3A_840 = arith.constant 0 : i32
        %dma_start3A_841 = arith.constant 0 : i32
        %dma_start3A_842 = tpu.memref_slice %arg4[%mul3A_808, %dma_start3A_839, %select_n3A_788, %dma_start3A_840, %dma_start3A_841] : memref<200x2x128x8x128xf32, #tpu.memory_space<hbm>> -> memref<8x1x1x8x128xf32, #tpu.memory_space<hbm>>
        %dma_start3A_843 = arith.constant 0 : i32
        %dma_start3A_844 = arith.constant 1 : i32
        %dma_start3A_845 = arith.constant 0 : i32
        %dma_start3A_846 = arith.constant 0 : i32
        %dma_start3A_847 = arith.constant 0 : i32
        %dma_start3A_848 = tpu.memref_slice %arg11[%dma_start3A_843, %dma_start3A_844, %dma_start3A_845, %dma_start3A_846, %dma_start3A_847] : memref<8x2x1x8x129xf32, #tpu.memory_space<vmem>> -> memref<8x1x1x8x128xf32, #tpu.memory_space<vmem>>
        tpu.enqueue_dma source(%dma_start3A_848 : memref<8x1x1x8x128xf32, #tpu.memory_space<vmem>>) target(%dma_start3A_842 : memref<8x1x1x8x128xf32, #tpu.memory_space<hbm>>) target_semaphore(%arg17 : memref<!tpu.dma_semaphore, #tpu.memory_space<semaphore_mem>>)
      } else {
      }
      %mul3A_716 = arith.constant 3 : i32
      %mul3A_717 = arith.muli %mul3A_716, %scan3A_708 : i32
      %add3A_718 = arith.constant 1 : i32
      %add3A_719 = arith.addi %mul3A_717, %add3A_718 : i32
      %lt3A_720 = arith.constant 100 : i32
      %lt3A_721 = arith.cmpi slt, %add3A_719, %lt3A_720 : i32
      %convert_element_type3A_722 = arith.extui %lt3A_721 : i1 to i32
      %cond3A_723 = arith.constant 0 : i32
      %cond3A_724 = arith.cmpi ne, %convert_element_type3A_722, %cond3A_723 : i32
      scf.if %cond3A_724 {
        %dma_wait3A_734 = arith.constant 0 : i32
        %dma_wait3A_735 = arith.constant 0 : i32
        %dma_wait3A_736 = tpu.memref_slice %arg2[%dma_wait3A_734, %dma_wait3A_735] : memref<100001x16xf32, #tpu.memory_space<hbm>> -> memref<1024x16xf32, #tpu.memory_space<hbm>>
        %dma_wait3A_737 = arith.constant 0 : i32
        %dma_wait3A_738 = arith.constant 0 : i32
        %dma_wait3A_739 = tpu.memref_slice %arg2[%dma_wait3A_737, %dma_wait3A_738] : memref<100001x16xf32, #tpu.memory_space<hbm>> -> memref<1024x16xf32, #tpu.memory_space<hbm>>
        tpu.wait_dma2 semaphore(%arg15 : memref<!tpu.dma_semaphore, #tpu.memory_space<semaphore_mem>>) src(%dma_wait3A_739 : memref<1024x16xf32, #tpu.memory_space<hbm>>) dst(%arg9 : memref<1024x16xf32, #tpu.memory_space<vmem>>)
        %add3A_740 = arith.constant 3 : i32
        %add3A_741 = arith.addi %add3A_719, %add3A_740 : i32
        %lt3A_742 = arith.constant 100 : i32
        %lt3A_743 = arith.cmpi slt, %add3A_741, %lt3A_742 : i32
        %convert_element_type3A_744 = arith.extui %lt3A_743 : i1 to i32
        %cond3A_745 = arith.constant 0 : i32
        %cond3A_746 = arith.cmpi ne, %convert_element_type3A_744, %cond3A_745 : i32
        scf.if %cond3A_746 {
          %add3A_849 = arith.constant 3 : i32
          %add3A_850 = arith.addi %add3A_719, %add3A_849 : i32
          %add3A_851 = arith.addi %mul3A_2, %add3A_850 : i32
          %jit3A_852 = arith.constant 25 : i32
          %div3A_853 = arith.divsi %add3A_851, %jit3A_852 : i32
          %sign3A_854 = arith.constant 0 : i32
          %sign3A_855 = arith.cmpi sgt, %add3A_851, %sign3A_854 : i32
          %sign3A_856 = arith.extui %sign3A_855 : i1 to i32
          %sign3A_857 = arith.constant 0 : i32
          %sign3A_858 = arith.cmpi slt, %add3A_851, %sign3A_857 : i32
          %sign3A_859 = arith.extui %sign3A_858 : i1 to i32
          %sign3A_860 = arith.subi %sign3A_856, %sign3A_859 : i32
          %sign3A_861 = arith.constant 0 : i32
          %sign3A_862 = arith.cmpi sgt, %jit3A_852, %sign3A_861 : i32
          %sign3A_863 = arith.extui %sign3A_862 : i1 to i32
          %sign3A_864 = arith.constant 0 : i32
          %sign3A_865 = arith.cmpi slt, %jit3A_852, %sign3A_864 : i32
          %sign3A_866 = arith.extui %sign3A_865 : i1 to i32
          %sign3A_867 = arith.subi %sign3A_863, %sign3A_866 : i32
          %ne3A_868 = arith.cmpi ne, %sign3A_860, %sign3A_867 : i32
          %rem3A_869 = arith.remsi %add3A_851, %jit3A_852 : i32
          %ne3A_870 = arith.constant 0 : i32
          %ne3A_871 = arith.cmpi ne, %rem3A_869, %ne3A_870 : i32
          %and3A_872 = arith.andi %ne3A_868, %ne3A_871 : i1
          %sub3A_873 = arith.constant 1 : i32
          %sub3A_874 = arith.subi %div3A_853, %sub3A_873 : i32
          %select_n3A_875 = arith.select %and3A_872, %sub3A_874, %div3A_853 : i32
          %jit3A_876 = arith.constant 25 : i32
          %eq3A_877 = arith.constant 0 : i32
          %eq3A_878 = arith.cmpi eq, %jit3A_876, %eq3A_877 : i32
          %jit3A_879 = arith.constant 1 : i32
          %select_n3A_880 = arith.select %eq3A_878, %jit3A_879, %jit3A_876 : i32
          %rem3A_881 = arith.remsi %add3A_851, %select_n3A_880 : i32
          %ne3A_882 = arith.constant 0 : i32
          %ne3A_883 = arith.cmpi ne, %rem3A_881, %ne3A_882 : i32
          %lt3A_884 = arith.constant 0 : i32
          %lt3A_885 = arith.cmpi slt, %rem3A_881, %lt3A_884 : i32
          %lt3A_886 = arith.constant 0 : i32
          %lt3A_887 = arith.cmpi slt, %select_n3A_880, %lt3A_886 : i32
          %ne3A_888 = arith.xori %lt3A_885, %lt3A_887 : i1
          %and3A_889 = arith.andi %ne3A_888, %ne3A_883 : i1
          %add3A_890 = arith.addi %rem3A_881, %select_n3A_880 : i32
          %select_n3A_891 = arith.select %and3A_889, %add3A_890, %rem3A_881 : i32
          %mul3A_892 = arith.constant 8 : i32
          %mul3A_893 = arith.muli %select_n3A_891, %mul3A_892 : i32
          %mul3A_894 = arith.constant 128 : i32
          %mul3A_895 = arith.muli %select_n3A_875, %mul3A_894 : i32
          %dma_start3A_896 = tpu.memref_slice %arg3[%mul3A_893, %mul3A_895] : memref<200x16384xi32, #tpu.memory_space<hbm>> -> memref<8x128xi32, #tpu.memory_space<hbm>>
          %dma_start3A_897 = tpu.memref_slice %arg3[%mul3A_893, %mul3A_895] : memref<200x16384xi32, #tpu.memory_space<hbm>> -> memref<8x128xi32, #tpu.memory_space<hbm>>
          tpu.enqueue_dma source(%dma_start3A_897 : memref<8x128xi32, #tpu.memory_space<hbm>>) target(%arg6 : memref<8x128xi32, #tpu.memory_space<vmem>>) target_semaphore(%arg21 : memref<!tpu.dma_semaphore, #tpu.memory_space<semaphore_mem>>)
        } else {
        }
        %add3A_747 = arith.constant 2 : i32
        %add3A_748 = arith.addi %add3A_719, %add3A_747 : i32
        %lt3A_749 = arith.constant 100 : i32
        %lt3A_750 = arith.cmpi slt, %add3A_748, %lt3A_749 : i32
        %convert_element_type3A_751 = arith.extui %lt3A_750 : i1 to i32
        %cond3A_752 = arith.constant 0 : i32
        %cond3A_753 = arith.cmpi ne, %convert_element_type3A_751, %cond3A_752 : i32
        scf.if %cond3A_753 {
          %add3A_849 = arith.constant 2 : i32
          %add3A_850 = arith.addi %add3A_719, %add3A_849 : i32
          %add3A_851 = arith.addi %mul3A_2, %add3A_850 : i32
          %jit3A_852 = arith.constant 25 : i32
          %div3A_853 = arith.divsi %add3A_851, %jit3A_852 : i32
          %sign3A_854 = arith.constant 0 : i32
          %sign3A_855 = arith.cmpi sgt, %add3A_851, %sign3A_854 : i32
          %sign3A_856 = arith.extui %sign3A_855 : i1 to i32
          %sign3A_857 = arith.constant 0 : i32
          %sign3A_858 = arith.cmpi slt, %add3A_851, %sign3A_857 : i32
          %sign3A_859 = arith.extui %sign3A_858 : i1 to i32
          %sign3A_860 = arith.subi %sign3A_856, %sign3A_859 : i32
          %sign3A_861 = arith.constant 0 : i32
          %sign3A_862 = arith.cmpi sgt, %jit3A_852, %sign3A_861 : i32
          %sign3A_863 = arith.extui %sign3A_862 : i1 to i32
          %sign3A_864 = arith.constant 0 : i32
          %sign3A_865 = arith.cmpi slt, %jit3A_852, %sign3A_864 : i32
          %sign3A_866 = arith.extui %sign3A_865 : i1 to i32
          %sign3A_867 = arith.subi %sign3A_863, %sign3A_866 : i32
          %ne3A_868 = arith.cmpi ne, %sign3A_860, %sign3A_867 : i32
          %rem3A_869 = arith.remsi %add3A_851, %jit3A_852 : i32
          %ne3A_870 = arith.constant 0 : i32
          %ne3A_871 = arith.cmpi ne, %rem3A_869, %ne3A_870 : i32
          %and3A_872 = arith.andi %ne3A_868, %ne3A_871 : i1
          %sub3A_873 = arith.constant 1 : i32
          %sub3A_874 = arith.subi %div3A_853, %sub3A_873 : i32
          %select_n3A_875 = arith.select %and3A_872, %sub3A_874, %div3A_853 : i32
          %jit3A_876 = arith.constant 25 : i32
          %eq3A_877 = arith.constant 0 : i32
          %eq3A_878 = arith.cmpi eq, %jit3A_876, %eq3A_877 : i32
          %jit3A_879 = arith.constant 1 : i32
          %select_n3A_880 = arith.select %eq3A_878, %jit3A_879, %jit3A_876 : i32
          %rem3A_881 = arith.remsi %add3A_851, %select_n3A_880 : i32
          %ne3A_882 = arith.constant 0 : i32
          %ne3A_883 = arith.cmpi ne, %rem3A_881, %ne3A_882 : i32
          %lt3A_884 = arith.constant 0 : i32
          %lt3A_885 = arith.cmpi slt, %rem3A_881, %lt3A_884 : i32
          %lt3A_886 = arith.constant 0 : i32
          %lt3A_887 = arith.cmpi slt, %select_n3A_880, %lt3A_886 : i32
          %ne3A_888 = arith.xori %lt3A_885, %lt3A_887 : i1
          %and3A_889 = arith.andi %ne3A_888, %ne3A_883 : i1
          %add3A_890 = arith.addi %rem3A_881, %select_n3A_880 : i32
          %select_n3A_891 = arith.select %and3A_889, %add3A_890, %rem3A_881 : i32
          %mul3A_892 = arith.constant 8 : i32
          %mul3A_893 = arith.muli %select_n3A_891, %mul3A_892 : i32
          %mul3A_894 = arith.constant 128 : i32
          %mul3A_895 = arith.muli %select_n3A_875, %mul3A_894 : i32
          %dma_wait3A_896 = tpu.memref_slice %arg3[%mul3A_893, %mul3A_895] : memref<200x16384xi32, #tpu.memory_space<hbm>> -> memref<8x128xi32, #tpu.memory_space<hbm>>
          %dma_wait3A_897 = tpu.memref_slice %arg3[%mul3A_893, %mul3A_895] : memref<200x16384xi32, #tpu.memory_space<hbm>> -> memref<8x128xi32, #tpu.memory_space<hbm>>
          tpu.wait_dma2 semaphore(%arg20 : memref<!tpu.dma_semaphore, #tpu.memory_space<semaphore_mem>>) src(%dma_wait3A_897 : memref<8x128xi32, #tpu.memory_space<hbm>>) dst(%arg5 : memref<8x128xi32, #tpu.memory_space<vmem>>)
          %dma_start3A_898 = arith.constant 0 : i32
          %dma_start3A_899 = arith.constant 0 : i32
          %dma_start3A_900 = arith.constant 0 : i32
          %dma_start3A_901 = tpu.memref_slice %arg8[%dma_start3A_899, %dma_start3A_900] : memref<1024x16xf32, #tpu.memory_space<vmem>> -> memref<128x16xf32, #tpu.memory_space<vmem>>
          %dma_start3A_902 = arith.constant 0 : i32
          %dma_start3A_903 = tpu.memref_slice %arg5[%dma_start3A_898, %dma_start3A_902] : memref<8x128xi32, #tpu.memory_space<vmem>> -> memref<1x128xi32, #tpu.memory_space<vmem>>
          %dma_start3A_904 = tpu.memref_squeeze %dma_start3A_903 : memref<1x128xi32, #tpu.memory_space<vmem>> -> memref<128xi32, #tpu.memory_space<vmem>>
          %dma_start3A_905 = arith.constant 0 : i32
          %dma_start3A_906 = arith.constant 0 : i32
          %dma_start3A_907 = tpu.memref_slice %arg2[%dma_start3A_905, %dma_start3A_906] : memref<100001x16xf32, #tpu.memory_space<hbm>> -> memref<100001x16xf32, #tpu.memory_space<hbm>>
          tpu.enqueue_indirect_dma source(%dma_start3A_907 : memref<100001x16xf32, #tpu.memory_space<hbm>>) target(%dma_start3A_901 : memref<128x16xf32, #tpu.memory_space<vmem>>) offsets(%dma_start3A_904 : memref<128xi32, #tpu.memory_space<vmem>>) semaphore(%arg14 : memref<!tpu.dma_semaphore, #tpu.memory_space<semaphore_mem>>)
          %dma_start3A_908 = arith.constant 1 : i32
          %dma_start3A_909 = arith.constant 128 : i32
          %dma_start3A_910 = arith.constant 0 : i32
          %dma_start3A_911 = tpu.memref_slice %arg8[%dma_start3A_909, %dma_start3A_910] : memref<1024x16xf32, #tpu.memory_space<vmem>> -> memref<128x16xf32, #tpu.memory_space<vmem>>
          %dma_start3A_912 = arith.constant 0 : i32
          %dma_start3A_913 = tpu.memref_slice %arg5[%dma_start3A_908, %dma_start3A_912] : memref<8x128xi32, #tpu.memory_space<vmem>> -> memref<1x128xi32, #tpu.memory_space<vmem>>
          %dma_start3A_914 = tpu.memref_squeeze %dma_start3A_913 : memref<1x128xi32, #tpu.memory_space<vmem>> -> memref<128xi32, #tpu.memory_space<vmem>>
          %dma_start3A_915 = arith.constant 0 : i32
          %dma_start3A_916 = arith.constant 0 : i32
          %dma_start3A_917 = tpu.memref_slice %arg2[%dma_start3A_915, %dma_start3A_916] : memref<100001x16xf32, #tpu.memory_space<hbm>> -> memref<100001x16xf32, #tpu.memory_space<hbm>>
          tpu.enqueue_indirect_dma source(%dma_start3A_917 : memref<100001x16xf32, #tpu.memory_space<hbm>>) target(%dma_start3A_911 : memref<128x16xf32, #tpu.memory_space<vmem>>) offsets(%dma_start3A_914 : memref<128xi32, #tpu.memory_space<vmem>>) semaphore(%arg14 : memref<!tpu.dma_semaphore, #tpu.memory_space<semaphore_mem>>)
          %dma_start3A_918 = arith.constant 2 : i32
          %dma_start3A_919 = arith.constant 256 : i32
          %dma_start3A_920 = arith.constant 0 : i32
          %dma_start3A_921 = tpu.memref_slice %arg8[%dma_start3A_919, %dma_start3A_920] : memref<1024x16xf32, #tpu.memory_space<vmem>> -> memref<128x16xf32, #tpu.memory_space<vmem>>
          %dma_start3A_922 = arith.constant 0 : i32
          %dma_start3A_923 = tpu.memref_slice %arg5[%dma_start3A_918, %dma_start3A_922] : memref<8x128xi32, #tpu.memory_space<vmem>> -> memref<1x128xi32, #tpu.memory_space<vmem>>
          %dma_start3A_924 = tpu.memref_squeeze %dma_start3A_923 : memref<1x128xi32, #tpu.memory_space<vmem>> -> memref<128xi32, #tpu.memory_space<vmem>>
          %dma_start3A_925 = arith.constant 0 : i32
          %dma_start3A_926 = arith.constant 0 : i32
          %dma_start3A_927 = tpu.memref_slice %arg2[%dma_start3A_925, %dma_start3A_926] : memref<100001x16xf32, #tpu.memory_space<hbm>> -> memref<100001x16xf32, #tpu.memory_space<hbm>>
          tpu.enqueue_indirect_dma source(%dma_start3A_927 : memref<100001x16xf32, #tpu.memory_space<hbm>>) target(%dma_start3A_921 : memref<128x16xf32, #tpu.memory_space<vmem>>) offsets(%dma_start3A_924 : memref<128xi32, #tpu.memory_space<vmem>>) semaphore(%arg14 : memref<!tpu.dma_semaphore, #tpu.memory_space<semaphore_mem>>)
          %dma_start3A_928 = arith.constant 3 : i32
          %dma_start3A_929 = arith.constant 384 : i32
          %dma_start3A_930 = arith.constant 0 : i32
          %dma_start3A_931 = tpu.memref_slice %arg8[%dma_start3A_929, %dma_start3A_930] : memref<1024x16xf32, #tpu.memory_space<vmem>> -> memref<128x16xf32, #tpu.memory_space<vmem>>
          %dma_start3A_932 = arith.constant 0 : i32
          %dma_start3A_933 = tpu.memref_slice %arg5[%dma_start3A_928, %dma_start3A_932] : memref<8x128xi32, #tpu.memory_space<vmem>> -> memref<1x128xi32, #tpu.memory_space<vmem>>
          %dma_start3A_934 = tpu.memref_squeeze %dma_start3A_933 : memref<1x128xi32, #tpu.memory_space<vmem>> -> memref<128xi32, #tpu.memory_space<vmem>>
          %dma_start3A_935 = arith.constant 0 : i32
          %dma_start3A_936 = arith.constant 0 : i32
          %dma_start3A_937 = tpu.memref_slice %arg2[%dma_start3A_935, %dma_start3A_936] : memref<100001x16xf32, #tpu.memory_space<hbm>> -> memref<100001x16xf32, #tpu.memory_space<hbm>>
          tpu.enqueue_indirect_dma source(%dma_start3A_937 : memref<100001x16xf32, #tpu.memory_space<hbm>>) target(%dma_start3A_931 : memref<128x16xf32, #tpu.memory_space<vmem>>) offsets(%dma_start3A_934 : memref<128xi32, #tpu.memory_space<vmem>>) semaphore(%arg14 : memref<!tpu.dma_semaphore, #tpu.memory_space<semaphore_mem>>)
          %dma_start3A_938 = arith.constant 4 : i32
          %dma_start3A_939 = arith.constant 512 : i32
          %dma_start3A_940 = arith.constant 0 : i32
          %dma_start3A_941 = tpu.memref_slice %arg8[%dma_start3A_939, %dma_start3A_940] : memref<1024x16xf32, #tpu.memory_space<vmem>> -> memref<128x16xf32, #tpu.memory_space<vmem>>
          %dma_start3A_942 = arith.constant 0 : i32
          %dma_start3A_943 = tpu.memref_slice %arg5[%dma_start3A_938, %dma_start3A_942] : memref<8x128xi32, #tpu.memory_space<vmem>> -> memref<1x128xi32, #tpu.memory_space<vmem>>
          %dma_start3A_944 = tpu.memref_squeeze %dma_start3A_943 : memref<1x128xi32, #tpu.memory_space<vmem>> -> memref<128xi32, #tpu.memory_space<vmem>>
          %dma_start3A_945 = arith.constant 0 : i32
          %dma_start3A_946 = arith.constant 0 : i32
          %dma_start3A_947 = tpu.memref_slice %arg2[%dma_start3A_945, %dma_start3A_946] : memref<100001x16xf32, #tpu.memory_space<hbm>> -> memref<100001x16xf32, #tpu.memory_space<hbm>>
          tpu.enqueue_indirect_dma source(%dma_start3A_947 : memref<100001x16xf32, #tpu.memory_space<hbm>>) target(%dma_start3A_941 : memref<128x16xf32, #tpu.memory_space<vmem>>) offsets(%dma_start3A_944 : memref<128xi32, #tpu.memory_space<vmem>>) semaphore(%arg14 : memref<!tpu.dma_semaphore, #tpu.memory_space<semaphore_mem>>)
          %dma_start3A_948 = arith.constant 5 : i32
          %dma_start3A_949 = arith.constant 640 : i32
          %dma_start3A_950 = arith.constant 0 : i32
          %dma_start3A_951 = tpu.memref_slice %arg8[%dma_start3A_949, %dma_start3A_950] : memref<1024x16xf32, #tpu.memory_space<vmem>> -> memref<128x16xf32, #tpu.memory_space<vmem>>
          %dma_start3A_952 = arith.constant 0 : i32
          %dma_start3A_953 = tpu.memref_slice %arg5[%dma_start3A_948, %dma_start3A_952] : memref<8x128xi32, #tpu.memory_space<vmem>> -> memref<1x128xi32, #tpu.memory_space<vmem>>
          %dma_start3A_954 = tpu.memref_squeeze %dma_start3A_953 : memref<1x128xi32, #tpu.memory_space<vmem>> -> memref<128xi32, #tpu.memory_space<vmem>>
          %dma_start3A_955 = arith.constant 0 : i32
          %dma_start3A_956 = arith.constant 0 : i32
          %dma_start3A_957 = tpu.memref_slice %arg2[%dma_start3A_955, %dma_start3A_956] : memref<100001x16xf32, #tpu.memory_space<hbm>> -> memref<100001x16xf32, #tpu.memory_space<hbm>>
          tpu.enqueue_indirect_dma source(%dma_start3A_957 : memref<100001x16xf32, #tpu.memory_space<hbm>>) target(%dma_start3A_951 : memref<128x16xf32, #tpu.memory_space<vmem>>) offsets(%dma_start3A_954 : memref<128xi32, #tpu.memory_space<vmem>>) semaphore(%arg14 : memref<!tpu.dma_semaphore, #tpu.memory_space<semaphore_mem>>)
          %dma_start3A_958 = arith.constant 6 : i32
          %dma_start3A_959 = arith.constant 768 : i32
          %dma_start3A_960 = arith.constant 0 : i32
          %dma_start3A_961 = tpu.memref_slice %arg8[%dma_start3A_959, %dma_start3A_960] : memref<1024x16xf32, #tpu.memory_space<vmem>> -> memref<128x16xf32, #tpu.memory_space<vmem>>
          %dma_start3A_962 = arith.constant 0 : i32
          %dma_start3A_963 = tpu.memref_slice %arg5[%dma_start3A_958, %dma_start3A_962] : memref<8x128xi32, #tpu.memory_space<vmem>> -> memref<1x128xi32, #tpu.memory_space<vmem>>
          %dma_start3A_964 = tpu.memref_squeeze %dma_start3A_963 : memref<1x128xi32, #tpu.memory_space<vmem>> -> memref<128xi32, #tpu.memory_space<vmem>>
          %dma_start3A_965 = arith.constant 0 : i32
          %dma_start3A_966 = arith.constant 0 : i32
          %dma_start3A_967 = tpu.memref_slice %arg2[%dma_start3A_965, %dma_start3A_966] : memref<100001x16xf32, #tpu.memory_space<hbm>> -> memref<100001x16xf32, #tpu.memory_space<hbm>>
          tpu.enqueue_indirect_dma source(%dma_start3A_967 : memref<100001x16xf32, #tpu.memory_space<hbm>>) target(%dma_start3A_961 : memref<128x16xf32, #tpu.memory_space<vmem>>) offsets(%dma_start3A_964 : memref<128xi32, #tpu.memory_space<vmem>>) semaphore(%arg14 : memref<!tpu.dma_semaphore, #tpu.memory_space<semaphore_mem>>)
          %dma_start3A_968 = arith.constant 7 : i32
          %dma_start3A_969 = arith.constant 896 : i32
          %dma_start3A_970 = arith.constant 0 : i32
          %dma_start3A_971 = tpu.memref_slice %arg8[%dma_start3A_969, %dma_start3A_970] : memref<1024x16xf32, #tpu.memory_space<vmem>> -> memref<128x16xf32, #tpu.memory_space<vmem>>
          %dma_start3A_972 = arith.constant 0 : i32
          %dma_start3A_973 = tpu.memref_slice %arg5[%dma_start3A_968, %dma_start3A_972] : memref<8x128xi32, #tpu.memory_space<vmem>> -> memref<1x128xi32, #tpu.memory_space<vmem>>
          %dma_start3A_974 = tpu.memref_squeeze %dma_start3A_973 : memref<1x128xi32, #tpu.memory_space<vmem>> -> memref<128xi32, #tpu.memory_space<vmem>>
          %dma_start3A_975 = arith.constant 0 : i32
          %dma_start3A_976 = arith.constant 0 : i32
          %dma_start3A_977 = tpu.memref_slice %arg2[%dma_start3A_975, %dma_start3A_976] : memref<100001x16xf32, #tpu.memory_space<hbm>> -> memref<100001x16xf32, #tpu.memory_space<hbm>>
          tpu.enqueue_indirect_dma source(%dma_start3A_977 : memref<100001x16xf32, #tpu.memory_space<hbm>>) target(%dma_start3A_971 : memref<128x16xf32, #tpu.memory_space<vmem>>) offsets(%dma_start3A_974 : memref<128xi32, #tpu.memory_space<vmem>>) semaphore(%arg14 : memref<!tpu.dma_semaphore, #tpu.memory_space<semaphore_mem>>)
        } else {
        }
        %ge3A = arith.constant 3 : i32
        %ge3A_754 = arith.cmpi sge, %add3A_719, %ge3A : i32
        %convert_element_type3A_755 = arith.extui %ge3A_754 : i1 to i32
        %cond3A_756 = arith.constant 0 : i32
        %cond3A_757 = arith.cmpi ne, %convert_element_type3A_755, %cond3A_756 : i32
        scf.if %cond3A_757 {
          %sub3A_849 = arith.constant 3 : i32
          %sub3A_850 = arith.subi %add3A_719, %sub3A_849 : i32
          %add3A_851 = arith.addi %mul3A_2, %sub3A_850 : i32
          %jit3A_852 = arith.constant 25 : i32
          %div3A_853 = arith.divsi %add3A_851, %jit3A_852 : i32
          %sign3A_854 = arith.constant 0 : i32
          %sign3A_855 = arith.cmpi sgt, %add3A_851, %sign3A_854 : i32
          %sign3A_856 = arith.extui %sign3A_855 : i1 to i32
          %sign3A_857 = arith.constant 0 : i32
          %sign3A_858 = arith.cmpi slt, %add3A_851, %sign3A_857 : i32
          %sign3A_859 = arith.extui %sign3A_858 : i1 to i32
          %sign3A_860 = arith.subi %sign3A_856, %sign3A_859 : i32
          %sign3A_861 = arith.constant 0 : i32
          %sign3A_862 = arith.cmpi sgt, %jit3A_852, %sign3A_861 : i32
          %sign3A_863 = arith.extui %sign3A_862 : i1 to i32
          %sign3A_864 = arith.constant 0 : i32
          %sign3A_865 = arith.cmpi slt, %jit3A_852, %sign3A_864 : i32
          %sign3A_866 = arith.extui %sign3A_865 : i1 to i32
          %sign3A_867 = arith.subi %sign3A_863, %sign3A_866 : i32
          %ne3A_868 = arith.cmpi ne, %sign3A_860, %sign3A_867 : i32
          %rem3A_869 = arith.remsi %add3A_851, %jit3A_852 : i32
          %ne3A_870 = arith.constant 0 : i32
          %ne3A_871 = arith.cmpi ne, %rem3A_869, %ne3A_870 : i32
          %and3A_872 = arith.andi %ne3A_868, %ne3A_871 : i1
          %sub3A_873 = arith.constant 1 : i32
          %sub3A_874 = arith.subi %div3A_853, %sub3A_873 : i32
          %select_n3A_875 = arith.select %and3A_872, %sub3A_874, %div3A_853 : i32
          %jit3A_876 = arith.constant 25 : i32
          %eq3A_877 = arith.constant 0 : i32
          %eq3A_878 = arith.cmpi eq, %jit3A_876, %eq3A_877 : i32
          %jit3A_879 = arith.constant 1 : i32
          %select_n3A_880 = arith.select %eq3A_878, %jit3A_879, %jit3A_876 : i32
          %rem3A_881 = arith.remsi %add3A_851, %select_n3A_880 : i32
          %ne3A_882 = arith.constant 0 : i32
          %ne3A_883 = arith.cmpi ne, %rem3A_881, %ne3A_882 : i32
          %lt3A_884 = arith.constant 0 : i32
          %lt3A_885 = arith.cmpi slt, %rem3A_881, %lt3A_884 : i32
          %lt3A_886 = arith.constant 0 : i32
          %lt3A_887 = arith.cmpi slt, %select_n3A_880, %lt3A_886 : i32
          %ne3A_888 = arith.xori %lt3A_885, %lt3A_887 : i1
          %and3A_889 = arith.andi %ne3A_888, %ne3A_883 : i1
          %add3A_890 = arith.addi %rem3A_881, %select_n3A_880 : i32
          %select_n3A_891 = arith.select %and3A_889, %add3A_890, %rem3A_881 : i32
          %mul3A_892 = arith.constant 8 : i32
          %mul3A_893 = arith.muli %select_n3A_891, %mul3A_892 : i32
          %mul3A_894 = arith.constant 8 : i32
          %mul3A_895 = arith.muli %select_n3A_891, %mul3A_894 : i32
          %dma_wait3A_896 = arith.constant 0 : i32
          %dma_wait3A_897 = arith.constant 0 : i32
          %dma_wait3A_898 = arith.constant 0 : i32
          %dma_wait3A_899 = arith.constant 0 : i32
          %dma_wait3A_900 = arith.constant 0 : i32
          %dma_wait3A_901 = tpu.memref_slice %arg12[%dma_wait3A_896, %dma_wait3A_897, %dma_wait3A_898, %dma_wait3A_899, %dma_wait3A_900] : memref<8x2x1x8x129xf32, #tpu.memory_space<vmem>> -> memref<8x1x1x8x128xf32, #tpu.memory_space<vmem>>
          %dma_wait3A_902 = arith.constant 0 : i32
          %dma_wait3A_903 = arith.constant 0 : i32
          %dma_wait3A_904 = arith.constant 0 : i32
          %dma_wait3A_905 = tpu.memref_slice %arg4[%mul3A_893, %dma_wait3A_902, %select_n3A_875, %dma_wait3A_903, %dma_wait3A_904] : memref<200x2x128x8x128xf32, #tpu.memory_space<hbm>> -> memref<8x1x1x8x128xf32, #tpu.memory_space<hbm>>
          %dma_wait3A_906 = arith.constant 0 : i32
          %dma_wait3A_907 = arith.constant 0 : i32
          %dma_wait3A_908 = arith.constant 0 : i32
          %dma_wait3A_909 = tpu.memref_slice %arg4[%mul3A_893, %dma_wait3A_906, %select_n3A_875, %dma_wait3A_907, %dma_wait3A_908] : memref<200x2x128x8x128xf32, #tpu.memory_space<hbm>> -> memref<8x1x1x8x128xf32, #tpu.memory_space<hbm>>
          %dma_wait3A_910 = arith.constant 0 : i32
          %dma_wait3A_911 = arith.constant 0 : i32
          %dma_wait3A_912 = arith.constant 0 : i32
          %dma_wait3A_913 = arith.constant 0 : i32
          %dma_wait3A_914 = arith.constant 0 : i32
          %dma_wait3A_915 = tpu.memref_slice %arg12[%dma_wait3A_910, %dma_wait3A_911, %dma_wait3A_912, %dma_wait3A_913, %dma_wait3A_914] : memref<8x2x1x8x129xf32, #tpu.memory_space<vmem>> -> memref<8x1x1x8x128xf32, #tpu.memory_space<vmem>>
          tpu.wait_dma2 semaphore(%arg18 : memref<!tpu.dma_semaphore, #tpu.memory_space<semaphore_mem>>) src(%dma_wait3A_915 : memref<8x1x1x8x128xf32, #tpu.memory_space<vmem>>) dst(%dma_wait3A_909 : memref<8x1x1x8x128xf32, #tpu.memory_space<hbm>>)
          %dma_wait3A_916 = arith.constant 0 : i32
          %dma_wait3A_917 = arith.constant 1 : i32
          %dma_wait3A_918 = arith.constant 0 : i32
          %dma_wait3A_919 = arith.constant 0 : i32
          %dma_wait3A_920 = arith.constant 0 : i32
          %dma_wait3A_921 = tpu.memref_slice %arg12[%dma_wait3A_916, %dma_wait3A_917, %dma_wait3A_918, %dma_wait3A_919, %dma_wait3A_920] : memref<8x2x1x8x129xf32, #tpu.memory_space<vmem>> -> memref<8x1x1x8x128xf32, #tpu.memory_space<vmem>>
          %dma_wait3A_922 = arith.constant 1 : i32
          %dma_wait3A_923 = arith.constant 0 : i32
          %dma_wait3A_924 = arith.constant 0 : i32
          %dma_wait3A_925 = tpu.memref_slice %arg4[%mul3A_895, %dma_wait3A_922, %select_n3A_875, %dma_wait3A_923, %dma_wait3A_924] : memref<200x2x128x8x128xf32, #tpu.memory_space<hbm>> -> memref<8x1x1x8x128xf32, #tpu.memory_space<hbm>>
          %dma_wait3A_926 = arith.constant 1 : i32
          %dma_wait3A_927 = arith.constant 0 : i32
          %dma_wait3A_928 = arith.constant 0 : i32
          %dma_wait3A_929 = tpu.memref_slice %arg4[%mul3A_895, %dma_wait3A_926, %select_n3A_875, %dma_wait3A_927, %dma_wait3A_928] : memref<200x2x128x8x128xf32, #tpu.memory_space<hbm>> -> memref<8x1x1x8x128xf32, #tpu.memory_space<hbm>>
          %dma_wait3A_930 = arith.constant 0 : i32
          %dma_wait3A_931 = arith.constant 1 : i32
          %dma_wait3A_932 = arith.constant 0 : i32
          %dma_wait3A_933 = arith.constant 0 : i32
          %dma_wait3A_934 = arith.constant 0 : i32
          %dma_wait3A_935 = tpu.memref_slice %arg12[%dma_wait3A_930, %dma_wait3A_931, %dma_wait3A_932, %dma_wait3A_933, %dma_wait3A_934] : memref<8x2x1x8x129xf32, #tpu.memory_space<vmem>> -> memref<8x1x1x8x128xf32, #tpu.memory_space<vmem>>
          tpu.wait_dma2 semaphore(%arg18 : memref<!tpu.dma_semaphore, #tpu.memory_space<semaphore_mem>>) src(%dma_wait3A_935 : memref<8x1x1x8x128xf32, #tpu.memory_space<vmem>>) dst(%dma_wait3A_929 : memref<8x1x1x8x128xf32, #tpu.memory_space<hbm>>)
        } else {
        }
        %scan3A_758 = arith.constant 0 : i32
        %scan3A_759 = arith.constant 0 : i32
        %scan3A_760 = arith.constant 8 : i32
        %scan3A_761 = arith.addi %scan3A_759, %scan3A_760 : i32
        %scan3A_762 = arith.constant 1 : i32
        scf.for %scan3A_849 = %scan3A_759 to %scan3A_761 step %scan3A_762  : i32 {
          %add3A_850 = vector.broadcast %scan3A_849 : i32 to vector<16xi32>
          %add3A_851 = arith.addi %broadcast_in_dim3A_46, %add3A_850 : vector<16xi32>
          %scan3A_852 = arith.constant 0 : i32
          %scan3A_853 = arith.constant 16 : i32
          %scan3A_854 = arith.addi %scan3A_852, %scan3A_853 : i32
          %scan3A_855 = arith.constant 1 : i32
          scf.for %scan3A_857 = %scan3A_852 to %scan3A_854 step %scan3A_855  : i32 {
            %mul3A_858 = arith.constant 8 : i32
            %mul3A_859 = arith.muli %scan3A_857, %mul3A_858 : i32
            %add3A_860 = arith.constant 0 : i32
            %add3A_861 = arith.addi %mul3A_859, %add3A_860 : i32
            %mul3A_862 = arith.constant 128 : i32
            %mul3A_863 = arith.muli %scan3A_849, %mul3A_862 : i32
            %add3A_864 = arith.addi %mul3A_863, %add3A_861 : i32
            %get3A = arith.index_cast %add3A_864 : i32 to index
            %get3A_865 = arith.constant 0 : index
            %get3A_866 = tpu.vector_load %arg9[%get3A, %get3A_865] {strides = array<i32>} : memref<1024x16xf32, #tpu.memory_space<vmem>>, vector<16xf32>,
            %add3A_867 = vector.broadcast %add3A_861 : i32 to vector<16xi32>
            %add3A_868 = arith.addi %broadcast_in_dim3A_46, %add3A_867 : vector<16xi32>
            tpu.vector_store_idx %arg12[%add3A_851, %select_n3A, %broadcast_in_dim3A_46, %select_n3A_45, %add3A_868], %get3A_866 : memref<8x2x1x8x129xf32, #tpu.memory_space<vmem>>[vector<16xi32>, vector<16xi32>, vector<16xi32>, vector<16xi32>, vector<16xi32>], vector<16xf32>,
            %mul3A_869 = arith.constant 8 : i32
            %mul3A_870 = arith.muli %scan3A_857, %mul3A_869 : i32
            %add3A_871 = arith.constant 1 : i32
            %add3A_872 = arith.addi %mul3A_870, %add3A_871 : i32
            %mul3A_873 = arith.constant 128 : i32
            %mul3A_874 = arith.muli %scan3A_849, %mul3A_873 : i32
            %add3A_875 = arith.addi %mul3A_874, %add3A_872 : i32
            %get3A_876 = arith.index_cast %add3A_875 : i32 to index
            %get3A_877 = arith.constant 0 : index
            %get3A_878 = tpu.vector_load %arg9[%get3A_876, %get3A_877] {strides = array<i32>} : memref<1024x16xf32, #tpu.memory_space<vmem>>, vector<16xf32>,
            %add3A_879 = vector.broadcast %add3A_872 : i32 to vector<16xi32>
            %add3A_880 = arith.addi %broadcast_in_dim3A_46, %add3A_879 : vector<16xi32>
            tpu.vector_store_idx %arg12[%add3A_851, %select_n3A, %broadcast_in_dim3A_46, %select_n3A_45, %add3A_880], %get3A_878 : memref<8x2x1x8x129xf32, #tpu.memory_space<vmem>>[vector<16xi32>, vector<16xi32>, vector<16xi32>, vector<16xi32>, vector<16xi32>], vector<16xf32>,
            %mul3A_881 = arith.constant 8 : i32
            %mul3A_882 = arith.muli %scan3A_857, %mul3A_881 : i32
            %add3A_883 = arith.constant 2 : i32
            %add3A_884 = arith.addi %mul3A_882, %add3A_883 : i32
            %mul3A_885 = arith.constant 128 : i32
            %mul3A_886 = arith.muli %scan3A_849, %mul3A_885 : i32
            %add3A_887 = arith.addi %mul3A_886, %add3A_884 : i32
            %get3A_888 = arith.index_cast %add3A_887 : i32 to index
            %get3A_889 = arith.constant 0 : index
            %get3A_890 = tpu.vector_load %arg9[%get3A_888, %get3A_889] {strides = array<i32>} : memref<1024x16xf32, #tpu.memory_space<vmem>>, vector<16xf32>,
            %add3A_891 = vector.broadcast %add3A_884 : i32 to vector<16xi32>
            %add3A_892 = arith.addi %broadcast_in_dim3A_46, %add3A_891 : vector<16xi32>
            tpu.vector_store_idx %arg12[%add3A_851, %select_n3A, %broadcast_in_dim3A_46, %select_n3A_45, %add3A_892], %get3A_890 : memref<8x2x1x8x129xf32, #tpu.memory_space<vmem>>[vector<16xi32>, vector<16xi32>, vector<16xi32>, vector<16xi32>, vector<16xi32>], vector<16xf32>,
            %mul3A_893 = arith.constant 8 : i32
            %mul3A_894 = arith.muli %scan3A_857, %mul3A_893 : i32
            %add3A_895 = arith.constant 3 : i32
            %add3A_896 = arith.addi %mul3A_894, %add3A_895 : i32
            %mul3A_897 = arith.constant 128 : i32
            %mul3A_898 = arith.muli %scan3A_849, %mul3A_897 : i32
            %add3A_899 = arith.addi %mul3A_898, %add3A_896 : i32
            %get3A_900 = arith.index_cast %add3A_899 : i32 to index
            %get3A_901 = arith.constant 0 : index
            %get3A_902 = tpu.vector_load %arg9[%get3A_900, %get3A_901] {strides = array<i32>} : memref<1024x16xf32, #tpu.memory_space<vmem>>, vector<16xf32>,
            %add3A_903 = vector.broadcast %add3A_896 : i32 to vector<16xi32>
            %add3A_904 = arith.addi %broadcast_in_dim3A_46, %add3A_903 : vector<16xi32>
            tpu.vector_store_idx %arg12[%add3A_851, %select_n3A, %broadcast_in_dim3A_46, %select_n3A_45, %add3A_904], %get3A_902 : memref<8x2x1x8x129xf32, #tpu.memory_space<vmem>>[vector<16xi32>, vector<16xi32>, vector<16xi32>, vector<16xi32>, vector<16xi32>], vector<16xf32>,
            %mul3A_905 = arith.constant 8 : i32
            %mul3A_906 = arith.muli %scan3A_857, %mul3A_905 : i32
            %add3A_907 = arith.constant 4 : i32
            %add3A_908 = arith.addi %mul3A_906, %add3A_907 : i32
            %mul3A_909 = arith.constant 128 : i32
            %mul3A_910 = arith.muli %scan3A_849, %mul3A_909 : i32
            %add3A_911 = arith.addi %mul3A_910, %add3A_908 : i32
            %get3A_912 = arith.index_cast %add3A_911 : i32 to index
            %get3A_913 = arith.constant 0 : index
            %get3A_914 = tpu.vector_load %arg9[%get3A_912, %get3A_913] {strides = array<i32>} : memref<1024x16xf32, #tpu.memory_space<vmem>>, vector<16xf32>,
            %add3A_915 = vector.broadcast %add3A_908 : i32 to vector<16xi32>
            %add3A_916 = arith.addi %broadcast_in_dim3A_46, %add3A_915 : vector<16xi32>
            tpu.vector_store_idx %arg12[%add3A_851, %select_n3A, %broadcast_in_dim3A_46, %select_n3A_45, %add3A_916], %get3A_914 : memref<8x2x1x8x129xf32, #tpu.memory_space<vmem>>[vector<16xi32>, vector<16xi32>, vector<16xi32>, vector<16xi32>, vector<16xi32>], vector<16xf32>,
            %mul3A_917 = arith.constant 8 : i32
            %mul3A_918 = arith.muli %scan3A_857, %mul3A_917 : i32
            %add3A_919 = arith.constant 5 : i32
            %add3A_920 = arith.addi %mul3A_918, %add3A_919 : i32
            %mul3A_921 = arith.constant 128 : i32
            %mul3A_922 = arith.muli %scan3A_849, %mul3A_921 : i32
            %add3A_923 = arith.addi %mul3A_922, %add3A_920 : i32
            %get3A_924 = arith.index_cast %add3A_923 : i32 to index
            %get3A_925 = arith.constant 0 : index
            %get3A_926 = tpu.vector_load %arg9[%get3A_924, %get3A_925] {strides = array<i32>} : memref<1024x16xf32, #tpu.memory_space<vmem>>, vector<16xf32>,
            %add3A_927 = vector.broadcast %add3A_920 : i32 to vector<16xi32>
            %add3A_928 = arith.addi %broadcast_in_dim3A_46, %add3A_927 : vector<16xi32>
            tpu.vector_store_idx %arg12[%add3A_851, %select_n3A, %broadcast_in_dim3A_46, %select_n3A_45, %add3A_928], %get3A_926 : memref<8x2x1x8x129xf32, #tpu.memory_space<vmem>>[vector<16xi32>, vector<16xi32>, vector<16xi32>, vector<16xi32>, vector<16xi32>], vector<16xf32>,
            %mul3A_929 = arith.constant 8 : i32
            %mul3A_930 = arith.muli %scan3A_857, %mul3A_929 : i32
            %add3A_931 = arith.constant 6 : i32
            %add3A_932 = arith.addi %mul3A_930, %add3A_931 : i32
            %mul3A_933 = arith.constant 128 : i32
            %mul3A_934 = arith.muli %scan3A_849, %mul3A_933 : i32
            %add3A_935 = arith.addi %mul3A_934, %add3A_932 : i32
            %get3A_936 = arith.index_cast %add3A_935 : i32 to index
            %get3A_937 = arith.constant 0 : index
            %get3A_938 = tpu.vector_load %arg9[%get3A_936, %get3A_937] {strides = array<i32>} : memref<1024x16xf32, #tpu.memory_space<vmem>>, vector<16xf32>,
            %add3A_939 = vector.broadcast %add3A_932 : i32 to vector<16xi32>
            %add3A_940 = arith.addi %broadcast_in_dim3A_46, %add3A_939 : vector<16xi32>
            tpu.vector_store_idx %arg12[%add3A_851, %select_n3A, %broadcast_in_dim3A_46, %select_n3A_45, %add3A_940], %get3A_938 : memref<8x2x1x8x129xf32, #tpu.memory_space<vmem>>[vector<16xi32>, vector<16xi32>, vector<16xi32>, vector<16xi32>, vector<16xi32>], vector<16xf32>,
            %mul3A_941 = arith.constant 8 : i32
            %mul3A_942 = arith.muli %scan3A_857, %mul3A_941 : i32
            %add3A_943 = arith.constant 7 : i32
            %add3A_944 = arith.addi %mul3A_942, %add3A_943 : i32
            %mul3A_945 = arith.constant 128 : i32
            %mul3A_946 = arith.muli %scan3A_849, %mul3A_945 : i32
            %add3A_947 = arith.addi %mul3A_946, %add3A_944 : i32
            %get3A_948 = arith.index_cast %add3A_947 : i32 to index
            %get3A_949 = arith.constant 0 : index
            %get3A_950 = tpu.vector_load %arg9[%get3A_948, %get3A_949] {strides = array<i32>} : memref<1024x16xf32, #tpu.memory_space<vmem>>, vector<16xf32>,
            %add3A_951 = vector.broadcast %add3A_944 : i32 to vector<16xi32>
            %add3A_952 = arith.addi %broadcast_in_dim3A_46, %add3A_951 : vector<16xi32>
            tpu.vector_store_idx %arg12[%add3A_851, %select_n3A, %broadcast_in_dim3A_46, %select_n3A_45, %add3A_952], %get3A_950 : memref<8x2x1x8x129xf32, #tpu.memory_space<vmem>>[vector<16xi32>, vector<16xi32>, vector<16xi32>, vector<16xi32>, vector<16xi32>], vector<16xf32>,
          }
          %scan3A_856 = arith.constant 16 : i32
        }
        %scan3A_763 = arith.constant 8 : i32
        %add3A_764 = arith.addi %mul3A_2, %add3A_719 : i32
        %jit3A_765 = arith.constant 25 : i32
        %div3A_766 = arith.divsi %add3A_764, %jit3A_765 : i32
        %sign3A_767 = arith.constant 0 : i32
        %sign3A_768 = arith.cmpi sgt, %add3A_764, %sign3A_767 : i32
        %sign3A_769 = arith.extui %sign3A_768 : i1 to i32
        %sign3A_770 = arith.constant 0 : i32
        %sign3A_771 = arith.cmpi slt, %add3A_764, %sign3A_770 : i32
        %sign3A_772 = arith.extui %sign3A_771 : i1 to i32
        %sign3A_773 = arith.subi %sign3A_769, %sign3A_772 : i32
        %sign3A_774 = arith.constant 0 : i32
        %sign3A_775 = arith.cmpi sgt, %jit3A_765, %sign3A_774 : i32
        %sign3A_776 = arith.extui %sign3A_775 : i1 to i32
        %sign3A_777 = arith.constant 0 : i32
        %sign3A_778 = arith.cmpi slt, %jit3A_765, %sign3A_777 : i32
        %sign3A_779 = arith.extui %sign3A_778 : i1 to i32
        %sign3A_780 = arith.subi %sign3A_776, %sign3A_779 : i32
        %ne3A_781 = arith.cmpi ne, %sign3A_773, %sign3A_780 : i32
        %rem3A_782 = arith.remsi %add3A_764, %jit3A_765 : i32
        %ne3A_783 = arith.constant 0 : i32
        %ne3A_784 = arith.cmpi ne, %rem3A_782, %ne3A_783 : i32
        %and3A_785 = arith.andi %ne3A_781, %ne3A_784 : i1
        %sub3A_786 = arith.constant 1 : i32
        %sub3A_787 = arith.subi %div3A_766, %sub3A_786 : i32
        %select_n3A_788 = arith.select %and3A_785, %sub3A_787, %div3A_766 : i32
        %jit3A_789 = arith.constant 25 : i32
        %eq3A_790 = arith.constant 0 : i32
        %eq3A_791 = arith.cmpi eq, %jit3A_789, %eq3A_790 : i32
        %jit3A_792 = arith.constant 1 : i32
        %select_n3A_793 = arith.select %eq3A_791, %jit3A_792, %jit3A_789 : i32
        %rem3A_794 = arith.remsi %add3A_764, %select_n3A_793 : i32
        %ne3A_795 = arith.constant 0 : i32
        %ne3A_796 = arith.cmpi ne, %rem3A_794, %ne3A_795 : i32
        %lt3A_797 = arith.constant 0 : i32
        %lt3A_798 = arith.cmpi slt, %rem3A_794, %lt3A_797 : i32
        %lt3A_799 = arith.constant 0 : i32
        %lt3A_800 = arith.cmpi slt, %select_n3A_793, %lt3A_799 : i32
        %ne3A_801 = arith.xori %lt3A_798, %lt3A_800 : i1
        %and3A_802 = arith.andi %ne3A_801, %ne3A_796 : i1
        %add3A_803 = arith.addi %rem3A_794, %select_n3A_793 : i32
        %select_n3A_804 = arith.select %and3A_802, %add3A_803, %rem3A_794 : i32
        %mul3A_805 = arith.constant 8 : i32
        %mul3A_806 = arith.muli %select_n3A_804, %mul3A_805 : i32
        %mul3A_807 = arith.constant 8 : i32
        %mul3A_808 = arith.muli %select_n3A_804, %mul3A_807 : i32
        %dma_start3A_809 = arith.constant 0 : i32
        %dma_start3A_810 = arith.constant 0 : i32
        %dma_start3A_811 = arith.constant 0 : i32
        %dma_start3A_812 = arith.constant 0 : i32
        %dma_start3A_813 = arith.constant 0 : i32
        %dma_start3A_814 = tpu.memref_slice %arg12[%dma_start3A_809, %dma_start3A_810, %dma_start3A_811, %dma_start3A_812, %dma_start3A_813] : memref<8x2x1x8x129xf32, #tpu.memory_space<vmem>> -> memref<8x1x1x8x128xf32, #tpu.memory_space<vmem>>
        %dma_start3A_815 = arith.constant 0 : i32
        %dma_start3A_816 = arith.constant 0 : i32
        %dma_start3A_817 = arith.constant 0 : i32
        %dma_start3A_818 = tpu.memref_slice %arg4[%mul3A_806, %dma_start3A_815, %select_n3A_788, %dma_start3A_816, %dma_start3A_817] : memref<200x2x128x8x128xf32, #tpu.memory_space<hbm>> -> memref<8x1x1x8x128xf32, #tpu.memory_space<hbm>>
        %dma_start3A_819 = arith.constant 0 : i32
        %dma_start3A_820 = arith.constant 0 : i32
        %dma_start3A_821 = arith.constant 0 : i32
        %dma_start3A_822 = tpu.memref_slice %arg4[%mul3A_806, %dma_start3A_819, %select_n3A_788, %dma_start3A_820, %dma_start3A_821] : memref<200x2x128x8x128xf32, #tpu.memory_space<hbm>> -> memref<8x1x1x8x128xf32, #tpu.memory_space<hbm>>
        %dma_start3A_823 = arith.constant 0 : i32
        %dma_start3A_824 = arith.constant 0 : i32
        %dma_start3A_825 = arith.constant 0 : i32
        %dma_start3A_826 = arith.constant 0 : i32
        %dma_start3A_827 = arith.constant 0 : i32
        %dma_start3A_828 = tpu.memref_slice %arg12[%dma_start3A_823, %dma_start3A_824, %dma_start3A_825, %dma_start3A_826, %dma_start3A_827] : memref<8x2x1x8x129xf32, #tpu.memory_space<vmem>> -> memref<8x1x1x8x128xf32, #tpu.memory_space<vmem>>
        tpu.enqueue_dma source(%dma_start3A_828 : memref<8x1x1x8x128xf32, #tpu.memory_space<vmem>>) target(%dma_start3A_822 : memref<8x1x1x8x128xf32, #tpu.memory_space<hbm>>) target_semaphore(%arg18 : memref<!tpu.dma_semaphore, #tpu.memory_space<semaphore_mem>>)
        %dma_start3A_829 = arith.constant 0 : i32
        %dma_start3A_830 = arith.constant 1 : i32
        %dma_start3A_831 = arith.constant 0 : i32
        %dma_start3A_832 = arith.constant 0 : i32
        %dma_start3A_833 = arith.constant 0 : i32
        %dma_start3A_834 = tpu.memref_slice %arg12[%dma_start3A_829, %dma_start3A_830, %dma_start3A_831, %dma_start3A_832, %dma_start3A_833] : memref<8x2x1x8x129xf32, #tpu.memory_space<vmem>> -> memref<8x1x1x8x128xf32, #tpu.memory_space<vmem>>
        %dma_start3A_835 = arith.constant 1 : i32
        %dma_start3A_836 = arith.constant 0 : i32
        %dma_start3A_837 = arith.constant 0 : i32
        %dma_start3A_838 = tpu.memref_slice %arg4[%mul3A_808, %dma_start3A_835, %select_n3A_788, %dma_start3A_836, %dma_start3A_837] : memref<200x2x128x8x128xf32, #tpu.memory_space<hbm>> -> memref<8x1x1x8x128xf32, #tpu.memory_space<hbm>>
        %dma_start3A_839 = arith.constant 1 : i32
        %dma_start3A_840 = arith.constant 0 : i32
        %dma_start3A_841 = arith.constant 0 : i32
        %dma_start3A_842 = tpu.memref_slice %arg4[%mul3A_808, %dma_start3A_839, %select_n3A_788, %dma_start3A_840, %dma_start3A_841] : memref<200x2x128x8x128xf32, #tpu.memory_space<hbm>> -> memref<8x1x1x8x128xf32, #tpu.memory_space<hbm>>
        %dma_start3A_843 = arith.constant 0 : i32
        %dma_start3A_844 = arith.constant 1 : i32
        %dma_start3A_845 = arith.constant 0 : i32
        %dma_start3A_846 = arith.constant 0 : i32
        %dma_start3A_847 = arith.constant 0 : i32
        %dma_start3A_848 = tpu.memref_slice %arg12[%dma_start3A_843, %dma_start3A_844, %dma_start3A_845, %dma_start3A_846, %dma_start3A_847] : memref<8x2x1x8x129xf32, #tpu.memory_space<vmem>> -> memref<8x1x1x8x128xf32, #tpu.memory_space<vmem>>
        tpu.enqueue_dma source(%dma_start3A_848 : memref<8x1x1x8x128xf32, #tpu.memory_space<vmem>>) target(%dma_start3A_842 : memref<8x1x1x8x128xf32, #tpu.memory_space<hbm>>) target_semaphore(%arg18 : memref<!tpu.dma_semaphore, #tpu.memory_space<semaphore_mem>>)
      } else {
      }
      %mul3A_725 = arith.constant 3 : i32
      %mul3A_726 = arith.muli %mul3A_725, %scan3A_708 : i32
      %add3A_727 = arith.constant 2 : i32
      %add3A_728 = arith.addi %mul3A_726, %add3A_727 : i32
      %lt3A_729 = arith.constant 100 : i32
      %lt3A_730 = arith.cmpi slt, %add3A_728, %lt3A_729 : i32
      %convert_element_type3A_731 = arith.extui %lt3A_730 : i1 to i32
      %cond3A_732 = arith.constant 0 : i32
      %cond3A_733 = arith.cmpi ne, %convert_element_type3A_731, %cond3A_732 : i32
      scf.if %cond3A_733 {
        %dma_wait3A_734 = arith.constant 0 : i32
        %dma_wait3A_735 = arith.constant 0 : i32
        %dma_wait3A_736 = tpu.memref_slice %arg2[%dma_wait3A_734, %dma_wait3A_735] : memref<100001x16xf32, #tpu.memory_space<hbm>> -> memref<1024x16xf32, #tpu.memory_space<hbm>>
        %dma_wait3A_737 = arith.constant 0 : i32
        %dma_wait3A_738 = arith.constant 0 : i32
        %dma_wait3A_739 = tpu.memref_slice %arg2[%dma_wait3A_737, %dma_wait3A_738] : memref<100001x16xf32, #tpu.memory_space<hbm>> -> memref<1024x16xf32, #tpu.memory_space<hbm>>
        tpu.wait_dma2 semaphore(%arg16 : memref<!tpu.dma_semaphore, #tpu.memory_space<semaphore_mem>>) src(%dma_wait3A_739 : memref<1024x16xf32, #tpu.memory_space<hbm>>) dst(%arg10 : memref<1024x16xf32, #tpu.memory_space<vmem>>)
        %add3A_740 = arith.constant 3 : i32
        %add3A_741 = arith.addi %add3A_728, %add3A_740 : i32
        %lt3A_742 = arith.constant 100 : i32
        %lt3A_743 = arith.cmpi slt, %add3A_741, %lt3A_742 : i32
        %convert_element_type3A_744 = arith.extui %lt3A_743 : i1 to i32
        %cond3A_745 = arith.constant 0 : i32
        %cond3A_746 = arith.cmpi ne, %convert_element_type3A_744, %cond3A_745 : i32
        scf.if %cond3A_746 {
          %add3A_849 = arith.constant 3 : i32
          %add3A_850 = arith.addi %add3A_728, %add3A_849 : i32
          %add3A_851 = arith.addi %mul3A_2, %add3A_850 : i32
          %jit3A_852 = arith.constant 25 : i32
          %div3A_853 = arith.divsi %add3A_851, %jit3A_852 : i32
          %sign3A_854 = arith.constant 0 : i32
          %sign3A_855 = arith.cmpi sgt, %add3A_851, %sign3A_854 : i32
          %sign3A_856 = arith.extui %sign3A_855 : i1 to i32
          %sign3A_857 = arith.constant 0 : i32
          %sign3A_858 = arith.cmpi slt, %add3A_851, %sign3A_857 : i32
          %sign3A_859 = arith.extui %sign3A_858 : i1 to i32
          %sign3A_860 = arith.subi %sign3A_856, %sign3A_859 : i32
          %sign3A_861 = arith.constant 0 : i32
          %sign3A_862 = arith.cmpi sgt, %jit3A_852, %sign3A_861 : i32
          %sign3A_863 = arith.extui %sign3A_862 : i1 to i32
          %sign3A_864 = arith.constant 0 : i32
          %sign3A_865 = arith.cmpi slt, %jit3A_852, %sign3A_864 : i32
          %sign3A_866 = arith.extui %sign3A_865 : i1 to i32
          %sign3A_867 = arith.subi %sign3A_863, %sign3A_866 : i32
          %ne3A_868 = arith.cmpi ne, %sign3A_860, %sign3A_867 : i32
          %rem3A_869 = arith.remsi %add3A_851, %jit3A_852 : i32
          %ne3A_870 = arith.constant 0 : i32
          %ne3A_871 = arith.cmpi ne, %rem3A_869, %ne3A_870 : i32
          %and3A_872 = arith.andi %ne3A_868, %ne3A_871 : i1
          %sub3A_873 = arith.constant 1 : i32
          %sub3A_874 = arith.subi %div3A_853, %sub3A_873 : i32
          %select_n3A_875 = arith.select %and3A_872, %sub3A_874, %div3A_853 : i32
          %jit3A_876 = arith.constant 25 : i32
          %eq3A_877 = arith.constant 0 : i32
          %eq3A_878 = arith.cmpi eq, %jit3A_876, %eq3A_877 : i32
          %jit3A_879 = arith.constant 1 : i32
          %select_n3A_880 = arith.select %eq3A_878, %jit3A_879, %jit3A_876 : i32
          %rem3A_881 = arith.remsi %add3A_851, %select_n3A_880 : i32
          %ne3A_882 = arith.constant 0 : i32
          %ne3A_883 = arith.cmpi ne, %rem3A_881, %ne3A_882 : i32
          %lt3A_884 = arith.constant 0 : i32
          %lt3A_885 = arith.cmpi slt, %rem3A_881, %lt3A_884 : i32
          %lt3A_886 = arith.constant 0 : i32
          %lt3A_887 = arith.cmpi slt, %select_n3A_880, %lt3A_886 : i32
          %ne3A_888 = arith.xori %lt3A_885, %lt3A_887 : i1
          %and3A_889 = arith.andi %ne3A_888, %ne3A_883 : i1
          %add3A_890 = arith.addi %rem3A_881, %select_n3A_880 : i32
          %select_n3A_891 = arith.select %and3A_889, %add3A_890, %rem3A_881 : i32
          %mul3A_892 = arith.constant 8 : i32
          %mul3A_893 = arith.muli %select_n3A_891, %mul3A_892 : i32
          %mul3A_894 = arith.constant 128 : i32
          %mul3A_895 = arith.muli %select_n3A_875, %mul3A_894 : i32
          %dma_start3A_896 = tpu.memref_slice %arg3[%mul3A_893, %mul3A_895] : memref<200x16384xi32, #tpu.memory_space<hbm>> -> memref<8x128xi32, #tpu.memory_space<hbm>>
          %dma_start3A_897 = tpu.memref_slice %arg3[%mul3A_893, %mul3A_895] : memref<200x16384xi32, #tpu.memory_space<hbm>> -> memref<8x128xi32, #tpu.memory_space<hbm>>
          tpu.enqueue_dma source(%dma_start3A_897 : memref<8x128xi32, #tpu.memory_space<hbm>>) target(%arg7 : memref<8x128xi32, #tpu.memory_space<vmem>>) target_semaphore(%arg22 : memref<!tpu.dma_semaphore, #tpu.memory_space<semaphore_mem>>)
        } else {
        }
        %add3A_747 = arith.constant 2 : i32
        %add3A_748 = arith.addi %add3A_728, %add3A_747 : i32
        %lt3A_749 = arith.constant 100 : i32
        %lt3A_750 = arith.cmpi slt, %add3A_748, %lt3A_749 : i32
        %convert_element_type3A_751 = arith.extui %lt3A_750 : i1 to i32
        %cond3A_752 = arith.constant 0 : i32
        %cond3A_753 = arith.cmpi ne, %convert_element_type3A_751, %cond3A_752 : i32
        scf.if %cond3A_753 {
          %add3A_849 = arith.constant 2 : i32
          %add3A_850 = arith.addi %add3A_728, %add3A_849 : i32
          %add3A_851 = arith.addi %mul3A_2, %add3A_850 : i32
          %jit3A_852 = arith.constant 25 : i32
          %div3A_853 = arith.divsi %add3A_851, %jit3A_852 : i32
          %sign3A_854 = arith.constant 0 : i32
          %sign3A_855 = arith.cmpi sgt, %add3A_851, %sign3A_854 : i32
          %sign3A_856 = arith.extui %sign3A_855 : i1 to i32
          %sign3A_857 = arith.constant 0 : i32
          %sign3A_858 = arith.cmpi slt, %add3A_851, %sign3A_857 : i32
          %sign3A_859 = arith.extui %sign3A_858 : i1 to i32
          %sign3A_860 = arith.subi %sign3A_856, %sign3A_859 : i32
          %sign3A_861 = arith.constant 0 : i32
          %sign3A_862 = arith.cmpi sgt, %jit3A_852, %sign3A_861 : i32
          %sign3A_863 = arith.extui %sign3A_862 : i1 to i32
          %sign3A_864 = arith.constant 0 : i32
          %sign3A_865 = arith.cmpi slt, %jit3A_852, %sign3A_864 : i32
          %sign3A_866 = arith.extui %sign3A_865 : i1 to i32
          %sign3A_867 = arith.subi %sign3A_863, %sign3A_866 : i32
          %ne3A_868 = arith.cmpi ne, %sign3A_860, %sign3A_867 : i32
          %rem3A_869 = arith.remsi %add3A_851, %jit3A_852 : i32
          %ne3A_870 = arith.constant 0 : i32
          %ne3A_871 = arith.cmpi ne, %rem3A_869, %ne3A_870 : i32
          %and3A_872 = arith.andi %ne3A_868, %ne3A_871 : i1
          %sub3A_873 = arith.constant 1 : i32
          %sub3A_874 = arith.subi %div3A_853, %sub3A_873 : i32
          %select_n3A_875 = arith.select %and3A_872, %sub3A_874, %div3A_853 : i32
          %jit3A_876 = arith.constant 25 : i32
          %eq3A_877 = arith.constant 0 : i32
          %eq3A_878 = arith.cmpi eq, %jit3A_876, %eq3A_877 : i32
          %jit3A_879 = arith.constant 1 : i32
          %select_n3A_880 = arith.select %eq3A_878, %jit3A_879, %jit3A_876 : i32
          %rem3A_881 = arith.remsi %add3A_851, %select_n3A_880 : i32
          %ne3A_882 = arith.constant 0 : i32
          %ne3A_883 = arith.cmpi ne, %rem3A_881, %ne3A_882 : i32
          %lt3A_884 = arith.constant 0 : i32
          %lt3A_885 = arith.cmpi slt, %rem3A_881, %lt3A_884 : i32
          %lt3A_886 = arith.constant 0 : i32
          %lt3A_887 = arith.cmpi slt, %select_n3A_880, %lt3A_886 : i32
          %ne3A_888 = arith.xori %lt3A_885, %lt3A_887 : i1
          %and3A_889 = arith.andi %ne3A_888, %ne3A_883 : i1
          %add3A_890 = arith.addi %rem3A_881, %select_n3A_880 : i32
          %select_n3A_891 = arith.select %and3A_889, %add3A_890, %rem3A_881 : i32
          %mul3A_892 = arith.constant 8 : i32
          %mul3A_893 = arith.muli %select_n3A_891, %mul3A_892 : i32
          %mul3A_894 = arith.constant 128 : i32
          %mul3A_895 = arith.muli %select_n3A_875, %mul3A_894 : i32
          %dma_wait3A_896 = tpu.memref_slice %arg3[%mul3A_893, %mul3A_895] : memref<200x16384xi32, #tpu.memory_space<hbm>> -> memref<8x128xi32, #tpu.memory_space<hbm>>
          %dma_wait3A_897 = tpu.memref_slice %arg3[%mul3A_893, %mul3A_895] : memref<200x16384xi32, #tpu.memory_space<hbm>> -> memref<8x128xi32, #tpu.memory_space<hbm>>
          tpu.wait_dma2 semaphore(%arg21 : memref<!tpu.dma_semaphore, #tpu.memory_space<semaphore_mem>>) src(%dma_wait3A_897 : memref<8x128xi32, #tpu.memory_space<hbm>>) dst(%arg6 : memref<8x128xi32, #tpu.memory_space<vmem>>)
          %dma_start3A_898 = arith.constant 0 : i32
          %dma_start3A_899 = arith.constant 0 : i32
          %dma_start3A_900 = arith.constant 0 : i32
          %dma_start3A_901 = tpu.memref_slice %arg9[%dma_start3A_899, %dma_start3A_900] : memref<1024x16xf32, #tpu.memory_space<vmem>> -> memref<128x16xf32, #tpu.memory_space<vmem>>
          %dma_start3A_902 = arith.constant 0 : i32
          %dma_start3A_903 = tpu.memref_slice %arg6[%dma_start3A_898, %dma_start3A_902] : memref<8x128xi32, #tpu.memory_space<vmem>> -> memref<1x128xi32, #tpu.memory_space<vmem>>
          %dma_start3A_904 = tpu.memref_squeeze %dma_start3A_903 : memref<1x128xi32, #tpu.memory_space<vmem>> -> memref<128xi32, #tpu.memory_space<vmem>>
          %dma_start3A_905 = arith.constant 0 : i32
          %dma_start3A_906 = arith.constant 0 : i32
          %dma_start3A_907 = tpu.memref_slice %arg2[%dma_start3A_905, %dma_start3A_906] : memref<100001x16xf32, #tpu.memory_space<hbm>> -> memref<100001x16xf32, #tpu.memory_space<hbm>>
          tpu.enqueue_indirect_dma source(%dma_start3A_907 : memref<100001x16xf32, #tpu.memory_space<hbm>>) target(%dma_start3A_901 : memref<128x16xf32, #tpu.memory_space<vmem>>) offsets(%dma_start3A_904 : memref<128xi32, #tpu.memory_space<vmem>>) semaphore(%arg15 : memref<!tpu.dma_semaphore, #tpu.memory_space<semaphore_mem>>)
          %dma_start3A_908 = arith.constant 1 : i32
          %dma_start3A_909 = arith.constant 128 : i32
          %dma_start3A_910 = arith.constant 0 : i32
          %dma_start3A_911 = tpu.memref_slice %arg9[%dma_start3A_909, %dma_start3A_910] : memref<1024x16xf32, #tpu.memory_space<vmem>> -> memref<128x16xf32, #tpu.memory_space<vmem>>
          %dma_start3A_912 = arith.constant 0 : i32
          %dma_start3A_913 = tpu.memref_slice %arg6[%dma_start3A_908, %dma_start3A_912] : memref<8x128xi32, #tpu.memory_space<vmem>> -> memref<1x128xi32, #tpu.memory_space<vmem>>
          %dma_start3A_914 = tpu.memref_squeeze %dma_start3A_913 : memref<1x128xi32, #tpu.memory_space<vmem>> -> memref<128xi32, #tpu.memory_space<vmem>>
          %dma_start3A_915 = arith.constant 0 : i32
          %dma_start3A_916 = arith.constant 0 : i32
          %dma_start3A_917 = tpu.memref_slice %arg2[%dma_start3A_915, %dma_start3A_916] : memref<100001x16xf32, #tpu.memory_space<hbm>> -> memref<100001x16xf32, #tpu.memory_space<hbm>>
          tpu.enqueue_indirect_dma source(%dma_start3A_917 : memref<100001x16xf32, #tpu.memory_space<hbm>>) target(%dma_start3A_911 : memref<128x16xf32, #tpu.memory_space<vmem>>) offsets(%dma_start3A_914 : memref<128xi32, #tpu.memory_space<vmem>>) semaphore(%arg15 : memref<!tpu.dma_semaphore, #tpu.memory_space<semaphore_mem>>)
          %dma_start3A_918 = arith.constant 2 : i32
          %dma_start3A_919 = arith.constant 256 : i32
          %dma_start3A_920 = arith.constant 0 : i32
          %dma_start3A_921 = tpu.memref_slice %arg9[%dma_start3A_919, %dma_start3A_920] : memref<1024x16xf32, #tpu.memory_space<vmem>> -> memref<128x16xf32, #tpu.memory_space<vmem>>
          %dma_start3A_922 = arith.constant 0 : i32
          %dma_start3A_923 = tpu.memref_slice %arg6[%dma_start3A_918, %dma_start3A_922] : memref<8x128xi32, #tpu.memory_space<vmem>> -> memref<1x128xi32, #tpu.memory_space<vmem>>
          %dma_start3A_924 = tpu.memref_squeeze %dma_start3A_923 : memref<1x128xi32, #tpu.memory_space<vmem>> -> memref<128xi32, #tpu.memory_space<vmem>>
          %dma_start3A_925 = arith.constant 0 : i32
          %dma_start3A_926 = arith.constant 0 : i32
          %dma_start3A_927 = tpu.memref_slice %arg2[%dma_start3A_925, %dma_start3A_926] : memref<100001x16xf32, #tpu.memory_space<hbm>> -> memref<100001x16xf32, #tpu.memory_space<hbm>>
          tpu.enqueue_indirect_dma source(%dma_start3A_927 : memref<100001x16xf32, #tpu.memory_space<hbm>>) target(%dma_start3A_921 : memref<128x16xf32, #tpu.memory_space<vmem>>) offsets(%dma_start3A_924 : memref<128xi32, #tpu.memory_space<vmem>>) semaphore(%arg15 : memref<!tpu.dma_semaphore, #tpu.memory_space<semaphore_mem>>)
          %dma_start3A_928 = arith.constant 3 : i32
          %dma_start3A_929 = arith.constant 384 : i32
          %dma_start3A_930 = arith.constant 0 : i32
          %dma_start3A_931 = tpu.memref_slice %arg9[%dma_start3A_929, %dma_start3A_930] : memref<1024x16xf32, #tpu.memory_space<vmem>> -> memref<128x16xf32, #tpu.memory_space<vmem>>
          %dma_start3A_932 = arith.constant 0 : i32
          %dma_start3A_933 = tpu.memref_slice %arg6[%dma_start3A_928, %dma_start3A_932] : memref<8x128xi32, #tpu.memory_space<vmem>> -> memref<1x128xi32, #tpu.memory_space<vmem>>
          %dma_start3A_934 = tpu.memref_squeeze %dma_start3A_933 : memref<1x128xi32, #tpu.memory_space<vmem>> -> memref<128xi32, #tpu.memory_space<vmem>>
          %dma_start3A_935 = arith.constant 0 : i32
          %dma_start3A_936 = arith.constant 0 : i32
          %dma_start3A_937 = tpu.memref_slice %arg2[%dma_start3A_935, %dma_start3A_936] : memref<100001x16xf32, #tpu.memory_space<hbm>> -> memref<100001x16xf32, #tpu.memory_space<hbm>>
          tpu.enqueue_indirect_dma source(%dma_start3A_937 : memref<100001x16xf32, #tpu.memory_space<hbm>>) target(%dma_start3A_931 : memref<128x16xf32, #tpu.memory_space<vmem>>) offsets(%dma_start3A_934 : memref<128xi32, #tpu.memory_space<vmem>>) semaphore(%arg15 : memref<!tpu.dma_semaphore, #tpu.memory_space<semaphore_mem>>)
          %dma_start3A_938 = arith.constant 4 : i32
          %dma_start3A_939 = arith.constant 512 : i32
          %dma_start3A_940 = arith.constant 0 : i32
          %dma_start3A_941 = tpu.memref_slice %arg9[%dma_start3A_939, %dma_start3A_940] : memref<1024x16xf32, #tpu.memory_space<vmem>> -> memref<128x16xf32, #tpu.memory_space<vmem>>
          %dma_start3A_942 = arith.constant 0 : i32
          %dma_start3A_943 = tpu.memref_slice %arg6[%dma_start3A_938, %dma_start3A_942] : memref<8x128xi32, #tpu.memory_space<vmem>> -> memref<1x128xi32, #tpu.memory_space<vmem>>
          %dma_start3A_944 = tpu.memref_squeeze %dma_start3A_943 : memref<1x128xi32, #tpu.memory_space<vmem>> -> memref<128xi32, #tpu.memory_space<vmem>>
          %dma_start3A_945 = arith.constant 0 : i32
          %dma_start3A_946 = arith.constant 0 : i32
          %dma_start3A_947 = tpu.memref_slice %arg2[%dma_start3A_945, %dma_start3A_946] : memref<100001x16xf32, #tpu.memory_space<hbm>> -> memref<100001x16xf32, #tpu.memory_space<hbm>>
          tpu.enqueue_indirect_dma source(%dma_start3A_947 : memref<100001x16xf32, #tpu.memory_space<hbm>>) target(%dma_start3A_941 : memref<128x16xf32, #tpu.memory_space<vmem>>) offsets(%dma_start3A_944 : memref<128xi32, #tpu.memory_space<vmem>>) semaphore(%arg15 : memref<!tpu.dma_semaphore, #tpu.memory_space<semaphore_mem>>)
          %dma_start3A_948 = arith.constant 5 : i32
          %dma_start3A_949 = arith.constant 640 : i32
          %dma_start3A_950 = arith.constant 0 : i32
          %dma_start3A_951 = tpu.memref_slice %arg9[%dma_start3A_949, %dma_start3A_950] : memref<1024x16xf32, #tpu.memory_space<vmem>> -> memref<128x16xf32, #tpu.memory_space<vmem>>
          %dma_start3A_952 = arith.constant 0 : i32
          %dma_start3A_953 = tpu.memref_slice %arg6[%dma_start3A_948, %dma_start3A_952] : memref<8x128xi32, #tpu.memory_space<vmem>> -> memref<1x128xi32, #tpu.memory_space<vmem>>
          %dma_start3A_954 = tpu.memref_squeeze %dma_start3A_953 : memref<1x128xi32, #tpu.memory_space<vmem>> -> memref<128xi32, #tpu.memory_space<vmem>>
          %dma_start3A_955 = arith.constant 0 : i32
          %dma_start3A_956 = arith.constant 0 : i32
          %dma_start3A_957 = tpu.memref_slice %arg2[%dma_start3A_955, %dma_start3A_956] : memref<100001x16xf32, #tpu.memory_space<hbm>> -> memref<100001x16xf32, #tpu.memory_space<hbm>>
          tpu.enqueue_indirect_dma source(%dma_start3A_957 : memref<100001x16xf32, #tpu.memory_space<hbm>>) target(%dma_start3A_951 : memref<128x16xf32, #tpu.memory_space<vmem>>) offsets(%dma_start3A_954 : memref<128xi32, #tpu.memory_space<vmem>>) semaphore(%arg15 : memref<!tpu.dma_semaphore, #tpu.memory_space<semaphore_mem>>)
          %dma_start3A_958 = arith.constant 6 : i32
          %dma_start3A_959 = arith.constant 768 : i32
          %dma_start3A_960 = arith.constant 0 : i32
          %dma_start3A_961 = tpu.memref_slice %arg9[%dma_start3A_959, %dma_start3A_960] : memref<1024x16xf32, #tpu.memory_space<vmem>> -> memref<128x16xf32, #tpu.memory_space<vmem>>
          %dma_start3A_962 = arith.constant 0 : i32
          %dma_start3A_963 = tpu.memref_slice %arg6[%dma_start3A_958, %dma_start3A_962] : memref<8x128xi32, #tpu.memory_space<vmem>> -> memref<1x128xi32, #tpu.memory_space<vmem>>
          %dma_start3A_964 = tpu.memref_squeeze %dma_start3A_963 : memref<1x128xi32, #tpu.memory_space<vmem>> -> memref<128xi32, #tpu.memory_space<vmem>>
          %dma_start3A_965 = arith.constant 0 : i32
          %dma_start3A_966 = arith.constant 0 : i32
          %dma_start3A_967 = tpu.memref_slice %arg2[%dma_start3A_965, %dma_start3A_966] : memref<100001x16xf32, #tpu.memory_space<hbm>> -> memref<100001x16xf32, #tpu.memory_space<hbm>>
          tpu.enqueue_indirect_dma source(%dma_start3A_967 : memref<100001x16xf32, #tpu.memory_space<hbm>>) target(%dma_start3A_961 : memref<128x16xf32, #tpu.memory_space<vmem>>) offsets(%dma_start3A_964 : memref<128xi32, #tpu.memory_space<vmem>>) semaphore(%arg15 : memref<!tpu.dma_semaphore, #tpu.memory_space<semaphore_mem>>)
          %dma_start3A_968 = arith.constant 7 : i32
          %dma_start3A_969 = arith.constant 896 : i32
          %dma_start3A_970 = arith.constant 0 : i32
          %dma_start3A_971 = tpu.memref_slice %arg9[%dma_start3A_969, %dma_start3A_970] : memref<1024x16xf32, #tpu.memory_space<vmem>> -> memref<128x16xf32, #tpu.memory_space<vmem>>
          %dma_start3A_972 = arith.constant 0 : i32
          %dma_start3A_973 = tpu.memref_slice %arg6[%dma_start3A_968, %dma_start3A_972] : memref<8x128xi32, #tpu.memory_space<vmem>> -> memref<1x128xi32, #tpu.memory_space<vmem>>
          %dma_start3A_974 = tpu.memref_squeeze %dma_start3A_973 : memref<1x128xi32, #tpu.memory_space<vmem>> -> memref<128xi32, #tpu.memory_space<vmem>>
          %dma_start3A_975 = arith.constant 0 : i32
          %dma_start3A_976 = arith.constant 0 : i32
          %dma_start3A_977 = tpu.memref_slice %arg2[%dma_start3A_975, %dma_start3A_976] : memref<100001x16xf32, #tpu.memory_space<hbm>> -> memref<100001x16xf32, #tpu.memory_space<hbm>>
          tpu.enqueue_indirect_dma source(%dma_start3A_977 : memref<100001x16xf32, #tpu.memory_space<hbm>>) target(%dma_start3A_971 : memref<128x16xf32, #tpu.memory_space<vmem>>) offsets(%dma_start3A_974 : memref<128xi32, #tpu.memory_space<vmem>>) semaphore(%arg15 : memref<!tpu.dma_semaphore, #tpu.memory_space<semaphore_mem>>)
        } else {
        }
        %ge3A = arith.constant 3 : i32
        %ge3A_754 = arith.cmpi sge, %add3A_728, %ge3A : i32
        %convert_element_type3A_755 = arith.extui %ge3A_754 : i1 to i32
        %cond3A_756 = arith.constant 0 : i32
        %cond3A_757 = arith.cmpi ne, %convert_element_type3A_755, %cond3A_756 : i32
        scf.if %cond3A_757 {
          %sub3A_849 = arith.constant 3 : i32
          %sub3A_850 = arith.subi %add3A_728, %sub3A_849 : i32
          %add3A_851 = arith.addi %mul3A_2, %sub3A_850 : i32
          %jit3A_852 = arith.constant 25 : i32
          %div3A_853 = arith.divsi %add3A_851, %jit3A_852 : i32
          %sign3A_854 = arith.constant 0 : i32
          %sign3A_855 = arith.cmpi sgt, %add3A_851, %sign3A_854 : i32
          %sign3A_856 = arith.extui %sign3A_855 : i1 to i32
          %sign3A_857 = arith.constant 0 : i32
          %sign3A_858 = arith.cmpi slt, %add3A_851, %sign3A_857 : i32
          %sign3A_859 = arith.extui %sign3A_858 : i1 to i32
          %sign3A_860 = arith.subi %sign3A_856, %sign3A_859 : i32
          %sign3A_861 = arith.constant 0 : i32
          %sign3A_862 = arith.cmpi sgt, %jit3A_852, %sign3A_861 : i32
          %sign3A_863 = arith.extui %sign3A_862 : i1 to i32
          %sign3A_864 = arith.constant 0 : i32
          %sign3A_865 = arith.cmpi slt, %jit3A_852, %sign3A_864 : i32
          %sign3A_866 = arith.extui %sign3A_865 : i1 to i32
          %sign3A_867 = arith.subi %sign3A_863, %sign3A_866 : i32
          %ne3A_868 = arith.cmpi ne, %sign3A_860, %sign3A_867 : i32
          %rem3A_869 = arith.remsi %add3A_851, %jit3A_852 : i32
          %ne3A_870 = arith.constant 0 : i32
          %ne3A_871 = arith.cmpi ne, %rem3A_869, %ne3A_870 : i32
          %and3A_872 = arith.andi %ne3A_868, %ne3A_871 : i1
          %sub3A_873 = arith.constant 1 : i32
          %sub3A_874 = arith.subi %div3A_853, %sub3A_873 : i32
          %select_n3A_875 = arith.select %and3A_872, %sub3A_874, %div3A_853 : i32
          %jit3A_876 = arith.constant 25 : i32
          %eq3A_877 = arith.constant 0 : i32
          %eq3A_878 = arith.cmpi eq, %jit3A_876, %eq3A_877 : i32
          %jit3A_879 = arith.constant 1 : i32
          %select_n3A_880 = arith.select %eq3A_878, %jit3A_879, %jit3A_876 : i32
          %rem3A_881 = arith.remsi %add3A_851, %select_n3A_880 : i32
          %ne3A_882 = arith.constant 0 : i32
          %ne3A_883 = arith.cmpi ne, %rem3A_881, %ne3A_882 : i32
          %lt3A_884 = arith.constant 0 : i32
          %lt3A_885 = arith.cmpi slt, %rem3A_881, %lt3A_884 : i32
          %lt3A_886 = arith.constant 0 : i32
          %lt3A_887 = arith.cmpi slt, %select_n3A_880, %lt3A_886 : i32
          %ne3A_888 = arith.xori %lt3A_885, %lt3A_887 : i1
          %and3A_889 = arith.andi %ne3A_888, %ne3A_883 : i1
          %add3A_890 = arith.addi %rem3A_881, %select_n3A_880 : i32
          %select_n3A_891 = arith.select %and3A_889, %add3A_890, %rem3A_881 : i32
          %mul3A_892 = arith.constant 8 : i32
          %mul3A_893 = arith.muli %select_n3A_891, %mul3A_892 : i32
          %mul3A_894 = arith.constant 8 : i32
          %mul3A_895 = arith.muli %select_n3A_891, %mul3A_894 : i32
          %dma_wait3A_896 = arith.constant 0 : i32
          %dma_wait3A_897 = arith.constant 0 : i32
          %dma_wait3A_898 = arith.constant 0 : i32
          %dma_wait3A_899 = arith.constant 0 : i32
          %dma_wait3A_900 = arith.constant 0 : i32
          %dma_wait3A_901 = tpu.memref_slice %arg13[%dma_wait3A_896, %dma_wait3A_897, %dma_wait3A_898, %dma_wait3A_899, %dma_wait3A_900] : memref<8x2x1x8x129xf32, #tpu.memory_space<vmem>> -> memref<8x1x1x8x128xf32, #tpu.memory_space<vmem>>
          %dma_wait3A_902 = arith.constant 0 : i32
          %dma_wait3A_903 = arith.constant 0 : i32
          %dma_wait3A_904 = arith.constant 0 : i32
          %dma_wait3A_905 = tpu.memref_slice %arg4[%mul3A_893, %dma_wait3A_902, %select_n3A_875, %dma_wait3A_903, %dma_wait3A_904] : memref<200x2x128x8x128xf32, #tpu.memory_space<hbm>> -> memref<8x1x1x8x128xf32, #tpu.memory_space<hbm>>
          %dma_wait3A_906 = arith.constant 0 : i32
          %dma_wait3A_907 = arith.constant 0 : i32
          %dma_wait3A_908 = arith.constant 0 : i32
          %dma_wait3A_909 = tpu.memref_slice %arg4[%mul3A_893, %dma_wait3A_906, %select_n3A_875, %dma_wait3A_907, %dma_wait3A_908] : memref<200x2x128x8x128xf32, #tpu.memory_space<hbm>> -> memref<8x1x1x8x128xf32, #tpu.memory_space<hbm>>
          %dma_wait3A_910 = arith.constant 0 : i32
          %dma_wait3A_911 = arith.constant 0 : i32
          %dma_wait3A_912 = arith.constant 0 : i32
          %dma_wait3A_913 = arith.constant 0 : i32
          %dma_wait3A_914 = arith.constant 0 : i32
          %dma_wait3A_915 = tpu.memref_slice %arg13[%dma_wait3A_910, %dma_wait3A_911, %dma_wait3A_912, %dma_wait3A_913, %dma_wait3A_914] : memref<8x2x1x8x129xf32, #tpu.memory_space<vmem>> -> memref<8x1x1x8x128xf32, #tpu.memory_space<vmem>>
          tpu.wait_dma2 semaphore(%arg19 : memref<!tpu.dma_semaphore, #tpu.memory_space<semaphore_mem>>) src(%dma_wait3A_915 : memref<8x1x1x8x128xf32, #tpu.memory_space<vmem>>) dst(%dma_wait3A_909 : memref<8x1x1x8x128xf32, #tpu.memory_space<hbm>>)
          %dma_wait3A_916 = arith.constant 0 : i32
          %dma_wait3A_917 = arith.constant 1 : i32
          %dma_wait3A_918 = arith.constant 0 : i32
          %dma_wait3A_919 = arith.constant 0 : i32
          %dma_wait3A_920 = arith.constant 0 : i32
          %dma_wait3A_921 = tpu.memref_slice %arg13[%dma_wait3A_916, %dma_wait3A_917, %dma_wait3A_918, %dma_wait3A_919, %dma_wait3A_920] : memref<8x2x1x8x129xf32, #tpu.memory_space<vmem>> -> memref<8x1x1x8x128xf32, #tpu.memory_space<vmem>>
          %dma_wait3A_922 = arith.constant 1 : i32
          %dma_wait3A_923 = arith.constant 0 : i32
          %dma_wait3A_924 = arith.constant 0 : i32
          %dma_wait3A_925 = tpu.memref_slice %arg4[%mul3A_895, %dma_wait3A_922, %select_n3A_875, %dma_wait3A_923, %dma_wait3A_924] : memref<200x2x128x8x128xf32, #tpu.memory_space<hbm>> -> memref<8x1x1x8x128xf32, #tpu.memory_space<hbm>>
          %dma_wait3A_926 = arith.constant 1 : i32
          %dma_wait3A_927 = arith.constant 0 : i32
          %dma_wait3A_928 = arith.constant 0 : i32
          %dma_wait3A_929 = tpu.memref_slice %arg4[%mul3A_895, %dma_wait3A_926, %select_n3A_875, %dma_wait3A_927, %dma_wait3A_928] : memref<200x2x128x8x128xf32, #tpu.memory_space<hbm>> -> memref<8x1x1x8x128xf32, #tpu.memory_space<hbm>>
          %dma_wait3A_930 = arith.constant 0 : i32
          %dma_wait3A_931 = arith.constant 1 : i32
          %dma_wait3A_932 = arith.constant 0 : i32
          %dma_wait3A_933 = arith.constant 0 : i32
          %dma_wait3A_934 = arith.constant 0 : i32
          %dma_wait3A_935 = tpu.memref_slice %arg13[%dma_wait3A_930, %dma_wait3A_931, %dma_wait3A_932, %dma_wait3A_933, %dma_wait3A_934] : memref<8x2x1x8x129xf32, #tpu.memory_space<vmem>> -> memref<8x1x1x8x128xf32, #tpu.memory_space<vmem>>
          tpu.wait_dma2 semaphore(%arg19 : memref<!tpu.dma_semaphore, #tpu.memory_space<semaphore_mem>>) src(%dma_wait3A_935 : memref<8x1x1x8x128xf32, #tpu.memory_space<vmem>>) dst(%dma_wait3A_929 : memref<8x1x1x8x128xf32, #tpu.memory_space<hbm>>)
        } else {
        }
        %scan3A_758 = arith.constant 0 : i32
        %scan3A_759 = arith.constant 0 : i32
        %scan3A_760 = arith.constant 8 : i32
        %scan3A_761 = arith.addi %scan3A_759, %scan3A_760 : i32
        %scan3A_762 = arith.constant 1 : i32
        scf.for %scan3A_849 = %scan3A_759 to %scan3A_761 step %scan3A_762  : i32 {
          %add3A_850 = vector.broadcast %scan3A_849 : i32 to vector<16xi32>
          %add3A_851 = arith.addi %broadcast_in_dim3A_46, %add3A_850 : vector<16xi32>
          %scan3A_852 = arith.constant 0 : i32
          %scan3A_853 = arith.constant 16 : i32
          %scan3A_854 = arith.addi %scan3A_852, %scan3A_853 : i32
          %scan3A_855 = arith.constant 1 : i32
          scf.for %scan3A_857 = %scan3A_852 to %scan3A_854 step %scan3A_855  : i32 {
            %mul3A_858 = arith.constant 8 : i32
            %mul3A_859 = arith.muli %scan3A_857, %mul3A_858 : i32
            %add3A_860 = arith.constant 0 : i32
            %add3A_861 = arith.addi %mul3A_859, %add3A_860 : i32
            %mul3A_862 = arith.constant 128 : i32
            %mul3A_863 = arith.muli %scan3A_849, %mul3A_862 : i32
            %add3A_864 = arith.addi %mul3A_863, %add3A_861 : i32
            %get3A = arith.index_cast %add3A_864 : i32 to index
            %get3A_865 = arith.constant 0 : index
            %get3A_866 = tpu.vector_load %arg10[%get3A, %get3A_865] {strides = array<i32>} : memref<1024x16xf32, #tpu.memory_space<vmem>>, vector<16xf32>,
            %add3A_867 = vector.broadcast %add3A_861 : i32 to vector<16xi32>
            %add3A_868 = arith.addi %broadcast_in_dim3A_46, %add3A_867 : vector<16xi32>
            tpu.vector_store_idx %arg13[%add3A_851, %select_n3A, %broadcast_in_dim3A_46, %select_n3A_45, %add3A_868], %get3A_866 : memref<8x2x1x8x129xf32, #tpu.memory_space<vmem>>[vector<16xi32>, vector<16xi32>, vector<16xi32>, vector<16xi32>, vector<16xi32>], vector<16xf32>,
            %mul3A_869 = arith.constant 8 : i32
            %mul3A_870 = arith.muli %scan3A_857, %mul3A_869 : i32
            %add3A_871 = arith.constant 1 : i32
            %add3A_872 = arith.addi %mul3A_870, %add3A_871 : i32
            %mul3A_873 = arith.constant 128 : i32
            %mul3A_874 = arith.muli %scan3A_849, %mul3A_873 : i32
            %add3A_875 = arith.addi %mul3A_874, %add3A_872 : i32
            %get3A_876 = arith.index_cast %add3A_875 : i32 to index
            %get3A_877 = arith.constant 0 : index
            %get3A_878 = tpu.vector_load %arg10[%get3A_876, %get3A_877] {strides = array<i32>} : memref<1024x16xf32, #tpu.memory_space<vmem>>, vector<16xf32>,
            %add3A_879 = vector.broadcast %add3A_872 : i32 to vector<16xi32>
            %add3A_880 = arith.addi %broadcast_in_dim3A_46, %add3A_879 : vector<16xi32>
            tpu.vector_store_idx %arg13[%add3A_851, %select_n3A, %broadcast_in_dim3A_46, %select_n3A_45, %add3A_880], %get3A_878 : memref<8x2x1x8x129xf32, #tpu.memory_space<vmem>>[vector<16xi32>, vector<16xi32>, vector<16xi32>, vector<16xi32>, vector<16xi32>], vector<16xf32>,
            %mul3A_881 = arith.constant 8 : i32
            %mul3A_882 = arith.muli %scan3A_857, %mul3A_881 : i32
            %add3A_883 = arith.constant 2 : i32
            %add3A_884 = arith.addi %mul3A_882, %add3A_883 : i32
            %mul3A_885 = arith.constant 128 : i32
            %mul3A_886 = arith.muli %scan3A_849, %mul3A_885 : i32
            %add3A_887 = arith.addi %mul3A_886, %add3A_884 : i32
            %get3A_888 = arith.index_cast %add3A_887 : i32 to index
            %get3A_889 = arith.constant 0 : index
            %get3A_890 = tpu.vector_load %arg10[%get3A_888, %get3A_889] {strides = array<i32>} : memref<1024x16xf32, #tpu.memory_space<vmem>>, vector<16xf32>,
            %add3A_891 = vector.broadcast %add3A_884 : i32 to vector<16xi32>
            %add3A_892 = arith.addi %broadcast_in_dim3A_46, %add3A_891 : vector<16xi32>
            tpu.vector_store_idx %arg13[%add3A_851, %select_n3A, %broadcast_in_dim3A_46, %select_n3A_45, %add3A_892], %get3A_890 : memref<8x2x1x8x129xf32, #tpu.memory_space<vmem>>[vector<16xi32>, vector<16xi32>, vector<16xi32>, vector<16xi32>, vector<16xi32>], vector<16xf32>,
            %mul3A_893 = arith.constant 8 : i32
            %mul3A_894 = arith.muli %scan3A_857, %mul3A_893 : i32
            %add3A_895 = arith.constant 3 : i32
            %add3A_896 = arith.addi %mul3A_894, %add3A_895 : i32
            %mul3A_897 = arith.constant 128 : i32
            %mul3A_898 = arith.muli %scan3A_849, %mul3A_897 : i32
            %add3A_899 = arith.addi %mul3A_898, %add3A_896 : i32
            %get3A_900 = arith.index_cast %add3A_899 : i32 to index
            %get3A_901 = arith.constant 0 : index
            %get3A_902 = tpu.vector_load %arg10[%get3A_900, %get3A_901] {strides = array<i32>} : memref<1024x16xf32, #tpu.memory_space<vmem>>, vector<16xf32>,
            %add3A_903 = vector.broadcast %add3A_896 : i32 to vector<16xi32>
            %add3A_904 = arith.addi %broadcast_in_dim3A_46, %add3A_903 : vector<16xi32>
            tpu.vector_store_idx %arg13[%add3A_851, %select_n3A, %broadcast_in_dim3A_46, %select_n3A_45, %add3A_904], %get3A_902 : memref<8x2x1x8x129xf32, #tpu.memory_space<vmem>>[vector<16xi32>, vector<16xi32>, vector<16xi32>, vector<16xi32>, vector<16xi32>], vector<16xf32>,
            %mul3A_905 = arith.constant 8 : i32
            %mul3A_906 = arith.muli %scan3A_857, %mul3A_905 : i32
            %add3A_907 = arith.constant 4 : i32
            %add3A_908 = arith.addi %mul3A_906, %add3A_907 : i32
            %mul3A_909 = arith.constant 128 : i32
            %mul3A_910 = arith.muli %scan3A_849, %mul3A_909 : i32
            %add3A_911 = arith.addi %mul3A_910, %add3A_908 : i32
            %get3A_912 = arith.index_cast %add3A_911 : i32 to index
            %get3A_913 = arith.constant 0 : index
            %get3A_914 = tpu.vector_load %arg10[%get3A_912, %get3A_913] {strides = array<i32>} : memref<1024x16xf32, #tpu.memory_space<vmem>>, vector<16xf32>,
            %add3A_915 = vector.broadcast %add3A_908 : i32 to vector<16xi32>
            %add3A_916 = arith.addi %broadcast_in_dim3A_46, %add3A_915 : vector<16xi32>
            tpu.vector_store_idx %arg13[%add3A_851, %select_n3A, %broadcast_in_dim3A_46, %select_n3A_45, %add3A_916], %get3A_914 : memref<8x2x1x8x129xf32, #tpu.memory_space<vmem>>[vector<16xi32>, vector<16xi32>, vector<16xi32>, vector<16xi32>, vector<16xi32>], vector<16xf32>,
            %mul3A_917 = arith.constant 8 : i32
            %mul3A_918 = arith.muli %scan3A_857, %mul3A_917 : i32
            %add3A_919 = arith.constant 5 : i32
            %add3A_920 = arith.addi %mul3A_918, %add3A_919 : i32
            %mul3A_921 = arith.constant 128 : i32
            %mul3A_922 = arith.muli %scan3A_849, %mul3A_921 : i32
            %add3A_923 = arith.addi %mul3A_922, %add3A_920 : i32
            %get3A_924 = arith.index_cast %add3A_923 : i32 to index
            %get3A_925 = arith.constant 0 : index
            %get3A_926 = tpu.vector_load %arg10[%get3A_924, %get3A_925] {strides = array<i32>} : memref<1024x16xf32, #tpu.memory_space<vmem>>, vector<16xf32>,
            %add3A_927 = vector.broadcast %add3A_920 : i32 to vector<16xi32>
            %add3A_928 = arith.addi %broadcast_in_dim3A_46, %add3A_927 : vector<16xi32>
            tpu.vector_store_idx %arg13[%add3A_851, %select_n3A, %broadcast_in_dim3A_46, %select_n3A_45, %add3A_928], %get3A_926 : memref<8x2x1x8x129xf32, #tpu.memory_space<vmem>>[vector<16xi32>, vector<16xi32>, vector<16xi32>, vector<16xi32>, vector<16xi32>], vector<16xf32>,
            %mul3A_929 = arith.constant 8 : i32
            %mul3A_930 = arith.muli %scan3A_857, %mul3A_929 : i32
            %add3A_931 = arith.constant 6 : i32
            %add3A_932 = arith.addi %mul3A_930, %add3A_931 : i32
            %mul3A_933 = arith.constant 128 : i32
            %mul3A_934 = arith.muli %scan3A_849, %mul3A_933 : i32
            %add3A_935 = arith.addi %mul3A_934, %add3A_932 : i32
            %get3A_936 = arith.index_cast %add3A_935 : i32 to index
            %get3A_937 = arith.constant 0 : index
            %get3A_938 = tpu.vector_load %arg10[%get3A_936, %get3A_937] {strides = array<i32>} : memref<1024x16xf32, #tpu.memory_space<vmem>>, vector<16xf32>,
            %add3A_939 = vector.broadcast %add3A_932 : i32 to vector<16xi32>
            %add3A_940 = arith.addi %broadcast_in_dim3A_46, %add3A_939 : vector<16xi32>
            tpu.vector_store_idx %arg13[%add3A_851, %select_n3A, %broadcast_in_dim3A_46, %select_n3A_45, %add3A_940], %get3A_938 : memref<8x2x1x8x129xf32, #tpu.memory_space<vmem>>[vector<16xi32>, vector<16xi32>, vector<16xi32>, vector<16xi32>, vector<16xi32>], vector<16xf32>,
            %mul3A_941 = arith.constant 8 : i32
            %mul3A_942 = arith.muli %scan3A_857, %mul3A_941 : i32
            %add3A_943 = arith.constant 7 : i32
            %add3A_944 = arith.addi %mul3A_942, %add3A_943 : i32
            %mul3A_945 = arith.constant 128 : i32
            %mul3A_946 = arith.muli %scan3A_849, %mul3A_945 : i32
            %add3A_947 = arith.addi %mul3A_946, %add3A_944 : i32
            %get3A_948 = arith.index_cast %add3A_947 : i32 to index
            %get3A_949 = arith.constant 0 : index
            %get3A_950 = tpu.vector_load %arg10[%get3A_948, %get3A_949] {strides = array<i32>} : memref<1024x16xf32, #tpu.memory_space<vmem>>, vector<16xf32>,
            %add3A_951 = vector.broadcast %add3A_944 : i32 to vector<16xi32>
            %add3A_952 = arith.addi %broadcast_in_dim3A_46, %add3A_951 : vector<16xi32>
            tpu.vector_store_idx %arg13[%add3A_851, %select_n3A, %broadcast_in_dim3A_46, %select_n3A_45, %add3A_952], %get3A_950 : memref<8x2x1x8x129xf32, #tpu.memory_space<vmem>>[vector<16xi32>, vector<16xi32>, vector<16xi32>, vector<16xi32>, vector<16xi32>], vector<16xf32>,
          }
          %scan3A_856 = arith.constant 16 : i32
        }
        %scan3A_763 = arith.constant 8 : i32
        %add3A_764 = arith.addi %mul3A_2, %add3A_728 : i32
        %jit3A_765 = arith.constant 25 : i32
        %div3A_766 = arith.divsi %add3A_764, %jit3A_765 : i32
        %sign3A_767 = arith.constant 0 : i32
        %sign3A_768 = arith.cmpi sgt, %add3A_764, %sign3A_767 : i32
        %sign3A_769 = arith.extui %sign3A_768 : i1 to i32
        %sign3A_770 = arith.constant 0 : i32
        %sign3A_771 = arith.cmpi slt, %add3A_764, %sign3A_770 : i32
        %sign3A_772 = arith.extui %sign3A_771 : i1 to i32
        %sign3A_773 = arith.subi %sign3A_769, %sign3A_772 : i32
        %sign3A_774 = arith.constant 0 : i32
        %sign3A_775 = arith.cmpi sgt, %jit3A_765, %sign3A_774 : i32
        %sign3A_776 = arith.extui %sign3A_775 : i1 to i32
        %sign3A_777 = arith.constant 0 : i32
        %sign3A_778 = arith.cmpi slt, %jit3A_765, %sign3A_777 : i32
        %sign3A_779 = arith.extui %sign3A_778 : i1 to i32
        %sign3A_780 = arith.subi %sign3A_776, %sign3A_779 : i32
        %ne3A_781 = arith.cmpi ne, %sign3A_773, %sign3A_780 : i32
        %rem3A_782 = arith.remsi %add3A_764, %jit3A_765 : i32
        %ne3A_783 = arith.constant 0 : i32
        %ne3A_784 = arith.cmpi ne, %rem3A_782, %ne3A_783 : i32
        %and3A_785 = arith.andi %ne3A_781, %ne3A_784 : i1
        %sub3A_786 = arith.constant 1 : i32
        %sub3A_787 = arith.subi %div3A_766, %sub3A_786 : i32
        %select_n3A_788 = arith.select %and3A_785, %sub3A_787, %div3A_766 : i32
        %jit3A_789 = arith.constant 25 : i32
        %eq3A_790 = arith.constant 0 : i32
        %eq3A_791 = arith.cmpi eq, %jit3A_789, %eq3A_790 : i32
        %jit3A_792 = arith.constant 1 : i32
        %select_n3A_793 = arith.select %eq3A_791, %jit3A_792, %jit3A_789 : i32
        %rem3A_794 = arith.remsi %add3A_764, %select_n3A_793 : i32
        %ne3A_795 = arith.constant 0 : i32
        %ne3A_796 = arith.cmpi ne, %rem3A_794, %ne3A_795 : i32
        %lt3A_797 = arith.constant 0 : i32
        %lt3A_798 = arith.cmpi slt, %rem3A_794, %lt3A_797 : i32
        %lt3A_799 = arith.constant 0 : i32
        %lt3A_800 = arith.cmpi slt, %select_n3A_793, %lt3A_799 : i32
        %ne3A_801 = arith.xori %lt3A_798, %lt3A_800 : i1
        %and3A_802 = arith.andi %ne3A_801, %ne3A_796 : i1
        %add3A_803 = arith.addi %rem3A_794, %select_n3A_793 : i32
        %select_n3A_804 = arith.select %and3A_802, %add3A_803, %rem3A_794 : i32
        %mul3A_805 = arith.constant 8 : i32
        %mul3A_806 = arith.muli %select_n3A_804, %mul3A_805 : i32
        %mul3A_807 = arith.constant 8 : i32
        %mul3A_808 = arith.muli %select_n3A_804, %mul3A_807 : i32
        %dma_start3A_809 = arith.constant 0 : i32
        %dma_start3A_810 = arith.constant 0 : i32
        %dma_start3A_811 = arith.constant 0 : i32
        %dma_start3A_812 = arith.constant 0 : i32
        %dma_start3A_813 = arith.constant 0 : i32
        %dma_start3A_814 = tpu.memref_slice %arg13[%dma_start3A_809, %dma_start3A_810, %dma_start3A_811, %dma_start3A_812, %dma_start3A_813] : memref<8x2x1x8x129xf32, #tpu.memory_space<vmem>> -> memref<8x1x1x8x128xf32, #tpu.memory_space<vmem>>
        %dma_start3A_815 = arith.constant 0 : i32
        %dma_start3A_816 = arith.constant 0 : i32
        %dma_start3A_817 = arith.constant 0 : i32
        %dma_start3A_818 = tpu.memref_slice %arg4[%mul3A_806, %dma_start3A_815, %select_n3A_788, %dma_start3A_816, %dma_start3A_817] : memref<200x2x128x8x128xf32, #tpu.memory_space<hbm>> -> memref<8x1x1x8x128xf32, #tpu.memory_space<hbm>>
        %dma_start3A_819 = arith.constant 0 : i32
        %dma_start3A_820 = arith.constant 0 : i32
        %dma_start3A_821 = arith.constant 0 : i32
        %dma_start3A_822 = tpu.memref_slice %arg4[%mul3A_806, %dma_start3A_819, %select_n3A_788, %dma_start3A_820, %dma_start3A_821] : memref<200x2x128x8x128xf32, #tpu.memory_space<hbm>> -> memref<8x1x1x8x128xf32, #tpu.memory_space<hbm>>
        %dma_start3A_823 = arith.constant 0 : i32
        %dma_start3A_824 = arith.constant 0 : i32
        %dma_start3A_825 = arith.constant 0 : i32
        %dma_start3A_826 = arith.constant 0 : i32
        %dma_start3A_827 = arith.constant 0 : i32
        %dma_start3A_828 = tpu.memref_slice %arg13[%dma_start3A_823, %dma_start3A_824, %dma_start3A_825, %dma_start3A_826, %dma_start3A_827] : memref<8x2x1x8x129xf32, #tpu.memory_space<vmem>> -> memref<8x1x1x8x128xf32, #tpu.memory_space<vmem>>
        tpu.enqueue_dma source(%dma_start3A_828 : memref<8x1x1x8x128xf32, #tpu.memory_space<vmem>>) target(%dma_start3A_822 : memref<8x1x1x8x128xf32, #tpu.memory_space<hbm>>) target_semaphore(%arg19 : memref<!tpu.dma_semaphore, #tpu.memory_space<semaphore_mem>>)
        %dma_start3A_829 = arith.constant 0 : i32
        %dma_start3A_830 = arith.constant 1 : i32
        %dma_start3A_831 = arith.constant 0 : i32
        %dma_start3A_832 = arith.constant 0 : i32
        %dma_start3A_833 = arith.constant 0 : i32
        %dma_start3A_834 = tpu.memref_slice %arg13[%dma_start3A_829, %dma_start3A_830, %dma_start3A_831, %dma_start3A_832, %dma_start3A_833] : memref<8x2x1x8x129xf32, #tpu.memory_space<vmem>> -> memref<8x1x1x8x128xf32, #tpu.memory_space<vmem>>
        %dma_start3A_835 = arith.constant 1 : i32
        %dma_start3A_836 = arith.constant 0 : i32
        %dma_start3A_837 = arith.constant 0 : i32
        %dma_start3A_838 = tpu.memref_slice %arg4[%mul3A_808, %dma_start3A_835, %select_n3A_788, %dma_start3A_836, %dma_start3A_837] : memref<200x2x128x8x128xf32, #tpu.memory_space<hbm>> -> memref<8x1x1x8x128xf32, #tpu.memory_space<hbm>>
        %dma_start3A_839 = arith.constant 1 : i32
        %dma_start3A_840 = arith.constant 0 : i32
        %dma_start3A_841 = arith.constant 0 : i32
        %dma_start3A_842 = tpu.memref_slice %arg4[%mul3A_808, %dma_start3A_839, %select_n3A_788, %dma_start3A_840, %dma_start3A_841] : memref<200x2x128x8x128xf32, #tpu.memory_space<hbm>> -> memref<8x1x1x8x128xf32, #tpu.memory_space<hbm>>
        %dma_start3A_843 = arith.constant 0 : i32
        %dma_start3A_844 = arith.constant 1 : i32
        %dma_start3A_845 = arith.constant 0 : i32
        %dma_start3A_846 = arith.constant 0 : i32
        %dma_start3A_847 = arith.constant 0 : i32
        %dma_start3A_848 = tpu.memref_slice %arg13[%dma_start3A_843, %dma_start3A_844, %dma_start3A_845, %dma_start3A_846, %dma_start3A_847] : memref<8x2x1x8x129xf32, #tpu.memory_space<vmem>> -> memref<8x1x1x8x128xf32, #tpu.memory_space<vmem>>
        tpu.enqueue_dma source(%dma_start3A_848 : memref<8x1x1x8x128xf32, #tpu.memory_space<vmem>>) target(%dma_start3A_842 : memref<8x1x1x8x128xf32, #tpu.memory_space<hbm>>) target_semaphore(%arg19 : memref<!tpu.dma_semaphore, #tpu.memory_space<semaphore_mem>>)
      } else {
      }
    }
    %scan3A_449 = arith.constant 34 : i32
    %add3A_450 = arith.constant 97 : i32
    %add3A_451 = arith.addi %mul3A_2, %add3A_450 : i32
    %jit3A_452 = arith.constant 25 : i32
    %div3A_453 = arith.divsi %add3A_451, %jit3A_452 : i32
    %sign3A_454 = arith.constant 0 : i32
    %sign3A_455 = arith.cmpi sgt, %add3A_451, %sign3A_454 : i32
    %sign3A_456 = arith.extui %sign3A_455 : i1 to i32
    %sign3A_457 = arith.constant 0 : i32
    %sign3A_458 = arith.cmpi slt, %add3A_451, %sign3A_457 : i32
    %sign3A_459 = arith.extui %sign3A_458 : i1 to i32
    %sign3A_460 = arith.subi %sign3A_456, %sign3A_459 : i32
    %sign3A_461 = arith.constant 0 : i32
    %sign3A_462 = arith.cmpi sgt, %jit3A_452, %sign3A_461 : i32
    %sign3A_463 = arith.extui %sign3A_462 : i1 to i32
    %sign3A_464 = arith.constant 0 : i32
    %sign3A_465 = arith.cmpi slt, %jit3A_452, %sign3A_464 : i32
    %sign3A_466 = arith.extui %sign3A_465 : i1 to i32
    %sign3A_467 = arith.subi %sign3A_463, %sign3A_466 : i32
    %ne3A_468 = arith.cmpi ne, %sign3A_460, %sign3A_467 : i32
    %rem3A_469 = arith.remsi %add3A_451, %jit3A_452 : i32
    %ne3A_470 = arith.constant 0 : i32
    %ne3A_471 = arith.cmpi ne, %rem3A_469, %ne3A_470 : i32
    %and3A_472 = arith.andi %ne3A_468, %ne3A_471 : i1
    %sub3A_473 = arith.constant 1 : i32
    %sub3A_474 = arith.subi %div3A_453, %sub3A_473 : i32
    %select_n3A_475 = arith.select %and3A_472, %sub3A_474, %div3A_453 : i32
    %jit3A_476 = arith.constant 25 : i32
    %eq3A_477 = arith.constant 0 : i32
    %eq3A_478 = arith.cmpi eq, %jit3A_476, %eq3A_477 : i32
    %jit3A_479 = arith.constant 1 : i32
    %select_n3A_480 = arith.select %eq3A_478, %jit3A_479, %jit3A_476 : i32
    %rem3A_481 = arith.remsi %add3A_451, %select_n3A_480 : i32
    %ne3A_482 = arith.constant 0 : i32
    %ne3A_483 = arith.cmpi ne, %rem3A_481, %ne3A_482 : i32
    %lt3A_484 = arith.constant 0 : i32
    %lt3A_485 = arith.cmpi slt, %rem3A_481, %lt3A_484 : i32
    %lt3A_486 = arith.constant 0 : i32
    %lt3A_487 = arith.cmpi slt, %select_n3A_480, %lt3A_486 : i32
    %ne3A_488 = arith.xori %lt3A_485, %lt3A_487 : i1
    %and3A_489 = arith.andi %ne3A_488, %ne3A_483 : i1
    %add3A_490 = arith.addi %rem3A_481, %select_n3A_480 : i32
    %select_n3A_491 = arith.select %and3A_489, %add3A_490, %rem3A_481 : i32
    %mul3A_492 = arith.constant 8 : i32
    %mul3A_493 = arith.muli %select_n3A_491, %mul3A_492 : i32
    %mul3A_494 = arith.constant 8 : i32
    %mul3A_495 = arith.muli %select_n3A_491, %mul3A_494 : i32
    %dma_wait3A_496 = arith.constant 0 : i32
    %dma_wait3A_497 = arith.constant 0 : i32
    %dma_wait3A_498 = arith.constant 0 : i32
    %dma_wait3A_499 = arith.constant 0 : i32
    %dma_wait3A_500 = arith.constant 0 : i32
    %dma_wait3A_501 = tpu.memref_slice %arg12[%dma_wait3A_496, %dma_wait3A_497, %dma_wait3A_498, %dma_wait3A_499, %dma_wait3A_500] : memref<8x2x1x8x129xf32, #tpu.memory_space<vmem>> -> memref<8x1x1x8x128xf32, #tpu.memory_space<vmem>>
    %dma_wait3A_502 = arith.constant 0 : i32
    %dma_wait3A_503 = arith.constant 0 : i32
    %dma_wait3A_504 = arith.constant 0 : i32
    %dma_wait3A_505 = tpu.memref_slice %arg4[%mul3A_493, %dma_wait3A_502, %select_n3A_475, %dma_wait3A_503, %dma_wait3A_504] : memref<200x2x128x8x128xf32, #tpu.memory_space<hbm>> -> memref<8x1x1x8x128xf32, #tpu.memory_space<hbm>>
    %dma_wait3A_506 = arith.constant 0 : i32
    %dma_wait3A_507 = arith.constant 0 : i32
    %dma_wait3A_508 = arith.constant 0 : i32
    %dma_wait3A_509 = tpu.memref_slice %arg4[%mul3A_493, %dma_wait3A_506, %select_n3A_475, %dma_wait3A_507, %dma_wait3A_508] : memref<200x2x128x8x128xf32, #tpu.memory_space<hbm>> -> memref<8x1x1x8x128xf32, #tpu.memory_space<hbm>>
    %dma_wait3A_510 = arith.constant 0 : i32
    %dma_wait3A_511 = arith.constant 0 : i32
    %dma_wait3A_512 = arith.constant 0 : i32
    %dma_wait3A_513 = arith.constant 0 : i32
    %dma_wait3A_514 = arith.constant 0 : i32
    %dma_wait3A_515 = tpu.memref_slice %arg12[%dma_wait3A_510, %dma_wait3A_511, %dma_wait3A_512, %dma_wait3A_513, %dma_wait3A_514] : memref<8x2x1x8x129xf32, #tpu.memory_space<vmem>> -> memref<8x1x1x8x128xf32, #tpu.memory_space<vmem>>
    tpu.wait_dma2 semaphore(%arg18 : memref<!tpu.dma_semaphore, #tpu.memory_space<semaphore_mem>>) src(%dma_wait3A_515 : memref<8x1x1x8x128xf32, #tpu.memory_space<vmem>>) dst(%dma_wait3A_509 : memref<8x1x1x8x128xf32, #tpu.memory_space<hbm>>)
    %dma_wait3A_516 = arith.constant 0 : i32
    %dma_wait3A_517 = arith.constant 1 : i32
    %dma_wait3A_518 = arith.constant 0 : i32
    %dma_wait3A_519 = arith.constant 0 : i32
    %dma_wait3A_520 = arith.constant 0 : i32
    %dma_wait3A_521 = tpu.memref_slice %arg12[%dma_wait3A_516, %dma_wait3A_517, %dma_wait3A_518, %dma_wait3A_519, %dma_wait3A_520] : memref<8x2x1x8x129xf32, #tpu.memory_space<vmem>> -> memref<8x1x1x8x128xf32, #tpu.memory_space<vmem>>
    %dma_wait3A_522 = arith.constant 1 : i32
    %dma_wait3A_523 = arith.constant 0 : i32
    %dma_wait3A_524 = arith.constant 0 : i32
    %dma_wait3A_525 = tpu.memref_slice %arg4[%mul3A_495, %dma_wait3A_522, %select_n3A_475, %dma_wait3A_523, %dma_wait3A_524] : memref<200x2x128x8x128xf32, #tpu.memory_space<hbm>> -> memref<8x1x1x8x128xf32, #tpu.memory_space<hbm>>
    %dma_wait3A_526 = arith.constant 1 : i32
    %dma_wait3A_527 = arith.constant 0 : i32
    %dma_wait3A_528 = arith.constant 0 : i32
    %dma_wait3A_529 = tpu.memref_slice %arg4[%mul3A_495, %dma_wait3A_526, %select_n3A_475, %dma_wait3A_527, %dma_wait3A_528] : memref<200x2x128x8x128xf32, #tpu.memory_space<hbm>> -> memref<8x1x1x8x128xf32, #tpu.memory_space<hbm>>
    %dma_wait3A_530 = arith.constant 0 : i32
    %dma_wait3A_531 = arith.constant 1 : i32
    %dma_wait3A_532 = arith.constant 0 : i32
    %dma_wait3A_533 = arith.constant 0 : i32
    %dma_wait3A_534 = arith.constant 0 : i32
    %dma_wait3A_535 = tpu.memref_slice %arg12[%dma_wait3A_530, %dma_wait3A_531, %dma_wait3A_532, %dma_wait3A_533, %dma_wait3A_534] : memref<8x2x1x8x129xf32, #tpu.memory_space<vmem>> -> memref<8x1x1x8x128xf32, #tpu.memory_space<vmem>>
    tpu.wait_dma2 semaphore(%arg18 : memref<!tpu.dma_semaphore, #tpu.memory_space<semaphore_mem>>) src(%dma_wait3A_535 : memref<8x1x1x8x128xf32, #tpu.memory_space<vmem>>) dst(%dma_wait3A_529 : memref<8x1x1x8x128xf32, #tpu.memory_space<hbm>>)
    %add3A_536 = arith.constant 98 : i32
    %add3A_537 = arith.addi %mul3A_2, %add3A_536 : i32
    %jit3A_538 = arith.constant 25 : i32
    %div3A_539 = arith.divsi %add3A_537, %jit3A_538 : i32
    %sign3A_540 = arith.constant 0 : i32
    %sign3A_541 = arith.cmpi sgt, %add3A_537, %sign3A_540 : i32
    %sign3A_542 = arith.extui %sign3A_541 : i1 to i32
    %sign3A_543 = arith.constant 0 : i32
    %sign3A_544 = arith.cmpi slt, %add3A_537, %sign3A_543 : i32
    %sign3A_545 = arith.extui %sign3A_544 : i1 to i32
    %sign3A_546 = arith.subi %sign3A_542, %sign3A_545 : i32
    %sign3A_547 = arith.constant 0 : i32
    %sign3A_548 = arith.cmpi sgt, %jit3A_538, %sign3A_547 : i32
    %sign3A_549 = arith.extui %sign3A_548 : i1 to i32
    %sign3A_550 = arith.constant 0 : i32
    %sign3A_551 = arith.cmpi slt, %jit3A_538, %sign3A_550 : i32
    %sign3A_552 = arith.extui %sign3A_551 : i1 to i32
    %sign3A_553 = arith.subi %sign3A_549, %sign3A_552 : i32
    %ne3A_554 = arith.cmpi ne, %sign3A_546, %sign3A_553 : i32
    %rem3A_555 = arith.remsi %add3A_537, %jit3A_538 : i32
    %ne3A_556 = arith.constant 0 : i32
    %ne3A_557 = arith.cmpi ne, %rem3A_555, %ne3A_556 : i32
    %and3A_558 = arith.andi %ne3A_554, %ne3A_557 : i1
    %sub3A_559 = arith.constant 1 : i32
    %sub3A_560 = arith.subi %div3A_539, %sub3A_559 : i32
    %select_n3A_561 = arith.select %and3A_558, %sub3A_560, %div3A_539 : i32
    %jit3A_562 = arith.constant 25 : i32
    %eq3A_563 = arith.constant 0 : i32
    %eq3A_564 = arith.cmpi eq, %jit3A_562, %eq3A_563 : i32
    %jit3A_565 = arith.constant 1 : i32
    %select_n3A_566 = arith.select %eq3A_564, %jit3A_565, %jit3A_562 : i32
    %rem3A_567 = arith.remsi %add3A_537, %select_n3A_566 : i32
    %ne3A_568 = arith.constant 0 : i32
    %ne3A_569 = arith.cmpi ne, %rem3A_567, %ne3A_568 : i32
    %lt3A_570 = arith.constant 0 : i32
    %lt3A_571 = arith.cmpi slt, %rem3A_567, %lt3A_570 : i32
    %lt3A_572 = arith.constant 0 : i32
    %lt3A_573 = arith.cmpi slt, %select_n3A_566, %lt3A_572 : i32
    %ne3A_574 = arith.xori %lt3A_571, %lt3A_573 : i1
    %and3A_575 = arith.andi %ne3A_574, %ne3A_569 : i1
    %add3A_576 = arith.addi %rem3A_567, %select_n3A_566 : i32
    %select_n3A_577 = arith.select %and3A_575, %add3A_576, %rem3A_567 : i32
    %mul3A_578 = arith.constant 8 : i32
    %mul3A_579 = arith.muli %select_n3A_577, %mul3A_578 : i32
    %mul3A_580 = arith.constant 8 : i32
    %mul3A_581 = arith.muli %select_n3A_577, %mul3A_580 : i32
    %dma_wait3A_582 = arith.constant 0 : i32
    %dma_wait3A_583 = arith.constant 0 : i32
    %dma_wait3A_584 = arith.constant 0 : i32
    %dma_wait3A_585 = arith.constant 0 : i32
    %dma_wait3A_586 = arith.constant 0 : i32
    %dma_wait3A_587 = tpu.memref_slice %arg13[%dma_wait3A_582, %dma_wait3A_583, %dma_wait3A_584, %dma_wait3A_585, %dma_wait3A_586] : memref<8x2x1x8x129xf32, #tpu.memory_space<vmem>> -> memref<8x1x1x8x128xf32, #tpu.memory_space<vmem>>
    %dma_wait3A_588 = arith.constant 0 : i32
    %dma_wait3A_589 = arith.constant 0 : i32
    %dma_wait3A_590 = arith.constant 0 : i32
    %dma_wait3A_591 = tpu.memref_slice %arg4[%mul3A_579, %dma_wait3A_588, %select_n3A_561, %dma_wait3A_589, %dma_wait3A_590] : memref<200x2x128x8x128xf32, #tpu.memory_space<hbm>> -> memref<8x1x1x8x128xf32, #tpu.memory_space<hbm>>
    %dma_wait3A_592 = arith.constant 0 : i32
    %dma_wait3A_593 = arith.constant 0 : i32
    %dma_wait3A_594 = arith.constant 0 : i32
    %dma_wait3A_595 = tpu.memref_slice %arg4[%mul3A_579, %dma_wait3A_592, %select_n3A_561, %dma_wait3A_593, %dma_wait3A_594] : memref<200x2x128x8x128xf32, #tpu.memory_space<hbm>> -> memref<8x1x1x8x128xf32, #tpu.memory_space<hbm>>
    %dma_wait3A_596 = arith.constant 0 : i32
    %dma_wait3A_597 = arith.constant 0 : i32
    %dma_wait3A_598 = arith.constant 0 : i32
    %dma_wait3A_599 = arith.constant 0 : i32
    %dma_wait3A_600 = arith.constant 0 : i32
    %dma_wait3A_601 = tpu.memref_slice %arg13[%dma_wait3A_596, %dma_wait3A_597, %dma_wait3A_598, %dma_wait3A_599, %dma_wait3A_600] : memref<8x2x1x8x129xf32, #tpu.memory_space<vmem>> -> memref<8x1x1x8x128xf32, #tpu.memory_space<vmem>>
    tpu.wait_dma2 semaphore(%arg19 : memref<!tpu.dma_semaphore, #tpu.memory_space<semaphore_mem>>) src(%dma_wait3A_601 : memref<8x1x1x8x128xf32, #tpu.memory_space<vmem>>) dst(%dma_wait3A_595 : memref<8x1x1x8x128xf32, #tpu.memory_space<hbm>>)
    %dma_wait3A_602 = arith.constant 0 : i32
    %dma_wait3A_603 = arith.constant 1 : i32
    %dma_wait3A_604 = arith.constant 0 : i32
    %dma_wait3A_605 = arith.constant 0 : i32
    %dma_wait3A_606 = arith.constant 0 : i32
    %dma_wait3A_607 = tpu.memref_slice %arg13[%dma_wait3A_602, %dma_wait3A_603, %dma_wait3A_604, %dma_wait3A_605, %dma_wait3A_606] : memref<8x2x1x8x129xf32, #tpu.memory_space<vmem>> -> memref<8x1x1x8x128xf32, #tpu.memory_space<vmem>>
    %dma_wait3A_608 = arith.constant 1 : i32
    %dma_wait3A_609 = arith.constant 0 : i32
    %dma_wait3A_610 = arith.constant 0 : i32
    %dma_wait3A_611 = tpu.memref_slice %arg4[%mul3A_581, %dma_wait3A_608, %select_n3A_561, %dma_wait3A_609, %dma_wait3A_610] : memref<200x2x128x8x128xf32, #tpu.memory_space<hbm>> -> memref<8x1x1x8x128xf32, #tpu.memory_space<hbm>>
    %dma_wait3A_612 = arith.constant 1 : i32
    %dma_wait3A_613 = arith.constant 0 : i32
    %dma_wait3A_614 = arith.constant 0 : i32
    %dma_wait3A_615 = tpu.memref_slice %arg4[%mul3A_581, %dma_wait3A_612, %select_n3A_561, %dma_wait3A_613, %dma_wait3A_614] : memref<200x2x128x8x128xf32, #tpu.memory_space<hbm>> -> memref<8x1x1x8x128xf32, #tpu.memory_space<hbm>>
    %dma_wait3A_616 = arith.constant 0 : i32
    %dma_wait3A_617 = arith.constant 1 : i32
    %dma_wait3A_618 = arith.constant 0 : i32
    %dma_wait3A_619 = arith.constant 0 : i32
    %dma_wait3A_620 = arith.constant 0 : i32
    %dma_wait3A_621 = tpu.memref_slice %arg13[%dma_wait3A_616, %dma_wait3A_617, %dma_wait3A_618, %dma_wait3A_619, %dma_wait3A_620] : memref<8x2x1x8x129xf32, #tpu.memory_space<vmem>> -> memref<8x1x1x8x128xf32, #tpu.memory_space<vmem>>
    tpu.wait_dma2 semaphore(%arg19 : memref<!tpu.dma_semaphore, #tpu.memory_space<semaphore_mem>>) src(%dma_wait3A_621 : memref<8x1x1x8x128xf32, #tpu.memory_space<vmem>>) dst(%dma_wait3A_615 : memref<8x1x1x8x128xf32, #tpu.memory_space<hbm>>)
    %add3A_622 = arith.constant 99 : i32
    %add3A_623 = arith.addi %mul3A_2, %add3A_622 : i32
    %jit3A_624 = arith.constant 25 : i32
    %div3A_625 = arith.divsi %add3A_623, %jit3A_624 : i32
    %sign3A_626 = arith.constant 0 : i32
    %sign3A_627 = arith.cmpi sgt, %add3A_623, %sign3A_626 : i32
    %sign3A_628 = arith.extui %sign3A_627 : i1 to i32
    %sign3A_629 = arith.constant 0 : i32
    %sign3A_630 = arith.cmpi slt, %add3A_623, %sign3A_629 : i32
    %sign3A_631 = arith.extui %sign3A_630 : i1 to i32
    %sign3A_632 = arith.subi %sign3A_628, %sign3A_631 : i32
    %sign3A_633 = arith.constant 0 : i32
    %sign3A_634 = arith.cmpi sgt, %jit3A_624, %sign3A_633 : i32
    %sign3A_635 = arith.extui %sign3A_634 : i1 to i32
    %sign3A_636 = arith.constant 0 : i32
    %sign3A_637 = arith.cmpi slt, %jit3A_624, %sign3A_636 : i32
    %sign3A_638 = arith.extui %sign3A_637 : i1 to i32
    %sign3A_639 = arith.subi %sign3A_635, %sign3A_638 : i32
    %ne3A_640 = arith.cmpi ne, %sign3A_632, %sign3A_639 : i32
    %rem3A_641 = arith.remsi %add3A_623, %jit3A_624 : i32
    %ne3A_642 = arith.constant 0 : i32
    %ne3A_643 = arith.cmpi ne, %rem3A_641, %ne3A_642 : i32
    %and3A_644 = arith.andi %ne3A_640, %ne3A_643 : i1
    %sub3A_645 = arith.constant 1 : i32
    %sub3A_646 = arith.subi %div3A_625, %sub3A_645 : i32
    %select_n3A_647 = arith.select %and3A_644, %sub3A_646, %div3A_625 : i32
    %jit3A_648 = arith.constant 25 : i32
    %eq3A_649 = arith.constant 0 : i32
    %eq3A_650 = arith.cmpi eq, %jit3A_648, %eq3A_649 : i32
    %jit3A_651 = arith.constant 1 : i32
    %select_n3A_652 = arith.select %eq3A_650, %jit3A_651, %jit3A_648 : i32
    %rem3A_653 = arith.remsi %add3A_623, %select_n3A_652 : i32
    %ne3A_654 = arith.constant 0 : i32
    %ne3A_655 = arith.cmpi ne, %rem3A_653, %ne3A_654 : i32
    %lt3A_656 = arith.constant 0 : i32
    %lt3A_657 = arith.cmpi slt, %rem3A_653, %lt3A_656 : i32
    %lt3A_658 = arith.constant 0 : i32
    %lt3A_659 = arith.cmpi slt, %select_n3A_652, %lt3A_658 : i32
    %ne3A_660 = arith.xori %lt3A_657, %lt3A_659 : i1
    %and3A_661 = arith.andi %ne3A_660, %ne3A_655 : i1
    %add3A_662 = arith.addi %rem3A_653, %select_n3A_652 : i32
    %select_n3A_663 = arith.select %and3A_661, %add3A_662, %rem3A_653 : i32
    %mul3A_664 = arith.constant 8 : i32
    %mul3A_665 = arith.muli %select_n3A_663, %mul3A_664 : i32
    %mul3A_666 = arith.constant 8 : i32
    %mul3A_667 = arith.muli %select_n3A_663, %mul3A_666 : i32
    %dma_wait3A_668 = arith.constant 0 : i32
    %dma_wait3A_669 = arith.constant 0 : i32
    %dma_wait3A_670 = arith.constant 0 : i32
    %dma_wait3A_671 = arith.constant 0 : i32
    %dma_wait3A_672 = arith.constant 0 : i32
    %dma_wait3A_673 = tpu.memref_slice %arg11[%dma_wait3A_668, %dma_wait3A_669, %dma_wait3A_670, %dma_wait3A_671, %dma_wait3A_672] : memref<8x2x1x8x129xf32, #tpu.memory_space<vmem>> -> memref<8x1x1x8x128xf32, #tpu.memory_space<vmem>>
    %dma_wait3A_674 = arith.constant 0 : i32
    %dma_wait3A_675 = arith.constant 0 : i32
    %dma_wait3A_676 = arith.constant 0 : i32
    %dma_wait3A_677 = tpu.memref_slice %arg4[%mul3A_665, %dma_wait3A_674, %select_n3A_647, %dma_wait3A_675, %dma_wait3A_676] : memref<200x2x128x8x128xf32, #tpu.memory_space<hbm>> -> memref<8x1x1x8x128xf32, #tpu.memory_space<hbm>>
    %dma_wait3A_678 = arith.constant 0 : i32
    %dma_wait3A_679 = arith.constant 0 : i32
    %dma_wait3A_680 = arith.constant 0 : i32
    %dma_wait3A_681 = tpu.memref_slice %arg4[%mul3A_665, %dma_wait3A_678, %select_n3A_647, %dma_wait3A_679, %dma_wait3A_680] : memref<200x2x128x8x128xf32, #tpu.memory_space<hbm>> -> memref<8x1x1x8x128xf32, #tpu.memory_space<hbm>>
    %dma_wait3A_682 = arith.constant 0 : i32
    %dma_wait3A_683 = arith.constant 0 : i32
    %dma_wait3A_684 = arith.constant 0 : i32
    %dma_wait3A_685 = arith.constant 0 : i32
    %dma_wait3A_686 = arith.constant 0 : i32
    %dma_wait3A_687 = tpu.memref_slice %arg11[%dma_wait3A_682, %dma_wait3A_683, %dma_wait3A_684, %dma_wait3A_685, %dma_wait3A_686] : memref<8x2x1x8x129xf32, #tpu.memory_space<vmem>> -> memref<8x1x1x8x128xf32, #tpu.memory_space<vmem>>
    tpu.wait_dma2 semaphore(%arg17 : memref<!tpu.dma_semaphore, #tpu.memory_space<semaphore_mem>>) src(%dma_wait3A_687 : memref<8x1x1x8x128xf32, #tpu.memory_space<vmem>>) dst(%dma_wait3A_681 : memref<8x1x1x8x128xf32, #tpu.memory_space<hbm>>)
    %dma_wait3A_688 = arith.constant 0 : i32
    %dma_wait3A_689 = arith.constant 1 : i32
    %dma_wait3A_690 = arith.constant 0 : i32
    %dma_wait3A_691 = arith.constant 0 : i32
    %dma_wait3A_692 = arith.constant 0 : i32
    %dma_wait3A_693 = tpu.memref_slice %arg11[%dma_wait3A_688, %dma_wait3A_689, %dma_wait3A_690, %dma_wait3A_691, %dma_wait3A_692] : memref<8x2x1x8x129xf32, #tpu.memory_space<vmem>> -> memref<8x1x1x8x128xf32, #tpu.memory_space<vmem>>
    %dma_wait3A_694 = arith.constant 1 : i32
    %dma_wait3A_695 = arith.constant 0 : i32
    %dma_wait3A_696 = arith.constant 0 : i32
    %dma_wait3A_697 = tpu.memref_slice %arg4[%mul3A_667, %dma_wait3A_694, %select_n3A_647, %dma_wait3A_695, %dma_wait3A_696] : memref<200x2x128x8x128xf32, #tpu.memory_space<hbm>> -> memref<8x1x1x8x128xf32, #tpu.memory_space<hbm>>
    %dma_wait3A_698 = arith.constant 1 : i32
    %dma_wait3A_699 = arith.constant 0 : i32
    %dma_wait3A_700 = arith.constant 0 : i32
    %dma_wait3A_701 = tpu.memref_slice %arg4[%mul3A_667, %dma_wait3A_698, %select_n3A_647, %dma_wait3A_699, %dma_wait3A_700] : memref<200x2x128x8x128xf32, #tpu.memory_space<hbm>> -> memref<8x1x1x8x128xf32, #tpu.memory_space<hbm>>
    %dma_wait3A_702 = arith.constant 0 : i32
    %dma_wait3A_703 = arith.constant 1 : i32
    %dma_wait3A_704 = arith.constant 0 : i32
    %dma_wait3A_705 = arith.constant 0 : i32
    %dma_wait3A_706 = arith.constant 0 : i32
    %dma_wait3A_707 = tpu.memref_slice %arg11[%dma_wait3A_702, %dma_wait3A_703, %dma_wait3A_704, %dma_wait3A_705, %dma_wait3A_706] : memref<8x2x1x8x129xf32, #tpu.memory_space<vmem>> -> memref<8x1x1x8x128xf32, #tpu.memory_space<vmem>>
    tpu.wait_dma2 semaphore(%arg17 : memref<!tpu.dma_semaphore, #tpu.memory_space<semaphore_mem>>) src(%dma_wait3A_707 : memref<8x1x1x8x128xf32, #tpu.memory_space<vmem>>) dst(%dma_wait3A_701 : memref<8x1x1x8x128xf32, #tpu.memory_space<hbm>>)
    return
  }
}

</mosaic_0001>

<sc_bundles>
// kernel: _sc_gather_t.3.cloned.1.call-start
scs
__scs_entry_jumppad:
0x0: {  	(pc) =	sbr.rel $0x88, $3  }
0x1: {  	(tag) =	ssettag $0x0;
	lr =	simm.s32 $0x1  }
0x2: {  	[smem:$0x3F9F] =	sst lr;
	_ =	strace $0xD0000000  }
0x3: {  	_ = 	snop  }
0x4: {  	_ = 	snop  }
0x5: {  	_ = 	snop  }
0x6: {  	_ = 	snop  }
0x7: {  	_ = 	snop  }
__scs_overlays_trampoline_lowered:
0x8: {  	[smem:$0x3FAE] =	sst s0  }
0x9: {  	[smem:$0x3FAF] =	sst s1  }
0xa: {  	[smem:$0x3FB0] =	sst s2  }
0xb: {  	[smem:$0x3FB1] =	sst s3  }
0xc: {  	[smem:$0x3FB2] =	sst s4  }
0xd: {  	[smem:$0x3FB3] =	sst s5  }
0xe: {  	[smem:$0x3FB4] =	sst s6  }
0xf: {  	[smem:$0x3FB5] =	sst s7  }
0x10: {  	[smem:$0x3FB6] =	sst s8  }
0x11: {  	[smem:$0x3FB7] =	sst s9;
	s0 =	simm.s32 @!p0 $0x0  }
0x12: {  	s1 =	sld [smem:$0x3F9D];
	s0 =	simm.s32 @p0 $0x1  }
0x13: {  	[smem:$0x3FB8] =	sst s0;
	s0 =	simm.s32 @!p1 $0x0  }
0x14: {  	s2 =	sld [smem:$0x3F9C];
	s0 =	simm.s32 @p1 $0x1  }
0x15: {  	[smem:$0x3FB9] =	sst s0;
	s0 =	simm.s32 @!p2 $0x0  }
0x16: {  	s3 =	sld [smem:$0x3FDB];
	s0 =	simm.s32 @p2 $0x1  }
0x17: {  	s4 =	simm.s32 $0x1BF5;
	[smem:$0x3FBB] =	sst s0  }
0x18: {  	s0 =	sld [smem:$0x3F9E];
	_ =	swait.ge [sflag:s4], $0x0  }
0x19: {  	s7 =	sld [smem:$0x3F9F]  }
0x1a: {  	s8 =	sadd.s32 $0xFFFFE003, lr  }
0x1b: {  	s9 =	sadd.s32 $0xFFFFFEF7, lr;
	s5 =	simm.s32 $0xFFFFFFFF;
	p2 =	slt.u32 s8, $0xFFFFF086  }
0x1c: {  	p1 =	slt.u32 s9, $0xF7A;
	s5 =	simm.s32 @!p2 $0x0  }
0x1d: {  	s5 =	simm.s32 @p1 $0x1;
	p0 =	seq.s32 s7, s2  }
0x1e: {  	s7 =	smul.u32 @!p0 $0xF7A, s2;
	p2 =	seq.s32 @!p0 s5, $0x0  }
0x1f: {  	s9 =	smul.u32 $0xF7A, s1;
	s8 =	simm.s32 @!p0 $0x1BF5;
	p2 =	por !p2, p0  }
0x20: {  	[sflag:s8] =	ssyncset.s32 @!p0 $0xFFFFF086;
	s6 =	sadd.s32 @!p0 s3, s7;
	s7 =	simm.s32 @!p0 $0x108  }
0x21: {  	s3 =	sadd.s32 s3, s9;
	s6 =	sadd.s32 @!p0 $0x88, s6;
	s7 =	simm.s32 @p2 $0x1082  }
0x22: {  	[simem:s7], [sflag:s8] =	dma.local @!p0 [hbm:s6], $0xF7A  }
0x23: {  	s9 =	sor.u32 $0xD0000000, s2;
	s6 =	simm.s32 $0x108;
	_ =	swait.ge @!p0 [sflag:s8], $0x0  }
0x24: {  	s3 =	sadd.s32 $0x88, s3;
	s6 =	simm.s32 @!p1 $0x1082;
	[sflag:s4] =	ssyncset.s32 $0xFFFFF086  }
0x25: {  	[simem:s6], [sflag:s4] =	dma.local [hbm:s3], $0xF7A  }
0x26: {  	[smem:$0x3F9F] =	sst s1;
	(tag) =	ssettag s2;
	_ =	strace s9  }
0x27: {  	s1 =	sld [smem:$0x3FAF]  }
0x28: {  	s2 =	sld [smem:$0x3FB0]  }
0x29: {  	s4 =	sld [smem:$0x3FB2]  }
0x2a: {  	p0 =	seq.s32 s5, $0x0;
	s5 =	sld [smem:$0x3FB3]  }
0x2b: {  	s6 =	sld [smem:$0x3FB4]  }
0x2c: {  	s7 =	sld [smem:$0x3FB5]  }
0x2d: {  	s3 =	simm.s32 $0x108;
	s8 =	sld [smem:$0x3FB6]  }
0x2e: {  	s3 =	simm.s32 @!p0 $0x1082;
	s9 =	sld [smem:$0x3FB7]  }
0x2f: {  	lr =	sadd.s32 s0, s3;
	s0 =	sld [smem:$0x3FAE]  }
0x30: {  	s3 =	sld [smem:$0x3FB1]  }
0x31: {  	[smem:$0x3FBA] =	sst s10  }
0x32: {  	s10 =	sld [smem:$0x3FB8];
	_ =	sdelay $0x3  }
0x33: {  	p0 =	seq.s32 s10, $0x1;
	s10 =	sld [smem:$0x3FBA];
	_ =	sdelay $0x3  }
0x34: {  	[smem:$0x3FBA] =	sst s10  }
0x35: {  	s10 =	sld [smem:$0x3FB9];
	_ =	sdelay $0x3  }
0x36: {  	p1 =	seq.s32 s10, $0x1;
	s10 =	sld [smem:$0x3FBA];
	_ =	sdelay $0x3  }
0x37: {  	[smem:$0x3FBA] =	sst s10  }
0x38: {  	s10 =	sld [smem:$0x3FBB]  }
0x39: {  	_ = 	snop;
	(pc) =	sbr.ind lr, $3  }
0x3a: {  	_ = 	snop  }
0x3b: {  	_ = 	snop  }
0x3c: {  	p2 =	seq.s32 s10, $0x1;
	s10 =	sld [smem:$0x3FBA]  }
0x3d: {  	_ =	shalt  }
0x3e: {  	_ =	shalt  }
0x3f: {  	_ =	shalt  }
0x40: {  	_ =	shalt  }
0x41: {  	_ =	shalt  }
0x42: {  	_ =	shalt  }
0x43: {  	_ =	shalt  }
0x44: {  	_ =	shalt  }
0x45: {  	_ =	shalt  }
0x46: {  	_ =	shalt  }
0x47: {  	_ =	shalt  }
0x48: {  	_ =	shalt  }
0x49: {  	_ =	shalt  }
0x4a: {  	_ =	shalt  }
0x4b: {  	_ =	shalt  }
0x4c: {  	_ =	shalt  }
0x4d: {  	_ =	shalt  }
0x4e: {  	_ =	shalt  }
0x4f: {  	_ =	shalt  }
0x50: {  	_ =	shalt  }
0x51: {  	_ =	shalt  }
0x52: {  	_ =	shalt  }
0x53: {  	_ =	shalt  }
0x54: {  	_ =	shalt  }
0x55: {  	_ =	shalt  }
0x56: {  	_ =	shalt  }
0x57: {  	_ =	shalt  }
0x58: {  	_ =	shalt  }
0x59: {  	_ =	shalt  }
0x5a: {  	_ =	shalt  }
0x5b: {  	_ =	shalt  }
0x5c: {  	_ =	shalt  }
0x5d: {  	_ =	shalt  }
0x5e: {  	_ =	shalt  }
0x5f: {  	_ =	shalt  }
0x60: {  	_ =	shalt  }
0x61: {  	_ =	shalt  }
0x62: {  	_ =	shalt  }
0x63: {  	_ =	shalt  }
0x64: {  	_ =	shalt  }
0x65: {  	_ =	shalt  }
0x66: {  	_ =	shalt  }
0x67: {  	_ =	shalt  }
0x68: {  	_ =	shalt  }
0x69: {  	_ =	shalt  }
0x6a: {  	_ =	shalt  }
0x6b: {  	_ =	shalt  }
0x6c: {  	_ =	shalt  }
0x6d: {  	_ =	shalt  }
0x6e: {  	_ =	shalt  }
0x6f: {  	_ =	shalt  }
0x70: {  	_ =	shalt  }
0x71: {  	_ =	shalt  }
0x72: {  	_ =	shalt  }
0x73: {  	_ =	shalt  }
0x74: {  	_ =	shalt  }
0x75: {  	_ =	shalt  }
0x76: {  	_ =	shalt  }
0x77: {  	_ =	shalt  }
0x78: {  	_ =	shalt  }
0x79: {  	_ =	shalt  }
0x7a: {  	_ =	shalt  }
0x7b: {  	_ =	shalt  }
0x7c: {  	_ =	shalt  }
0x7d: {  	_ =	shalt  }
0x7e: {  	_ =	shalt  }
0x7f: {  	_ =	shalt  }
0x80: {  	_ =	shalt  }
0x81: {  	_ =	shalt  }
0x82: {  	_ =	shalt  }
0x83: {  	_ =	shalt  }
0x84: {  	_ =	shalt  }
0x85: {  	_ =	shalt  }
0x86: {  	_ =	shalt  }
0x87: {  	_ =	shalt  }
.Lfunc_end0:
.L_simem_size_0:
called_computation_lowered:
.L_overlay_start_0:
0x88: {  	s2 =	sld [smem:$0x3FD9]  }
0x89: {  	s3 =	sld [smem:$0x3FFE];
	_ =	sdelay $0x1  }
0x8a: {  	s1 =	srdreg.scid  }
0x8b: {  	s0 =	sand.u32 $0x1, s1  }
0x8c: {  	s17 =	sshll.u32 s0, $0xA;
	s2 =	sadd.s32 s3, s2  }
0x8d: {  	s2 =	sadd.s32 s2, s17  }
0x8e: {  	[smem:$0x3FC6] =	sst s2  }
0x8f: {  	_ = 	snop  }
0x90: {  	s2 =	sld [smem:$0x3FD0];
	(tm) =	ssettm $0x1  }
0x91: {  	s18 =	sld [smem:$0x3FFB];
	_ =	sdelay $0x3  }
0x92: {  	_ =	strace s18  }
0x93: {  	s3 =	sld [smem:$0x3FFC];
	_ =	sdelay $0x3  }
0x94: {  	_ =	strace s3  }
0x95: {  	s3 =	sld [smem:$0x3FFD];
	_ =	sdelay $0x3  }
0x96: {  	_ =	strace s3  }
0x97: {  	_ =	strace $0x8FFFFFFF  }
0x98: {  	s19 =	sld [smem:$0x3FDB];
	_ =	sdelay $0x1  }
0x99: {  	s4 =	simm.s32 $_scs_section_size  }
0x9a: {  	s5 =	simm.s32 $_size__tile_overlayer_lowered;
	s6 =	simm.s32 $_tile_overlayer_lowered  }
0x9b: {  	s22 =	simm.s32 $0x1BFF;
	s21 =	sshll.u32 s6, $0x1;
	s3 =	sadd.s32 s4, s19  }
0x9c: {  	s7 =	simm.s32 $0x0;
	s20 =	sshll.u32 s5, $0x1;
	s5 =	sadd.s32 s21, s3  }
0x9d: {  	[timem:s7], [sflag:s22] =	dma.local [hbm:s5], s20  }
0x9e: {  	_ =	swait.ge [sflag:s22], s20  }
0x9f: {  	s4 =	ssub.s32 $0x0, s20;
	[sflag:s22] =	ssyncset.done $0x0  }
0xa0: {  	[sflag:s22] =	ssyncadd.s32 s4;
	_ =	sdelay $0x1  }
0xa1: {  	s23 =	simm.s32 $0x1B8B  }
0xa2: {  	_ =	swait.ge [sflag:s23], $0x1  }
0xa3: {  	[sflag:s23] =	ssyncset.done $0x0  }
0xa4: {  	s25 =	simm.s32 $0x1B8E;
	s24 =	sld [smem:$0x3FFE];
	[sflag:s23] =	ssyncadd.s32 $0xFFFFFFFF  }
0xa5: {  	s26 =	simm.s32 $execute0_lowered;
	[smem:$0x3FD2] =	sst s25  }
0xa6: {  	s5 =	sshll.u32 s26, $0x1;
	_ =	strace $0x80000046;
	[dreg:$0x1] =	wrdreg $0xFFFFFFFF  }
0xa7: {  	s28 =	simm.s32 $_size_execute0_lowered;
	s3 =	sadd.s32 s3, s5;
	[dreg:$0x0] =	wrdreg $0x0  }
0xa8: {  	s5 =	sshll.u32 s28, $0x1;
	[dreg:$0x2] =	wrdreg s3  }
0xa9: {  	[dreg:$0x3] =	wrdreg s5  }
0xaa: {  	[dreg:$0x4] =	wrdreg $0xC0  }
0xab: {  	_ =	task [dreg:s7], $0x5FFFF  }
0xac: {  	[dreg:$0x1] =	wrdreg $0xFFFFFFFF  }
0xad: {  	[dreg:$0x0] =	wrdreg $0x60  }
0xae: {  	[dreg:$0x2] =	wrdreg s24  }
0xaf: {  	[dreg:$0x3] =	wrdreg s2  }
0xb0: {  	[dreg:$0x4] =	wrdreg $0x9  }
0xb1: {  	_ =	task.clear_ibuf [dreg:s7], $0x5FFFF;
	_ =	strace $0x90000046  }
0xb2: {  	s29 =	simm.s32 $0x9;
	_ =	strace $0x80000048  }
0xb3: {  	_ =	swait.ge [sflag:s29], $0x1  }
0xb4: {  	[sflag:s29] =	ssyncadd.s32 $0xFFFFFFFF  }
0xb5: {  	_ =	strace $0x90000048  }
0xb6: {  	_ =	sfence  }
0xb7: {  	s30 =	sld [smem:$0x0];
	_ =	sdelay $0x2  }
0xb8: {  	s31 =	sshll.u32 s1, $0xD;
	s1 =	sshrl.u32 s1, $0x2  }
0xb9: {  	s3 =	sand.u32 $0x4000, s31;
	s1 =	sadd.s32 s1, s30  }
0xba: {  	s0 =	sor.u32 s3, s0;
	s1 =	sshll.u32 s1, $0x11  }
0xbb: {  	s0 =	sor.u32 s1, s0  }
0xbc: {  	s0 =	sadd.s32 $0x8F2B, s0  }
0xbd: {  	[sflag:s0] =	ssyncadd.remote.s32 $0x1  }
0xbe: {  	_ =	sfence.sel $0xFFFF  }
0xbf: {  	[dreg:$0x0] =	wrdreg $0xFFFFFFFF;
	(pc) =	sbr.abs _section_cstart, $3  }
0xc0: {  	[dreg:$0x1] =	wrdreg $0xFFFFFFFF  }
0xc1: {  	_ =	task.clear_ibuf [dreg:s7], $0x2FFFF;
	_ =	strace $0x9FFFFFFF  }
0xc2: {  	(tm) =	ssettm $0x7FFFFFFF  }
0xc3: {  	_ =	shalt  }
tec
execute0_lowered:
.L_overlay_start_1:
0x0: {  	(tag) =	ssettag $0x1  }
0x1: {  	s0 =	srdreg.scid;
	s8 =	rddreg [dreg:$0x0]  }
0x2: {  	s1 =	stileid.u32;
	s4 =	rddreg [dreg:$0x1]  }
0x3: {  	s5 =	simm.s32 $0x0;
	s0 =	sand.u32 $0x1, s0;
	s1 =	sshll.u32 s1, $0x1  }
0x4: {  	s16 =	simm.s32 $0x80;
	s20 =	simm.s32 $0x7;
	s1 =	sor.u32 s0, s1  }
0x5: {  	s18 =	simm.s32 $0x4400;
	s17 =	simm.s32 $0x6;
	s2 =	smul.u32 $0x64, s1  }
0x6: {  	s15 =	simm.s32 $0x2;
	s21 =	simm.s32 $0x11000;
	s22 =	simm.s32 $0x3  }
0x7: {  	s23 =	simm.s32 $0x15400;
	[smem:$0x7FF] =	sst s5;
	s3 =	sor.u32 $0x1, s2  }
0x8: {  	s7 =	sadd.s32 $0x64600, s8;
	s0 =	ssub.s32 $0x2, s0;
	s9 =	smul.u32 $0xA3E, s3  }
0x9: {  	s8 =	sadd.s32 $0x600, s8;
	_ =	strace $0x80000047;
	s12 =	sshrl.u32 s0, $0x1  }
0xa: {  	s1 =	sshll.u32 s1, $0x6;
	s0 =	ssub.s32 s0, s12;
	s6 =	sshrl.u32 s9, $0x10  }
0xb: {  	s1 =	sadd.s32 s8, s1;
	s10 =	smul.u32 $0x19, s6;
	s6 =	sor.u32 $0x2, s2  }
0xc: {  	[dreg:$0x3] =	wrdreg s1;
	s0 =	smax.u32 s0, $0x1;
	s11 =	smul.u32 $0xA3E, s6  }
0xd: {  	s12 =	sor.u32 $0x3, s2;
	s14 =	sadd.s32 $0x5, s2;
	[dreg:$0x6] =	wrdreg s0  }
0xe: {  	s9 =	sshrl.u32 s9, $0xC;
	s10 =	ssub.s32 s3, s10;
	s13 =	sshrl.u32 s11, $0x10  }
0xf: {  	s9 =	sand.u32 $0xFFF0, s9;
	s10 =	sand.u32 $0xFFFF, s10;
	s13 =	smul.u32 $0x19, s13  }
0x10: {  	v0 =	vlaneseq.u32;
	s9 =	sadd.s32 s9, s8;
	s11 =	sshrl.u32 s11, $0xC;
	s29 =	sshll.u32 s10, $0xE  }
.Ltmp0:
0x11: {  	v0 =	vmul.u32 $0x88, v0;
	s11 =	sand.u32 $0xFFF0, s11;
	s30 =	ssub.s32 s6, s13;
	(pc) =	sbr.rel .LBB2_1-.Ltmp0, $4  }
0x12: {  	v1 =	vimm.s32 $0x0;
	vm0 =	vcmask $0x300;
	s11 =	sadd.s32 s11, s8;
	s1 =	sadd.s32 s29, s9;
	s10 =	sand.u32 $0xFFFF, s30  }
0x13: {  	v1 =	vsel vm0, $0x3, v1;
	v2 =	vor.u32 $0x1, v0;
	s9 =	simm.s32 $0x4;
	[dreg:$0x4] =	wrdreg s1;
	s10 =	sshll.u32 s10, $0xE  }
0x14: {  	v3 =	vor.u32 $0x2, v0;
	v4 =	vor.u32 $0x3, v0;
	v5 =	vor.u32 $0x4, v0;
	s13 =	sadd.s32 $0x4, s2;
	s1 =	simm.s32 $0x0;
	s31 =	sadd.s32 s10, s11  }
0x15: {  	v6 =	vor.u32 $0x5, v0;
	v7 =	vor.u32 $0x6, v0;
	v8 =	vor.u32 $0x7, v0;
	s10 =	simm.s32 $0x1;
	s11 =	simm.s32 $0xCC00;
	[dreg:$0x5] =	wrdreg s31  }
.LBB2_28:
0x16: {  	s0 =	simm.s32 $0x5  }
0x17: {  	_ =	swait.ge [sflag:s0], $0x2000  }
0x18: {  	[sflag:s0] =	ssyncset.done $0x0  }
0x19: {  	[sflag:s0] =	ssyncadd.s32 $0xFFFFE000  }
0x1a: {  	_ =	swait.ge [sflag:s0], $0x2000  }
0x1b: {  	[sflag:s0] =	ssyncset.done $0x0  }
0x1c: {  	[sflag:s0] =	ssyncadd.s32 $0xFFFFE000  }
0x1d: {  	_ =	swait.ge [sflag:s17], $0x2000  }
0x1e: {  	[sflag:s17] =	ssyncset.done $0x0  }
0x1f: {  	[sflag:s17] =	ssyncadd.s32 $0xFFFFE000  }
0x20: {  	_ =	swait.ge [sflag:s17], $0x2000  }
0x21: {  	[sflag:s17] =	ssyncset.done $0x0  }
0x22: {  	[sflag:s17] =	ssyncadd.s32 $0xFFFFE000  }
0x23: {  	_ =	swait.ge [sflag:s9], $0x2000  }
0x24: {  	[sflag:s9] =	ssyncset.done $0x0  }
0x25: {  	[sflag:s9] =	ssyncadd.s32 $0xFFFFE000  }
0x26: {  	_ =	swait.ge [sflag:s9], $0x2000  }
0x27: {  	s1 =	rddreg [dreg:$0x7]  }
0x28: {  	s31 =	rddreg [dreg:$0x6];
	s1 =	sadd.s32 $0x1, s1  }
0x29: {  	p0 =	sne.s32 s1, s31  }
.Ltmp1:
0x2a: {  	_ = 	snop;
	(pc) =	sbr.rel @!p0 .LBB2_29-.Ltmp1, $3  }
0x2b: {  	_ =	sdelay $0x1  }
0x2c: {  	[sflag:s9] =	ssyncset.done $0x0  }
0x2d: {  	[sflag:s9] =	ssyncadd.s32 $0xFFFFE000  }
.LBB2_1:
0x2e: {  	[dreg:$0x7] =	wrdreg s1  }
0x2f: {  	s0 =	rddreg [dreg:$0x3];
	s29 =	simm.s32 $0x4000  }
0x30: {  	[tilespmem:s5], [sflag:$0x7] =	stream.strided.gather [hbm4b:s0+s16], $0x400, s29, s16, $0x38;
	[tilespmem:$0x19800] =	vst v63  }
0x31: {  	s30 =	rddreg [dreg:$0x4];
	s19 =	simm.s32 $0x400  }
0x32: {  	[tilespmem:s19], [sflag:$0x8] =	stream.strided.gather [hbm4b:s30+s16], $0x400, s29, s16, $0x38;
	[tilespmem:$0x19800] =	vst v63  }
0x33: {  	s31 =	rddreg [dreg:$0x5];
	s24 =	simm.s32 $0x800  }
0x34: {  	[tilespmem:s24], [sflag:$0x9] =	stream.strided.gather [hbm4b:s31+s16], $0x400, s29, s16, $0x38;
	[tilespmem:$0x19800] =	vst v63  }
0x35: {  	_ =	swait.ge [sflag:s20], $0x400  }
0x36: {  	[sflag:s20] =	ssyncset.done $0x0  }
0x37: {  	s25 =	simm.s32 $0xC00;
	[sflag:s20] =	ssyncadd.s32 $0xFFFFFC00  }
0x38: {  	[tilespmem:s25], [sflag:$0x1] =	stream.indirect.gather [hbm4b:s7+s16], $0x10, s5, s16, $0xb8;
	[tilespmem:$0x19800] =	vst v63  }
0x39: {  	s26 =	simm.s32 $0x1400  }
0x3a: {  	[tilespmem:s26], [sflag:$0x1] =	stream.indirect.gather [hbm4b:s7+s16], $0x10, s16, s16, $0xb8;
	[tilespmem:$0x19800] =	vst v63  }
0x3b: {  	s28 =	simm.s32 $0x100;
	s29 =	simm.s32 $0x1C00  }
0x3c: {  	[tilespmem:s29], [sflag:$0x1] =	stream.indirect.gather [hbm4b:s7+s16], $0x10, s28, s16, $0xb8;
	[tilespmem:$0x19800] =	vst v63  }
0x3d: {  	s30 =	simm.s32 $0x180;
	s31 =	simm.s32 $0x2400  }
0x3e: {  	[tilespmem:s31], [sflag:$0x1] =	stream.indirect.gather [hbm4b:s7+s16], $0x10, s30, s16, $0xb8;
	[tilespmem:$0x19800] =	vst v63  }
0x3f: {  	s24 =	simm.s32 $0x200;
	s25 =	simm.s32 $0x2C00  }
0x40: {  	[tilespmem:s25], [sflag:$0x1] =	stream.indirect.gather [hbm4b:s7+s16], $0x10, s24, s16, $0xb8;
	[tilespmem:$0x19800] =	vst v63  }
0x41: {  	s26 =	simm.s32 $0x280;
	s28 =	simm.s32 $0x3400  }
0x42: {  	[tilespmem:s28], [sflag:$0x1] =	stream.indirect.gather [hbm4b:s7+s16], $0x10, s26, s16, $0xb8;
	[tilespmem:$0x19800] =	vst v63  }
0x43: {  	s29 =	simm.s32 $0x300;
	s30 =	simm.s32 $0x3C00  }
0x44: {  	[tilespmem:s30], [sflag:$0x1] =	stream.indirect.gather [hbm4b:s7+s16], $0x10, s29, s16, $0xb8;
	[tilespmem:$0x19800] =	vst v63  }
0x45: {  	s1 =	simm.s32 $0x8;
	s31 =	simm.s32 $0x380  }
0x46: {  	[tilespmem:s18], [sflag:$0x1] =	stream.indirect.gather [hbm4b:s7+s16], $0x10, s31, s16, $0xb8;
	[tilespmem:$0x19800] =	vst v63  }
0x47: {  	_ =	swait.ge [sflag:s1], $0x400  }
0x48: {  	[sflag:s1] =	ssyncset.done $0x0  }
0x49: {  	s24 =	simm.s32 $0x4C00;
	[sflag:s1] =	ssyncadd.s32 $0xFFFFFC00  }
0x4a: {  	[tilespmem:s24], [sflag:$0x2] =	stream.indirect.gather [hbm4b:s7+s16], $0x10, s19, s16, $0xb8;
	[tilespmem:$0x19800] =	vst v63  }
0x4b: {  	s25 =	simm.s32 $0x480;
	s26 =	simm.s32 $0x5400  }
0x4c: {  	[tilespmem:s26], [sflag:$0x2] =	stream.indirect.gather [hbm4b:s7+s16], $0x10, s25, s16, $0xb8;
	[tilespmem:$0x19800] =	vst v63  }
0x4d: {  	s28 =	simm.s32 $0x500;
	s29 =	simm.s32 $0x5C00  }
0x4e: {  	[tilespmem:s29], [sflag:$0x2] =	stream.indirect.gather [hbm4b:s7+s16], $0x10, s28, s16, $0xb8;
	[tilespmem:$0x19800] =	vst v63  }
0x4f: {  	s30 =	simm.s32 $0x580;
	s31 =	simm.s32 $0x6400  }
0x50: {  	[tilespmem:s31], [sflag:$0x2] =	stream.indirect.gather [hbm4b:s7+s16], $0x10, s30, s16, $0xb8;
	[tilespmem:$0x19800] =	vst v63  }
0x51: {  	s19 =	simm.s32 $0x600;
	s24 =	simm.s32 $0x6C00  }
0x52: {  	[tilespmem:s24], [sflag:$0x2] =	stream.indirect.gather [hbm4b:s7+s16], $0x10, s19, s16, $0xb8;
	[tilespmem:$0x19800] =	vst v63  }
0x53: {  	s25 =	simm.s32 $0x680;
	s26 =	simm.s32 $0x7400  }
0x54: {  	[tilespmem:s26], [sflag:$0x2] =	stream.indirect.gather [hbm4b:s7+s16], $0x10, s25, s16, $0xb8;
	[tilespmem:$0x19800] =	vst v63  }
0x55: {  	s28 =	simm.s32 $0x700;
	s29 =	simm.s32 $0x7C00  }
0x56: {  	[tilespmem:s29], [sflag:$0x2] =	stream.indirect.gather [hbm4b:s7+s16], $0x10, s28, s16, $0xb8;
	[tilespmem:$0x19800] =	vst v63  }
0x57: {  	s30 =	simm.s32 $0x780;
	s31 =	simm.s32 $0x8400;
	s24 =	simm.s32 $0x0  }
0x58: {  	[tilespmem:s31], [sflag:$0x2] =	stream.indirect.gather [hbm4b:s7+s16], $0x10, s30, s16, $0xb8;
	[tilespmem:$0x19800] =	vst v63  }
.LBB2_2:
0x59: {  	s25 =	smul.u32 $0x3, s24  }
0x5a: {  	p0 =	seq.s32 s24, $0x21  }
0x5b: {  	s1 =	sadd.s32 @!p0 s25, s12  }
0x5c: {  	s26 =	smulhi.u32 @!p0 $0x51EB851F, s1;
	_ =	sdelay $0x1  }
0x5d: {  	s26 =	sshrl.u32 @!p0 s26, $0x3  }
0x5e: {  	_ =	swait.ge [sflag:s10], $0x4000;
	s28 =	smul.u32 @!p0 $0x19, s26  }
0x5f: {  	[sflag:s10] =	ssyncset.done $0x0  }
0x60: {  	s29 =	simm.s32 @!p0 $0x0;
	s26 =	sshll.u32 @!p0 s26, $0x4;
	s1 =	ssub.s32 @!p0 s1, s28  }
0x61: {  	[sflag:s10] =	ssyncadd.s32 $0xFFFFC000;
	s26 =	sadd.s32 @!p0 s8, s26;
	s1 =	sshll.u32 @!p0 s1, $0xE  }
0x62: {  	s28 =	simm.s32 @!p0 $0x4000;
	s1 =	sadd.s32 @!p0 s1, s26;
	s26 =	simm.s32 @!p0 $0x80  }
0x63: {  	[tilespmem:s29], [sflag:$0x7] =	stream.strided.gather @!p0 [hbm4b:s1+s26], $0x400, s28, s26, $0x38;
	[tilespmem:$0x19800] =	vst v63  }
0x64: {  	s1 =	simm.s32 @!p0 $0x9  }
0x65: {  	_ =	swait.ge @!p0 [sflag:s1], $0x400  }
0x66: {  	[sflag:s1] =	ssyncset.done @!p0 $0x0  }
0x67: {  	s28 =	simm.s32 @!p0 $0x8C00;
	[sflag:s1] =	ssyncadd.s32 @!p0 $0xFFFFFC00;
	s1 =	simm.s32 @!p0 $0x800  }
0x68: {  	[tilespmem:s28], [sflag:$0x3] =	stream.indirect.gather @!p0 [hbm4b:s7+s26], $0x10, s1, s26, $0xb8;
	[tilespmem:$0x19800] =	vst v63  }
0x69: {  	s1 =	simm.s32 @!p0 $0x880;
	s28 =	simm.s32 @!p0 $0x9400  }
0x6a: {  	[tilespmem:s28], [sflag:$0x3] =	stream.indirect.gather @!p0 [hbm4b:s7+s26], $0x10, s1, s26, $0xb8;
	[tilespmem:$0x19800] =	vst v63  }
0x6b: {  	s1 =	simm.s32 @!p0 $0x900;
	s28 =	simm.s32 @!p0 $0x9C00  }
0x6c: {  	[tilespmem:s28], [sflag:$0x3] =	stream.indirect.gather @!p0 [hbm4b:s7+s26], $0x10, s1, s26, $0xb8;
	[tilespmem:$0x19800] =	vst v63  }
0x6d: {  	s1 =	simm.s32 @!p0 $0x980;
	s28 =	simm.s32 @!p0 $0xA400  }
0x6e: {  	[tilespmem:s28], [sflag:$0x3] =	stream.indirect.gather @!p0 [hbm4b:s7+s26], $0x10, s1, s26, $0xb8;
	[tilespmem:$0x19800] =	vst v63  }
0x6f: {  	s1 =	simm.s32 @!p0 $0xA00;
	s28 =	simm.s32 @!p0 $0xAC00  }
0x70: {  	[tilespmem:s28], [sflag:$0x3] =	stream.indirect.gather @!p0 [hbm4b:s7+s26], $0x10, s1, s26, $0xb8;
	[tilespmem:$0x19800] =	vst v63  }
0x71: {  	s1 =	simm.s32 @!p0 $0xA80;
	s28 =	simm.s32 @!p0 $0xB400  }
0x72: {  	[tilespmem:s28], [sflag:$0x3] =	stream.indirect.gather @!p0 [hbm4b:s7+s26], $0x10, s1, s26, $0xb8;
	[tilespmem:$0x19800] =	vst v63  }
0x73: {  	p1 =	seq.s32 @!p0 s24, $0x0;
	s1 =	simm.s32 @!p0 $0xB00;
	s28 =	simm.s32 @!p0 $0xBC00  }
0x74: {  	[tilespmem:s28], [sflag:$0x3] =	stream.indirect.gather @!p0 [hbm4b:s7+s26], $0x10, s1, s26, $0xb8;
	[tilespmem:$0x19800] =	vst v63  }
0x75: {  	p1 =	por p0, !p1;
	s1 =	simm.s32 @!p0 $0xB80;
	s28 =	simm.s32 @!p0 $0xC400  }
0x76: {  	[tilespmem:s28], [sflag:$0x3] =	stream.indirect.gather @!p0 [hbm4b:s7+s26], $0x10, s1, s26, $0xb8;
	[tilespmem:$0x19800] =	vst v63  }
0x77: {  	_ =	swait.ge @p1 [sflag:s9], $0x2000  }
0x78: {  	[sflag:s9] =	ssyncset.done @p1 $0x0  }
0x79: {  	[sflag:s9] =	ssyncadd.s32 @p1 $0xFFFFE000  }
0x7a: {  	_ =	swait.ge @p1 [sflag:s9], $0x2000  }
0x7b: {  	[sflag:s9] =	ssyncset.done @p1 $0x0  }
0x7c: {  	s30 =	simm.s32 $0xC40;
	s26 =	simm.s32 $0x0;
	[sflag:s9] =	ssyncadd.s32 @p1 $0xFFFFE000  }
.LBB2_3:
0x7d: {  	s1 =	simm.s32 $0x0  }
0x7e: {  	v9 =	vmov s26;
	v10 =	vmov s1  }
0x7f: {  	v9 =	vmul.u32 $0x880, v9;
	v10 =	vshrl.u32 v10, $0x3  }
0x80: {  	v10 =	vshll.u32 v10, v1  }
0x81: {  	v10 =	vadd.s32 v9, v10  }
0x82: {  	v10 =	vbroadcast v10, $0x0  }
0x83: {  	s19 =	simm.s32 $0x1  }
0x84: {  	v11 =	vld [tilespmem:s30+$0xFFFFFFC0];
	v12 =	vmov s19;
	v10 =	vadd.s32 v0, v10  }
0x85: {  	v12 =	vshrl.u32 v12, $0x3  }
0x86: {  	v12 =	vshll.u32 v12, v1  }
0x87: {  	v12 =	vadd.s32 v9, v12  }
0x88: {  	v12 =	vbroadcast v12, $0x0  }
0x89: {  	s0 =	simm.s32 $0x2;
	[tilespmem:v10+s11+$0x0] =	vst.idx.msk $0xffff, v11  }
0x8a: {  	v59 =	vmov s0;
	v11 =	vadd.s32 v2, v12;
	v10 =	vld [tilespmem:s30+$0xFFFFFFD0]  }
0x8b: {  	v12 =	vshrl.u32 v59, $0x3  }
0x8c: {  	v12 =	vshll.u32 v12, v1  }
0x8d: {  	v12 =	vadd.s32 v9, v12  }
0x8e: {  	v12 =	vbroadcast v12, $0x0  }
0x8f: {  	s19 =	simm.s32 $0x3;
	[tilespmem:v11+s11+$0x0] =	vst.idx.msk $0xffff, v10  }
0x90: {  	v60 =	vmov s19;
	v11 =	vadd.s32 v3, v12;
	v10 =	vld [tilespmem:s30+$0xFFFFFFE0]  }
0x91: {  	v12 =	vshrl.u32 v60, $0x3  }
0x92: {  	v12 =	vshll.u32 v12, v1  }
0x93: {  	v12 =	vadd.s32 v9, v12  }
0x94: {  	v12 =	vbroadcast v12, $0x0  }
0x95: {  	s0 =	simm.s32 $0x4;
	[tilespmem:v11+s11+$0x0] =	vst.idx.msk $0xffff, v10  }
0x96: {  	v61 =	vmov s0;
	v11 =	vadd.s32 v4, v12;
	v10 =	vld [tilespmem:s30+$0xFFFFFFF0]  }
0x97: {  	v12 =	vshrl.u32 v61, $0x3  }
0x98: {  	v12 =	vshll.u32 v12, v1  }
0x99: {  	v12 =	vadd.s32 v9, v12  }
0x9a: {  	v12 =	vbroadcast v12, $0x0  }
0x9b: {  	s19 =	simm.s32 $0x5;
	[tilespmem:v11+s11+$0x0] =	vst.idx.msk $0xffff, v10  }
0x9c: {  	v62 =	vmov s19;
	v11 =	vadd.s32 v5, v12;
	v10 =	vld [tilespmem:s30+$0x0]  }
0x9d: {  	v12 =	vshrl.u32 v62, $0x3  }
0x9e: {  	v12 =	vshll.u32 v12, v1  }
0x9f: {  	v12 =	vadd.s32 v9, v12  }
0xa0: {  	v12 =	vbroadcast v12, $0x0  }
0xa1: {  	s0 =	simm.s32 $0x6;
	[tilespmem:v11+s11+$0x0] =	vst.idx.msk $0xffff, v10  }
0xa2: {  	v63 =	vmov s0;
	v11 =	vadd.s32 v6, v12;
	v10 =	vld [tilespmem:s30+$0x10]  }
0xa3: {  	v12 =	vshrl.u32 v63, $0x3  }
0xa4: {  	v12 =	vshll.u32 v12, v1  }
0xa5: {  	v12 =	vadd.s32 v9, v12  }
0xa6: {  	v12 =	vbroadcast v12, $0x0  }
0xa7: {  	s19 =	simm.s32 $0x7;
	[tilespmem:v11+s11+$0x0] =	vst.idx.msk $0xffff, v10  }
0xa8: {  	v12 =	vadd.s32 v7, v12;
	v10 =	vmov s19;
	v11 =	vld [tilespmem:s30+$0x20]  }
0xa9: {  	v10 =	vshrl.u32 v10, $0x3  }
0xaa: {  	v10 =	vshll.u32 v10, v1  }
0xab: {  	v10 =	vadd.s32 v9, v10  }
0xac: {  	s29 =	simm.s32 $0xF;
	v10 =	vbroadcast v10, $0x0  }
0xad: {  	s31 =	simm.s32 $0x17;
	s28 =	smov.u32 s30;
	s1 =	simm.s32 $0x8;
	[tilespmem:v12+s11+$0x0] =	vst.idx.msk $0xffff, v11  }
.LBB2_4:
0xae: {  	p1 =	sne.s32 s31, $0x7F;
	v11 =	vmov s1;
	v12 =	vld [tilespmem:s28+$0x30];
	v10 =	vadd.s32 v8, v10  }
0xaf: {  	v11 =	vshrl.u32 v11, $0x3  }
0xb0: {  	v11 =	vshll.u32 v11, v1  }
0xb1: {  	v11 =	vadd.s32 v9, v11  }
0xb2: {  	v11 =	vbroadcast v11, $0x0  }
0xb3: {  	s1 =	sadd.s32 $0xFFFFFFFA, s29;
	s28 =	sadd.s32 $0x80, s28;
	[tilespmem:v10+s11+$0x0] =	vst.idx.msk $0xffff, v12  }
0xb4: {  	v12 =	vmov s1;
	v10 =	vld [tilespmem:s28+$0xFFFFFFC0];
	v11 =	vadd.s32 v0, v11  }
0xb5: {  	v12 =	vshrl.u32 v12, $0x3  }
0xb6: {  	v12 =	vshll.u32 v12, v1  }
0xb7: {  	v12 =	vadd.s32 v9, v12  }
0xb8: {  	v12 =	vbroadcast v12, $0x0  }
0xb9: {  	s1 =	sadd.s32 $0xFFFFFFFB, s29;
	[tilespmem:v11+s11+$0x0] =	vst.idx.msk $0xffff, v10  }
0xba: {  	v11 =	vadd.s32 v2, v12;
	v12 =	vmov s1;
	v10 =	vld [tilespmem:s28+$0xFFFFFFD0]  }
0xbb: {  	v12 =	vshrl.u32 v12, $0x3  }
0xbc: {  	v12 =	vshll.u32 v12, v1  }
0xbd: {  	v12 =	vadd.s32 v9, v12  }
0xbe: {  	v12 =	vbroadcast v12, $0x0  }
0xbf: {  	s1 =	sadd.s32 $0xFFFFFFFC, s29;
	[tilespmem:v11+s11+$0x0] =	vst.idx.msk $0xffff, v10  }
0xc0: {  	v11 =	vadd.s32 v3, v12;
	v12 =	vmov s1;
	v10 =	vld [tilespmem:s28+$0xFFFFFFE0]  }
0xc1: {  	v12 =	vshrl.u32 v12, $0x3  }
0xc2: {  	v12 =	vshll.u32 v12, v1  }
0xc3: {  	v12 =	vadd.s32 v9, v12  }
0xc4: {  	v12 =	vbroadcast v12, $0x0  }
0xc5: {  	s1 =	sadd.s32 $0xFFFFFFFD, s29;
	[tilespmem:v11+s11+$0x0] =	vst.idx.msk $0xffff, v10  }
0xc6: {  	v11 =	vadd.s32 v4, v12;
	v12 =	vmov s1;
	v10 =	vld [tilespmem:s28+$0xFFFFFFF0]  }
0xc7: {  	v12 =	vshrl.u32 v12, $0x3  }
0xc8: {  	v12 =	vshll.u32 v12, v1  }
0xc9: {  	v12 =	vadd.s32 v9, v12  }
0xca: {  	v12 =	vbroadcast v12, $0x0  }
0xcb: {  	s1 =	sadd.s32 $0xFFFFFFFE, s29;
	[tilespmem:v11+s11+$0x0] =	vst.idx.msk $0xffff, v10  }
0xcc: {  	v11 =	vadd.s32 v5, v12;
	v12 =	vmov s1;
	v10 =	vld [tilespmem:s28+$0x0]  }
0xcd: {  	v12 =	vshrl.u32 v12, $0x3  }
0xce: {  	v12 =	vshll.u32 v12, v1  }
0xcf: {  	v12 =	vadd.s32 v9, v12  }
0xd0: {  	v12 =	vbroadcast v12, $0x0  }
0xd1: {  	s1 =	sadd.s32 $0xFFFFFFFF, s29;
	[tilespmem:v11+s11+$0x0] =	vst.idx.msk $0xffff, v10  }
0xd2: {  	v11 =	vadd.s32 v6, v12;
	v12 =	vmov s1;
	v10 =	vld [tilespmem:s28+$0x10]  }
0xd3: {  	v12 =	vshrl.u32 v12, $0x3  }
0xd4: {  	v12 =	vshll.u32 v12, v1  }
0xd5: {  	v12 =	vadd.s32 v9, v12  }
0xd6: {  	v12 =	vbroadcast v12, $0x0  }
0xd7: {  	[tilespmem:v11+s11+$0x0] =	vst.idx.msk $0xffff, v10  }
0xd8: {  	v12 =	vadd.s32 v7, v12;
	v10 =	vmov s29;
	s29 =	smov.u32 s31;
	v11 =	vld [tilespmem:s28+$0x20]  }
.Ltmp2:
0xd9: {  	v10 =	vshrl.u32 v10, $0x3;
	(pc) =	sbr.rel @p1 .LBB2_4-.Ltmp2, $4  }
0xda: {  	v10 =	vshll.u32 v10, v1  }
0xdb: {  	v10 =	vadd.s32 v9, v10  }
0xdc: {  	v10 =	vbroadcast v10, $0x0  }
0xdd: {  	s31 =	sadd.s32 $0x8, s31;
	s1 =	sadd.s32 $0xFFFFFFF9, s29;
	[tilespmem:v12+s11+$0x0] =	vst.idx.msk $0xffff, v11  }
0xde: {  	v11 =	vmov s1;
	v12 =	vld [tilespmem:s28+$0x30];
	v10 =	vadd.s32 v8, v10  }
0xdf: {  	v11 =	vshrl.u32 v11, $0x3  }
0xe0: {  	v11 =	vshll.u32 v11, v1  }
0xe1: {  	v11 =	vadd.s32 v9, v11  }
0xe2: {  	v11 =	vbroadcast v11, $0x0  }
0xe3: {  	s0 =	sadd.s32 $0xFFFFFFFA, s29;
	s28 =	sadd.s32 $0x80, s28;
	[tilespmem:v10+s11+$0x0] =	vst.idx.msk $0xffff, v12  }
0xe4: {  	v57 =	vmov s0;
	v10 =	vld [tilespmem:s28+$0xFFFFFFC0];
	v11 =	vadd.s32 v0, v11  }
0xe5: {  	v12 =	vshrl.u32 v57, $0x3  }
0xe6: {  	v12 =	vshll.u32 v12, v1  }
0xe7: {  	v12 =	vadd.s32 v9, v12  }
0xe8: {  	v12 =	vbroadcast v12, $0x0  }
0xe9: {  	s19 =	sadd.s32 $0xFFFFFFFB, s29;
	[tilespmem:v11+s11+$0x0] =	vst.idx.msk $0xffff, v10  }
0xea: {  	v58 =	vmov s19;
	v11 =	vadd.s32 v2, v12;
	v10 =	vld [tilespmem:s28+$0xFFFFFFD0]  }
0xeb: {  	v12 =	vshrl.u32 v58, $0x3  }
0xec: {  	v12 =	vshll.u32 v12, v1  }
0xed: {  	v12 =	vadd.s32 v9, v12  }
0xee: {  	v12 =	vbroadcast v12, $0x0  }
0xef: {  	s31 =	sadd.s32 $0xFFFFFFFC, s29;
	[tilespmem:v11+s11+$0x0] =	vst.idx.msk $0xffff, v10  }
0xf0: {  	v59 =	vmov s31;
	v11 =	vadd.s32 v3, v12;
	v10 =	vld [tilespmem:s28+$0xFFFFFFE0]  }
0xf1: {  	v12 =	vshrl.u32 v59, $0x3  }
0xf2: {  	v12 =	vshll.u32 v12, v1  }
0xf3: {  	v12 =	vadd.s32 v9, v12  }
0xf4: {  	v12 =	vbroadcast v12, $0x0  }
0xf5: {  	s0 =	sadd.s32 $0xFFFFFFFD, s29;
	[tilespmem:v11+s11+$0x0] =	vst.idx.msk $0xffff, v10  }
0xf6: {  	v60 =	vmov s0;
	v11 =	vadd.s32 v4, v12;
	v10 =	vld [tilespmem:s28+$0xFFFFFFF0]  }
0xf7: {  	v12 =	vshrl.u32 v60, $0x3  }
0xf8: {  	v12 =	vshll.u32 v12, v1  }
0xf9: {  	v12 =	vadd.s32 v9, v12  }
0xfa: {  	v12 =	vbroadcast v12, $0x0  }
0xfb: {  	s19 =	sadd.s32 $0xFFFFFFFE, s29;
	[tilespmem:v11+s11+$0x0] =	vst.idx.msk $0xffff, v10  }
0xfc: {  	v61 =	vmov s19;
	v11 =	vadd.s32 v5, v12;
	v10 =	vld [tilespmem:s28+$0x0]  }
0xfd: {  	v12 =	vshrl.u32 v61, $0x3  }
0xfe: {  	v12 =	vshll.u32 v12, v1  }
0xff: {  	v12 =	vadd.s32 v9, v12  }
0x100: {  	v12 =	vbroadcast v12, $0x0  }
0x101: {  	s31 =	sadd.s32 $0xFFFFFFFF, s29;
	[tilespmem:v11+s11+$0x0] =	vst.idx.msk $0xffff, v10  }
0x102: {  	v62 =	vmov s31;
	v11 =	vadd.s32 v6, v12;
	v10 =	vld [tilespmem:s28+$0x10]  }
0x103: {  	v12 =	vshrl.u32 v62, $0x3  }
0x104: {  	v12 =	vshll.u32 v12, v1  }
0x105: {  	v12 =	vadd.s32 v9, v12  }
0x106: {  	v12 =	vbroadcast v12, $0x0  }
0x107: {  	[tilespmem:v11+s11+$0x0] =	vst.idx.msk $0xffff, v10  }
0x108: {  	v63 =	vmov s29;
	v11 =	vadd.s32 v7, v12;
	v10 =	vld [tilespmem:s28+$0x20]  }
0x109: {  	v12 =	vshrl.u32 v63, $0x3  }
0x10a: {  	v12 =	vshll.u32 v12, v1  }
0x10b: {  	v9 =	vadd.s32 v9, v12  }
0x10c: {  	v9 =	vbroadcast v9, $0x0  }
0x10d: {  	s26 =	sadd.s32 $0x1, s26;
	[tilespmem:v11+s11+$0x0] =	vst.idx.msk $0xffff, v10  }
0x10e: {  	p1 =	sne.s32 s26, $0x8;
	v9 =	vadd.s32 v8, v9;
	v10 =	vld [tilespmem:s28+$0x30]  }
.Ltmp3:
0x10f: {  	_ = 	snop;
	(pc) =	sbr.rel @p1 .LBB2_3-.Ltmp3, $2  }
0x110: {  	_ =	sdelay $0x2  }
0x111: {  	s30 =	sadd.s32 $0x800, s30;
	[tilespmem:v9+s11+$0x0] =	vst.idx.msk $0xffff, v10  }
0x112: {  	s1 =	sadd.s32 s2, s25  }
0x113: {  	s26 =	smulhi.u32 $0x51EB851F, s1;
	_ =	sdelay $0x1  }
0x114: {  	s26 =	sshrl.u32 s26, $0x3  }
0x115: {  	s28 =	smul.u32 $0x19, s26;
	_ =	sdelay $0x1  }
0x116: {  	s1 =	ssub.s32 s1, s28  }
0x117: {  	s26 =	sshll.u32 s26, $0xA;
	s1 =	sshll.u32 s1, $0x15  }
0x118: {  	s1 =	sadd.s32 s26, s1  }
0x119: {  	s1 =	sshrl.u32 s1, $0x3  }
0x11a: {  	s19 =	simm.s32 $0xCC00;
	s26 =	sadd.s32 s4, s1  }
0x11b: {  	[hbm4b:s26+s5] =	stream.linear.scatter [tilespmem:s19], [sflag:$0x4], $0x80, $0x38;
	[tilespmem:$0x19800] =	vst v63  }
0x11c: {  	s0 =	simm.s32 $0xCC88;
	s28 =	sadd.s32 $0x10, s26  }
0x11d: {  	[hbm4b:s28+s5] =	stream.linear.scatter [tilespmem:s0], [sflag:$0x4], $0x80, $0x38;
	[tilespmem:$0x19800] =	vst v63  }
0x11e: {  	s19 =	simm.s32 $0xCD10;
	s28 =	sadd.s32 $0x20, s26  }
0x11f: {  	[hbm4b:s28+s5] =	stream.linear.scatter [tilespmem:s19], [sflag:$0x4], $0x80, $0x38;
	[tilespmem:$0x19800] =	vst v63  }
0x120: {  	s0 =	simm.s32 $0xCD98;
	s28 =	sadd.s32 $0x30, s26  }
0x121: {  	[hbm4b:s28+s5] =	stream.linear.scatter [tilespmem:s0], [sflag:$0x4], $0x80, $0x38;
	[tilespmem:$0x19800] =	vst v63  }
0x122: {  	s19 =	simm.s32 $0xCE20;
	s28 =	sadd.s32 $0x40, s26  }
0x123: {  	[hbm4b:s28+s5] =	stream.linear.scatter [tilespmem:s19], [sflag:$0x4], $0x80, $0x38;
	[tilespmem:$0x19800] =	vst v63  }
0x124: {  	s30 =	simm.s32 $0x4400;
	s0 =	simm.s32 $0xCEA8;
	s28 =	sadd.s32 $0x50, s26  }
0x125: {  	[hbm4b:s28+s5] =	stream.linear.scatter [tilespmem:s0], [sflag:$0x4], $0x80, $0x38;
	[tilespmem:$0x19800] =	vst v63  }
0x126: {  	s1 =	simm.s32 $0xCFB8;
	s19 =	simm.s32 $0xCF30;
	s28 =	sadd.s32 $0x60, s26  }
0x127: {  	[hbm4b:s28+s5] =	stream.linear.scatter [tilespmem:s19], [sflag:$0x4], $0x80, $0x38;
	[tilespmem:$0x19800] =	vst v63  }
0x128: {  	s31 =	sadd.s32 $0x70, s26;
	s29 =	sadd.s32 $0x8000, s26;
	s28 =	simm.s32 $0x880  }
.LBB2_7:
0x129: {  	[hbm4b:s31+s5] =	stream.linear.scatter [tilespmem:s1], [sflag:$0x4], $0x80, $0x38;
	[tilespmem:$0x19800] =	vst v63  }
0x12a: {  	s1 =	smov.u32 s28;
	s28 =	smov.u32 s30  }
0x12b: {  	s0 =	sadd.s32 $0x2200, s30;
	s28 =	sshra.s32 s28, $0x2;
	s31 =	sadd.s32 $0xCC00, s1  }
0x12c: {  	[hbm4b:s29+s5] =	stream.linear.scatter [tilespmem:s31], [sflag:$0x4], $0x80, $0x38;
	[tilespmem:$0x19800] =	vst v63  }
0x12d: {  	p1 =	sne.s32 s30, $0xEE00;
	s30 =	sadd.s32 $0xCC88, s1;
	s31 =	sadd.s32 $0x10, s29  }
0x12e: {  	[hbm4b:s31+s5] =	stream.linear.scatter [tilespmem:s30], [sflag:$0x4], $0x80, $0x38;
	[tilespmem:$0x19800] =	vst v63  }
0x12f: {  	s30 =	sadd.s32 $0xCD10, s1;
	s31 =	sadd.s32 $0x20, s29  }
0x130: {  	[hbm4b:s31+s5] =	stream.linear.scatter [tilespmem:s30], [sflag:$0x4], $0x80, $0x38;
	[tilespmem:$0x19800] =	vst v63  }
0x131: {  	s30 =	sadd.s32 $0xCD98, s1;
	s31 =	sadd.s32 $0x30, s29  }
0x132: {  	[hbm4b:s31+s5] =	stream.linear.scatter [tilespmem:s30], [sflag:$0x4], $0x80, $0x38;
	[tilespmem:$0x19800] =	vst v63  }
0x133: {  	s30 =	sadd.s32 $0xCE20, s1;
	s31 =	sadd.s32 $0x40, s29  }
0x134: {  	[hbm4b:s31+s5] =	stream.linear.scatter [tilespmem:s30], [sflag:$0x4], $0x80, $0x38;
	[tilespmem:$0x19800] =	vst v63  }
.Ltmp4:
0x135: {  	s30 =	sadd.s32 $0xCEA8, s1;
	s31 =	sadd.s32 $0x50, s29;
	(pc) =	sbr.rel @p1 .LBB2_7-.Ltmp4, $4  }
0x136: {  	[hbm4b:s31+s5] =	stream.linear.scatter [tilespmem:s30], [sflag:$0x4], $0x80, $0x38;
	[tilespmem:$0x19800] =	vst v63  }
0x137: {  	s30 =	sadd.s32 $0xCF30, s1;
	s31 =	sadd.s32 $0x60, s29;
	s1 =	sadd.s32 $0xCFB8, s1  }
0x138: {  	[hbm4b:s31+s5] =	stream.linear.scatter [tilespmem:s30], [sflag:$0x4], $0x80, $0x38;
	[tilespmem:$0x19800] =	vst v63  }
0x139: {  	s31 =	sadd.s32 $0x70, s29;
	s29 =	sadd.s32 $0x8000, s29;
	s30 =	smov.u32 s0  }
0x13a: {  	[hbm4b:s31+s5] =	stream.linear.scatter [tilespmem:s1], [sflag:$0x4], $0x80, $0x38;
	[tilespmem:$0x19800] =	vst v63  }
0x13b: {  	s0 =	sadd.s32 $0xCC00, s28  }
0x13c: {  	[hbm4b:s29+s5] =	stream.linear.scatter [tilespmem:s0], [sflag:$0x4], $0x80, $0x38;
	[tilespmem:$0x19800] =	vst v63  }
0x13d: {  	s19 =	sadd.s32 $0xCC88, s28;
	s31 =	sadd.s32 $0x10, s29  }
0x13e: {  	[hbm4b:s31+s5] =	stream.linear.scatter [tilespmem:s19], [sflag:$0x4], $0x80, $0x38;
	[tilespmem:$0x19800] =	vst v63  }
0x13f: {  	s19 =	sadd.s32 $0xCD10, s28;
	s31 =	sadd.s32 $0x20, s29  }
0x140: {  	[hbm4b:s31+s5] =	stream.linear.scatter [tilespmem:s19], [sflag:$0x4], $0x80, $0x38;
	[tilespmem:$0x19800] =	vst v63  }
0x141: {  	s19 =	sadd.s32 $0xCD98, s28;
	s31 =	sadd.s32 $0x30, s29  }
0x142: {  	[hbm4b:s31+s5] =	stream.linear.scatter [tilespmem:s19], [sflag:$0x4], $0x80, $0x38;
	[tilespmem:$0x19800] =	vst v63  }
0x143: {  	s19 =	sadd.s32 $0xCE20, s28;
	s31 =	sadd.s32 $0x40, s29  }
0x144: {  	[hbm4b:s31+s5] =	stream.linear.scatter [tilespmem:s19], [sflag:$0x4], $0x80, $0x38;
	[tilespmem:$0x19800] =	vst v63  }
0x145: {  	s19 =	sadd.s32 $0xCEA8, s28;
	s31 =	sadd.s32 $0x50, s29  }
0x146: {  	[hbm4b:s31+s5] =	stream.linear.scatter [tilespmem:s19], [sflag:$0x4], $0x80, $0x38;
	[tilespmem:$0x19800] =	vst v63  }
0x147: {  	s19 =	sadd.s32 $0xCF30, s28;
	s31 =	sadd.s32 $0x60, s29  }
0x148: {  	[hbm4b:s31+s5] =	stream.linear.scatter [tilespmem:s19], [sflag:$0x4], $0x80, $0x38;
	[tilespmem:$0x19800] =	vst v63  }
0x149: {  	s1 =	sadd.s32 $0xCFB8, s28;
	s19 =	sadd.s32 $0x70, s29  }
0x14a: {  	[hbm4b:s19+s5] =	stream.linear.scatter [tilespmem:s1], [sflag:$0x4], $0x80, $0x38;
	[tilespmem:$0x19800] =	vst v63  }
0x14b: {  	s0 =	sadd.s32 $0x4000, s26;
	s31 =	simm.s32 $0xD040  }
0x14c: {  	[hbm4b:s0+s5] =	stream.linear.scatter [tilespmem:s31], [sflag:$0x4], $0x80, $0x38;
	[tilespmem:$0x19800] =	vst v63  }
0x14d: {  	s26 =	sadd.s32 $0x10, s0;
	s19 =	simm.s32 $0xD0C8  }
0x14e: {  	[hbm4b:s26+s5] =	stream.linear.scatter [tilespmem:s19], [sflag:$0x4], $0x80, $0x38;
	[tilespmem:$0x19800] =	vst v63  }
0x14f: {  	s31 =	simm.s32 $0xD150;
	s19 =	sadd.s32 $0x20, s0  }
0x150: {  	[hbm4b:s19+s5] =	stream.linear.scatter [tilespmem:s31], [sflag:$0x4], $0x80, $0x38;
	[tilespmem:$0x19800] =	vst v63  }
0x151: {  	s31 =	simm.s32 $0xD1D8;
	s19 =	sadd.s32 $0x30, s0  }
0x152: {  	[hbm4b:s19+s5] =	stream.linear.scatter [tilespmem:s31], [sflag:$0x4], $0x80, $0x38;
	[tilespmem:$0x19800] =	vst v63  }
0x153: {  	s31 =	simm.s32 $0xD260;
	s19 =	sadd.s32 $0x40, s0  }
0x154: {  	[hbm4b:s19+s5] =	stream.linear.scatter [tilespmem:s31], [sflag:$0x4], $0x80, $0x38;
	[tilespmem:$0x19800] =	vst v63  }
0x155: {  	s30 =	sadd.s32 $0x70, s0;
	s31 =	simm.s32 $0xD2E8;
	s19 =	sadd.s32 $0x50, s0  }
0x156: {  	[hbm4b:s19+s5] =	stream.linear.scatter [tilespmem:s31], [sflag:$0x4], $0x80, $0x38;
	[tilespmem:$0x19800] =	vst v63  }
0x157: {  	s28 =	sadd.s32 $0x8000, s0;
	s26 =	simm.s32 $0xD370;
	s31 =	sadd.s32 $0x60, s0  }
0x158: {  	[hbm4b:s31+s5] =	stream.linear.scatter [tilespmem:s26], [sflag:$0x4], $0x80, $0x38;
	[tilespmem:$0x19800] =	vst v63  }
0x159: {  	s29 =	simm.s32 $0x4400;
	s1 =	simm.s32 $0xD3F8;
	s26 =	simm.s32 $0x880  }
.LBB2_9:
0x15a: {  	[hbm4b:s30+s5] =	stream.linear.scatter [tilespmem:s1], [sflag:$0x4], $0x80, $0x38;
	[tilespmem:$0x19800] =	vst v63  }
0x15b: {  	s0 =	smov.u32 s26;
	s1 =	smov.u32 s29  }
0x15c: {  	s31 =	sadd.s32 $0x2200, s29;
	s26 =	sshra.s32 s1, $0x2;
	s1 =	sadd.s32 $0xD040, s0  }
0x15d: {  	[hbm4b:s28+s5] =	stream.linear.scatter [tilespmem:s1], [sflag:$0x4], $0x80, $0x38;
	[tilespmem:$0x19800] =	vst v63  }
0x15e: {  	p1 =	sne.s32 s29, $0xEE00;
	s29 =	sadd.s32 $0x10, s28;
	s1 =	sadd.s32 $0xD0C8, s0  }
0x15f: {  	[hbm4b:s29+s5] =	stream.linear.scatter [tilespmem:s1], [sflag:$0x4], $0x80, $0x38;
	[tilespmem:$0x19800] =	vst v63  }
0x160: {  	s1 =	sadd.s32 $0xD150, s0;
	s29 =	sadd.s32 $0x20, s28  }
0x161: {  	[hbm4b:s29+s5] =	stream.linear.scatter [tilespmem:s1], [sflag:$0x4], $0x80, $0x38;
	[tilespmem:$0x19800] =	vst v63  }
0x162: {  	s1 =	sadd.s32 $0xD1D8, s0;
	s29 =	sadd.s32 $0x30, s28  }
0x163: {  	[hbm4b:s29+s5] =	stream.linear.scatter [tilespmem:s1], [sflag:$0x4], $0x80, $0x38;
	[tilespmem:$0x19800] =	vst v63  }
0x164: {  	s1 =	sadd.s32 $0xD260, s0;
	s29 =	sadd.s32 $0x40, s28  }
0x165: {  	[hbm4b:s29+s5] =	stream.linear.scatter [tilespmem:s1], [sflag:$0x4], $0x80, $0x38;
	[tilespmem:$0x19800] =	vst v63  }
.Ltmp5:
0x166: {  	s1 =	sadd.s32 $0xD2E8, s0;
	s29 =	sadd.s32 $0x50, s28;
	(pc) =	sbr.rel @p1 .LBB2_9-.Ltmp5, $4  }
0x167: {  	[hbm4b:s29+s5] =	stream.linear.scatter [tilespmem:s1], [sflag:$0x4], $0x80, $0x38;
	[tilespmem:$0x19800] =	vst v63  }
0x168: {  	s30 =	sadd.s32 $0x70, s28;
	s1 =	sadd.s32 $0xD370, s0;
	s29 =	sadd.s32 $0x60, s28  }
0x169: {  	[hbm4b:s29+s5] =	stream.linear.scatter [tilespmem:s1], [sflag:$0x4], $0x80, $0x38;
	[tilespmem:$0x19800] =	vst v63  }
0x16a: {  	s28 =	sadd.s32 $0x8000, s28;
	s1 =	sadd.s32 $0xD3F8, s0;
	s29 =	smov.u32 s31  }
0x16b: {  	[hbm4b:s30+s5] =	stream.linear.scatter [tilespmem:s1], [sflag:$0x4], $0x80, $0x38;
	[tilespmem:$0x19800] =	vst v63  }
0x16c: {  	s0 =	sadd.s32 $0xD040, s26  }
0x16d: {  	[hbm4b:s28+s5] =	stream.linear.scatter [tilespmem:s0], [sflag:$0x4], $0x80, $0x38;
	[tilespmem:$0x19800] =	vst v63  }
0x16e: {  	s30 =	sadd.s32 $0xD0C8, s26;
	s31 =	sadd.s32 $0x10, s28  }
0x16f: {  	[hbm4b:s31+s5] =	stream.linear.scatter [tilespmem:s30], [sflag:$0x4], $0x80, $0x38;
	[tilespmem:$0x19800] =	vst v63  }
0x170: {  	s19 =	sadd.s32 $0xD150, s26;
	s29 =	sadd.s32 $0x20, s28  }
0x171: {  	[hbm4b:s29+s5] =	stream.linear.scatter [tilespmem:s19], [sflag:$0x4], $0x80, $0x38;
	[tilespmem:$0x19800] =	vst v63  }
0x172: {  	s30 =	sadd.s32 $0xD1D8, s26;
	s31 =	sadd.s32 $0x30, s28  }
0x173: {  	[hbm4b:s31+s5] =	stream.linear.scatter [tilespmem:s30], [sflag:$0x4], $0x80, $0x38;
	[tilespmem:$0x19800] =	vst v63  }
0x174: {  	s19 =	sadd.s32 $0xD260, s26;
	s29 =	sadd.s32 $0x40, s28  }
0x175: {  	[hbm4b:s29+s5] =	stream.linear.scatter [tilespmem:s19], [sflag:$0x4], $0x80, $0x38;
	[tilespmem:$0x19800] =	vst v63  }
0x176: {  	s30 =	sadd.s32 $0xD2E8, s26;
	s31 =	sadd.s32 $0x50, s28  }
0x177: {  	[hbm4b:s31+s5] =	stream.linear.scatter [tilespmem:s30], [sflag:$0x4], $0x80, $0x38;
	[tilespmem:$0x19800] =	vst v63  }
.Ltmp6:
0x178: {  	_ = 	snop;
	(pc) =	sbr.rel @p0 .LBB2_28-.Ltmp6, $4  }
0x179: {  	s19 =	sadd.s32 $0xD370, s26;
	s29 =	sadd.s32 $0x60, s28  }
0x17a: {  	[hbm4b:s29+s5] =	stream.linear.scatter [tilespmem:s19], [sflag:$0x4], $0x80, $0x38;
	[tilespmem:$0x19800] =	vst v63  }
0x17b: {  	s30 =	sadd.s32 $0xD3F8, s26;
	s31 =	sadd.s32 $0x70, s28  }
0x17c: {  	[hbm4b:s31+s5] =	stream.linear.scatter [tilespmem:s30], [sflag:$0x4], $0x80, $0x38;
	[tilespmem:$0x19800] =	vst v63  }
0x17d: {  	p0 =	sgt.u32 s24, $0x1F  }
0x17e: {  	s0 =	sadd.s32 @!p0 s25, s13  }
0x17f: {  	s1 =	smulhi.u32 @!p0 $0x51EB851F, s0;
	_ =	sdelay $0x1  }
0x180: {  	s1 =	sshrl.u32 @!p0 s1, $0x3  }
0x181: {  	_ =	swait.ge [sflag:s15], $0x4000;
	s26 =	smul.u32 @!p0 $0x19, s1  }
0x182: {  	[sflag:s15] =	ssyncset.done $0x0  }
0x183: {  	s28 =	simm.s32 @!p0 $0x400;
	s1 =	sshll.u32 @!p0 s1, $0x4;
	s0 =	ssub.s32 @!p0 s0, s26  }
0x184: {  	[sflag:s15] =	ssyncadd.s32 $0xFFFFC000;
	s1 =	sadd.s32 @!p0 s8, s1;
	s0 =	sshll.u32 @!p0 s0, $0xE  }
0x185: {  	s26 =	simm.s32 @!p0 $0x4000;
	s0 =	sadd.s32 @!p0 s0, s1;
	s1 =	simm.s32 @!p0 $0x80  }
0x186: {  	[tilespmem:s28], [sflag:$0x8] =	stream.strided.gather @!p0 [hbm4b:s0+s1], $0x400, s26, s1, $0x38;
	[tilespmem:$0x19800] =	vst v63  }
0x187: {  	_ =	swait.ge [sflag:s20], $0x400  }
0x188: {  	[sflag:s20] =	ssyncset.done $0x0  }
0x189: {  	s30 =	simm.s32 $0xC00;
	[sflag:s20] =	ssyncadd.s32 $0xFFFFFC00  }
0x18a: {  	[tilespmem:s30], [sflag:$0x1] =	stream.indirect.gather [hbm4b:s7+s16], $0x10, s5, s16, $0xb8;
	[tilespmem:$0x19800] =	vst v63  }
0x18b: {  	s31 =	simm.s32 $0x1400  }
0x18c: {  	[tilespmem:s31], [sflag:$0x1] =	stream.indirect.gather [hbm4b:s7+s16], $0x10, s16, s16, $0xb8;
	[tilespmem:$0x19800] =	vst v63  }
0x18d: {  	s19 =	simm.s32 $0x1C00;
	s1 =	simm.s32 $0x100  }
0x18e: {  	[tilespmem:s19], [sflag:$0x1] =	stream.indirect.gather [hbm4b:s7+s16], $0x10, s1, s16, $0xb8;
	[tilespmem:$0x19800] =	vst v63  }
0x18f: {  	s29 =	simm.s32 $0x2400;
	s26 =	simm.s32 $0x180  }
0x190: {  	[tilespmem:s29], [sflag:$0x1] =	stream.indirect.gather [hbm4b:s7+s16], $0x10, s26, s16, $0xb8;
	[tilespmem:$0x19800] =	vst v63  }
0x191: {  	s30 =	simm.s32 $0x200;
	s31 =	simm.s32 $0x2C00  }
0x192: {  	[tilespmem:s31], [sflag:$0x1] =	stream.indirect.gather [hbm4b:s7+s16], $0x10, s30, s16, $0xb8;
	[tilespmem:$0x19800] =	vst v63  }
0x193: {  	s19 =	simm.s32 $0x280;
	s26 =	simm.s32 $0x3400  }
0x194: {  	[tilespmem:s26], [sflag:$0x1] =	stream.indirect.gather [hbm4b:s7+s16], $0x10, s19, s16, $0xb8;
	[tilespmem:$0x19800] =	vst v63  }
0x195: {  	p1 =	seq.s32 s24, $0x0;
	s29 =	simm.s32 $0x300;
	s30 =	simm.s32 $0x3C00  }
0x196: {  	[tilespmem:s30], [sflag:$0x1] =	stream.indirect.gather [hbm4b:s7+s16], $0x10, s29, s16, $0xb8;
	[tilespmem:$0x19800] =	vst v63  }
0x197: {  	s0 =	simm.s32 @!p1 $0x5;
	s31 =	simm.s32 $0x380  }
0x198: {  	[tilespmem:s18], [sflag:$0x1] =	stream.indirect.gather [hbm4b:s7+s16], $0x10, s31, s16, $0xb8;
	[tilespmem:$0x19800] =	vst v63  }
0x199: {  	_ =	swait.ge @!p1 [sflag:s0], $0x2000  }
0x19a: {  	[sflag:s0] =	ssyncset.done @!p1 $0x0  }
0x19b: {  	[sflag:s0] =	ssyncadd.s32 @!p1 $0xFFFFE000  }
0x19c: {  	_ =	swait.ge @!p1 [sflag:s0], $0x2000  }
0x19d: {  	[sflag:s0] =	ssyncset.done @!p1 $0x0  }
0x19e: {  	s28 =	simm.s32 $0x4C40;
	s26 =	simm.s32 $0x0;
	[sflag:s0] =	ssyncadd.s32 @!p1 $0xFFFFE000  }
.LBB2_12:
0x19f: {  	s0 =	simm.s32 $0x0  }
0x1a0: {  	v9 =	vmov s26;
	v10 =	vmov s0  }
0x1a1: {  	v9 =	vmul.u32 $0x880, v9;
	v10 =	vshrl.u32 v10, $0x3  }
0x1a2: {  	v10 =	vshll.u32 v10, v1  }
0x1a3: {  	v10 =	vadd.s32 v9, v10  }
0x1a4: {  	v10 =	vbroadcast v10, $0x0  }
0x1a5: {  	s19 =	simm.s32 $0x1  }
0x1a6: {  	v11 =	vld [tilespmem:s28+$0xFFFFFFC0];
	v12 =	vmov s19;
	v10 =	vadd.s32 v0, v10  }
0x1a7: {  	v12 =	vshrl.u32 v12, $0x3  }
0x1a8: {  	v12 =	vshll.u32 v12, v1  }
0x1a9: {  	v12 =	vadd.s32 v9, v12  }
0x1aa: {  	v12 =	vbroadcast v12, $0x0  }
0x1ab: {  	s1 =	simm.s32 $0x2;
	[tilespmem:v10+s21+$0x0] =	vst.idx.msk $0xffff, v11  }
0x1ac: {  	v59 =	vmov s1;
	v11 =	vadd.s32 v2, v12;
	v10 =	vld [tilespmem:s28+$0xFFFFFFD0]  }
0x1ad: {  	v12 =	vshrl.u32 v59, $0x3  }
0x1ae: {  	v12 =	vshll.u32 v12, v1  }
0x1af: {  	v12 =	vadd.s32 v9, v12  }
0x1b0: {  	v12 =	vbroadcast v12, $0x0  }
0x1b1: {  	s19 =	simm.s32 $0x3;
	[tilespmem:v11+s21+$0x0] =	vst.idx.msk $0xffff, v10  }
0x1b2: {  	v60 =	vmov s19;
	v11 =	vadd.s32 v3, v12;
	v10 =	vld [tilespmem:s28+$0xFFFFFFE0]  }
0x1b3: {  	v12 =	vshrl.u32 v60, $0x3  }
0x1b4: {  	v12 =	vshll.u32 v12, v1  }
0x1b5: {  	v12 =	vadd.s32 v9, v12  }
0x1b6: {  	v12 =	vbroadcast v12, $0x0  }
0x1b7: {  	s1 =	simm.s32 $0x4;
	[tilespmem:v11+s21+$0x0] =	vst.idx.msk $0xffff, v10  }
0x1b8: {  	v61 =	vmov s1;
	v11 =	vadd.s32 v4, v12;
	v10 =	vld [tilespmem:s28+$0xFFFFFFF0]  }
0x1b9: {  	v12 =	vshrl.u32 v61, $0x3  }
0x1ba: {  	v12 =	vshll.u32 v12, v1  }
0x1bb: {  	v12 =	vadd.s32 v9, v12  }
0x1bc: {  	v12 =	vbroadcast v12, $0x0  }
0x1bd: {  	s19 =	simm.s32 $0x5;
	[tilespmem:v11+s21+$0x0] =	vst.idx.msk $0xffff, v10  }
0x1be: {  	v62 =	vmov s19;
	v11 =	vadd.s32 v5, v12;
	v10 =	vld [tilespmem:s28+$0x0]  }
0x1bf: {  	v12 =	vshrl.u32 v62, $0x3  }
0x1c0: {  	v12 =	vshll.u32 v12, v1  }
0x1c1: {  	v12 =	vadd.s32 v9, v12  }
0x1c2: {  	v12 =	vbroadcast v12, $0x0  }
0x1c3: {  	s1 =	simm.s32 $0x6;
	[tilespmem:v11+s21+$0x0] =	vst.idx.msk $0xffff, v10  }
0x1c4: {  	v63 =	vmov s1;
	v11 =	vadd.s32 v6, v12;
	v10 =	vld [tilespmem:s28+$0x10]  }
0x1c5: {  	v12 =	vshrl.u32 v63, $0x3  }
0x1c6: {  	v12 =	vshll.u32 v12, v1  }
0x1c7: {  	v12 =	vadd.s32 v9, v12  }
0x1c8: {  	v12 =	vbroadcast v12, $0x0  }
0x1c9: {  	s19 =	simm.s32 $0x7;
	[tilespmem:v11+s21+$0x0] =	vst.idx.msk $0xffff, v10  }
0x1ca: {  	v12 =	vadd.s32 v7, v12;
	v10 =	vmov s19;
	v11 =	vld [tilespmem:s28+$0x20]  }
0x1cb: {  	v10 =	vshrl.u32 v10, $0x3  }
0x1cc: {  	v10 =	vshll.u32 v10, v1  }
0x1cd: {  	v10 =	vadd.s32 v9, v10  }
0x1ce: {  	s29 =	simm.s32 $0xF;
	v10 =	vbroadcast v10, $0x0  }
0x1cf: {  	s31 =	simm.s32 $0x17;
	s30 =	smov.u32 s28;
	s1 =	simm.s32 $0x8;
	[tilespmem:v12+s21+$0x0] =	vst.idx.msk $0xffff, v11  }
.LBB2_13:
0x1d0: {  	p1 =	sne.s32 s31, $0x7F;
	v11 =	vmov s1;
	v12 =	vld [tilespmem:s30+$0x30];
	v10 =	vadd.s32 v8, v10  }
0x1d1: {  	v11 =	vshrl.u32 v11, $0x3  }
0x1d2: {  	v11 =	vshll.u32 v11, v1  }
0x1d3: {  	v11 =	vadd.s32 v9, v11  }
0x1d4: {  	v11 =	vbroadcast v11, $0x0  }
0x1d5: {  	s0 =	sadd.s32 $0xFFFFFFFA, s29;
	s30 =	sadd.s32 $0x80, s30;
	[tilespmem:v10+s21+$0x0] =	vst.idx.msk $0xffff, v12  }
0x1d6: {  	v12 =	vmov s0;
	v10 =	vld [tilespmem:s30+$0xFFFFFFC0];
	v11 =	vadd.s32 v0, v11  }
0x1d7: {  	v12 =	vshrl.u32 v12, $0x3  }
0x1d8: {  	v12 =	vshll.u32 v12, v1  }
0x1d9: {  	v12 =	vadd.s32 v9, v12  }
0x1da: {  	v12 =	vbroadcast v12, $0x0  }
0x1db: {  	s0 =	sadd.s32 $0xFFFFFFFB, s29;
	[tilespmem:v11+s21+$0x0] =	vst.idx.msk $0xffff, v10  }
0x1dc: {  	v11 =	vadd.s32 v2, v12;
	v12 =	vmov s0;
	v10 =	vld [tilespmem:s30+$0xFFFFFFD0]  }
0x1dd: {  	v12 =	vshrl.u32 v12, $0x3  }
0x1de: {  	v12 =	vshll.u32 v12, v1  }
0x1df: {  	v12 =	vadd.s32 v9, v12  }
0x1e0: {  	v12 =	vbroadcast v12, $0x0  }
0x1e1: {  	s0 =	sadd.s32 $0xFFFFFFFC, s29;
	[tilespmem:v11+s21+$0x0] =	vst.idx.msk $0xffff, v10  }
0x1e2: {  	v11 =	vadd.s32 v3, v12;
	v12 =	vmov s0;
	v10 =	vld [tilespmem:s30+$0xFFFFFFE0]  }
0x1e3: {  	v12 =	vshrl.u32 v12, $0x3  }
0x1e4: {  	v12 =	vshll.u32 v12, v1  }
0x1e5: {  	v12 =	vadd.s32 v9, v12  }
0x1e6: {  	v12 =	vbroadcast v12, $0x0  }
0x1e7: {  	s0 =	sadd.s32 $0xFFFFFFFD, s29;
	[tilespmem:v11+s21+$0x0] =	vst.idx.msk $0xffff, v10  }
0x1e8: {  	v11 =	vadd.s32 v4, v12;
	v12 =	vmov s0;
	v10 =	vld [tilespmem:s30+$0xFFFFFFF0]  }
0x1e9: {  	v12 =	vshrl.u32 v12, $0x3  }
0x1ea: {  	v12 =	vshll.u32 v12, v1  }
0x1eb: {  	v12 =	vadd.s32 v9, v12  }
0x1ec: {  	v12 =	vbroadcast v12, $0x0  }
0x1ed: {  	s0 =	sadd.s32 $0xFFFFFFFE, s29;
	[tilespmem:v11+s21+$0x0] =	vst.idx.msk $0xffff, v10  }
0x1ee: {  	v11 =	vadd.s32 v5, v12;
	v12 =	vmov s0;
	v10 =	vld [tilespmem:s30+$0x0]  }
0x1ef: {  	v12 =	vshrl.u32 v12, $0x3  }
0x1f0: {  	v12 =	vshll.u32 v12, v1  }
0x1f1: {  	v12 =	vadd.s32 v9, v12  }
0x1f2: {  	v12 =	vbroadcast v12, $0x0  }
0x1f3: {  	s0 =	sadd.s32 $0xFFFFFFFF, s29;
	[tilespmem:v11+s21+$0x0] =	vst.idx.msk $0xffff, v10  }
0x1f4: {  	v11 =	vadd.s32 v6, v12;
	v12 =	vmov s0;
	v10 =	vld [tilespmem:s30+$0x10]  }
0x1f5: {  	v12 =	vshrl.u32 v12, $0x3  }
0x1f6: {  	v12 =	vshll.u32 v12, v1  }
0x1f7: {  	v12 =	vadd.s32 v9, v12  }
0x1f8: {  	v12 =	vbroadcast v12, $0x0  }
0x1f9: {  	[tilespmem:v11+s21+$0x0] =	vst.idx.msk $0xffff, v10  }
0x1fa: {  	v12 =	vadd.s32 v7, v12;
	v10 =	vmov s29;
	s29 =	smov.u32 s31;
	v11 =	vld [tilespmem:s30+$0x20]  }
.Ltmp7:
0x1fb: {  	v10 =	vshrl.u32 v10, $0x3;
	(pc) =	sbr.rel @p1 .LBB2_13-.Ltmp7, $4  }
0x1fc: {  	v10 =	vshll.u32 v10, v1  }
0x1fd: {  	v10 =	vadd.s32 v9, v10  }
0x1fe: {  	v10 =	vbroadcast v10, $0x0  }
0x1ff: {  	s31 =	sadd.s32 $0x8, s31;
	s1 =	sadd.s32 $0xFFFFFFF9, s29;
	[tilespmem:v12+s21+$0x0] =	vst.idx.msk $0xffff, v11  }
0x200: {  	v11 =	vmov s1;
	v12 =	vld [tilespmem:s30+$0x30];
	v10 =	vadd.s32 v8, v10  }
0x201: {  	v11 =	vshrl.u32 v11, $0x3  }
0x202: {  	v11 =	vshll.u32 v11, v1  }
0x203: {  	v11 =	vadd.s32 v9, v11  }
0x204: {  	v11 =	vbroadcast v11, $0x0  }
0x205: {  	s0 =	sadd.s32 $0xFFFFFFFA, s29;
	s1 =	sadd.s32 $0x80, s30;
	[tilespmem:v10+s21+$0x0] =	vst.idx.msk $0xffff, v12  }
0x206: {  	v57 =	vmov s0;
	v10 =	vld [tilespmem:s1+$0xFFFFFFC0];
	v11 =	vadd.s32 v0, v11  }
0x207: {  	v12 =	vshrl.u32 v57, $0x3  }
0x208: {  	v12 =	vshll.u32 v12, v1  }
0x209: {  	v12 =	vadd.s32 v9, v12  }
0x20a: {  	v12 =	vbroadcast v12, $0x0  }
0x20b: {  	s30 =	sadd.s32 $0xFFFFFFFB, s29;
	[tilespmem:v11+s21+$0x0] =	vst.idx.msk $0xffff, v10  }
0x20c: {  	v58 =	vmov s30;
	v11 =	vadd.s32 v2, v12;
	v10 =	vld [tilespmem:s1+$0xFFFFFFD0]  }
0x20d: {  	v12 =	vshrl.u32 v58, $0x3  }
0x20e: {  	v12 =	vshll.u32 v12, v1  }
0x20f: {  	v12 =	vadd.s32 v9, v12  }
0x210: {  	v12 =	vbroadcast v12, $0x0  }
0x211: {  	s31 =	sadd.s32 $0xFFFFFFFC, s29;
	[tilespmem:v11+s21+$0x0] =	vst.idx.msk $0xffff, v10  }
0x212: {  	v59 =	vmov s31;
	v11 =	vadd.s32 v3, v12;
	v10 =	vld [tilespmem:s1+$0xFFFFFFE0]  }
0x213: {  	v12 =	vshrl.u32 v59, $0x3  }
0x214: {  	v12 =	vshll.u32 v12, v1  }
0x215: {  	v12 =	vadd.s32 v9, v12  }
0x216: {  	v12 =	vbroadcast v12, $0x0  }
0x217: {  	s19 =	sadd.s32 $0xFFFFFFFD, s29;
	[tilespmem:v11+s21+$0x0] =	vst.idx.msk $0xffff, v10  }
0x218: {  	v60 =	vmov s19;
	v11 =	vadd.s32 v4, v12;
	v10 =	vld [tilespmem:s1+$0xFFFFFFF0]  }
0x219: {  	v12 =	vshrl.u32 v60, $0x3  }
0x21a: {  	v12 =	vshll.u32 v12, v1  }
0x21b: {  	v12 =	vadd.s32 v9, v12  }
0x21c: {  	v12 =	vbroadcast v12, $0x0  }
0x21d: {  	s30 =	sadd.s32 $0xFFFFFFFE, s29;
	[tilespmem:v11+s21+$0x0] =	vst.idx.msk $0xffff, v10  }
0x21e: {  	v61 =	vmov s30;
	v11 =	vadd.s32 v5, v12;
	v10 =	vld [tilespmem:s1+$0x0]  }
0x21f: {  	v12 =	vshrl.u32 v61, $0x3  }
0x220: {  	v12 =	vshll.u32 v12, v1  }
0x221: {  	v12 =	vadd.s32 v9, v12  }
0x222: {  	v12 =	vbroadcast v12, $0x0  }
0x223: {  	s31 =	sadd.s32 $0xFFFFFFFF, s29;
	[tilespmem:v11+s21+$0x0] =	vst.idx.msk $0xffff, v10  }
0x224: {  	v62 =	vmov s31;
	v11 =	vadd.s32 v6, v12;
	v10 =	vld [tilespmem:s1+$0x10]  }
0x225: {  	v12 =	vshrl.u32 v62, $0x3  }
0x226: {  	v12 =	vshll.u32 v12, v1  }
0x227: {  	v12 =	vadd.s32 v9, v12  }
0x228: {  	v12 =	vbroadcast v12, $0x0  }
0x229: {  	[tilespmem:v11+s21+$0x0] =	vst.idx.msk $0xffff, v10  }
0x22a: {  	v63 =	vmov s29;
	v11 =	vadd.s32 v7, v12;
	v10 =	vld [tilespmem:s1+$0x20]  }
0x22b: {  	v12 =	vshrl.u32 v63, $0x3  }
0x22c: {  	v12 =	vshll.u32 v12, v1  }
0x22d: {  	v9 =	vadd.s32 v9, v12  }
0x22e: {  	v9 =	vbroadcast v9, $0x0  }
0x22f: {  	s26 =	sadd.s32 $0x1, s26;
	[tilespmem:v11+s21+$0x0] =	vst.idx.msk $0xffff, v10  }
0x230: {  	p1 =	sne.s32 s26, $0x8;
	v9 =	vadd.s32 v8, v9;
	v10 =	vld [tilespmem:s1+$0x30]  }
.Ltmp8:
0x231: {  	_ = 	snop;
	(pc) =	sbr.rel @p1 .LBB2_12-.Ltmp8, $2  }
0x232: {  	_ =	sdelay $0x2  }
0x233: {  	s28 =	sadd.s32 $0x800, s28;
	[tilespmem:v9+s21+$0x0] =	vst.idx.msk $0xffff, v10  }
0x234: {  	s0 =	sadd.s32 s25, s3  }
0x235: {  	s1 =	smulhi.u32 $0x51EB851F, s0;
	_ =	sdelay $0x1  }
0x236: {  	s1 =	sshrl.u32 s1, $0x3  }
0x237: {  	s26 =	smul.u32 $0x19, s1;
	_ =	sdelay $0x1  }
0x238: {  	s0 =	ssub.s32 s0, s26  }
0x239: {  	s1 =	sshll.u32 s1, $0xA;
	s0 =	sshll.u32 s0, $0x15  }
0x23a: {  	s0 =	sadd.s32 s1, s0  }
0x23b: {  	s0 =	sshrl.u32 s0, $0x3  }
0x23c: {  	s19 =	simm.s32 $0x11000;
	s26 =	sadd.s32 s4, s0  }
0x23d: {  	[hbm4b:s26+s5] =	stream.linear.scatter [tilespmem:s19], [sflag:$0x5], $0x80, $0x38;
	[tilespmem:$0x19800] =	vst v63  }
0x23e: {  	s1 =	simm.s32 $0x11088;
	s19 =	sadd.s32 $0x10, s26  }
0x23f: {  	[hbm4b:s19+s5] =	stream.linear.scatter [tilespmem:s1], [sflag:$0x5], $0x80, $0x38;
	[tilespmem:$0x19800] =	vst v63  }
0x240: {  	s1 =	simm.s32 $0x11110;
	s19 =	sadd.s32 $0x20, s26  }
0x241: {  	[hbm4b:s19+s5] =	stream.linear.scatter [tilespmem:s1], [sflag:$0x5], $0x80, $0x38;
	[tilespmem:$0x19800] =	vst v63  }
0x242: {  	s1 =	simm.s32 $0x11198;
	s19 =	sadd.s32 $0x30, s26  }
0x243: {  	[hbm4b:s19+s5] =	stream.linear.scatter [tilespmem:s1], [sflag:$0x5], $0x80, $0x38;
	[tilespmem:$0x19800] =	vst v63  }
0x244: {  	s1 =	simm.s32 $0x11220;
	s19 =	sadd.s32 $0x40, s26  }
0x245: {  	[hbm4b:s19+s5] =	stream.linear.scatter [tilespmem:s1], [sflag:$0x5], $0x80, $0x38;
	[tilespmem:$0x19800] =	vst v63  }
0x246: {  	s28 =	simm.s32 $0x880;
	s1 =	simm.s32 $0x112A8;
	s19 =	sadd.s32 $0x50, s26  }
0x247: {  	[hbm4b:s19+s5] =	stream.linear.scatter [tilespmem:s1], [sflag:$0x5], $0x80, $0x38;
	[tilespmem:$0x19800] =	vst v63  }
0x248: {  	s30 =	simm.s32 $0x4400;
	s1 =	simm.s32 $0x11330;
	s19 =	sadd.s32 $0x60, s26  }
0x249: {  	[hbm4b:s19+s5] =	stream.linear.scatter [tilespmem:s1], [sflag:$0x5], $0x80, $0x38;
	[tilespmem:$0x19800] =	vst v63  }
0x24a: {  	s31 =	sadd.s32 $0x70, s26;
	s29 =	sadd.s32 $0x8000, s26;
	s1 =	simm.s32 $0x113B8  }
.LBB2_16:
0x24b: {  	[hbm4b:s31+s5] =	stream.linear.scatter [tilespmem:s1], [sflag:$0x5], $0x80, $0x38;
	[tilespmem:$0x19800] =	vst v63  }
0x24c: {  	s0 =	smov.u32 s28;
	s1 =	smov.u32 s30  }
0x24d: {  	s19 =	sadd.s32 $0x2200, s30;
	s28 =	sshra.s32 s1, $0x2;
	s1 =	sadd.s32 $0x11000, s0  }
0x24e: {  	[hbm4b:s29+s5] =	stream.linear.scatter [tilespmem:s1], [sflag:$0x5], $0x80, $0x38;
	[tilespmem:$0x19800] =	vst v63  }
0x24f: {  	p1 =	sne.s32 s30, $0xEE00;
	s30 =	sadd.s32 $0x10, s29;
	s1 =	sadd.s32 $0x11088, s0  }
0x250: {  	[hbm4b:s30+s5] =	stream.linear.scatter [tilespmem:s1], [sflag:$0x5], $0x80, $0x38;
	[tilespmem:$0x19800] =	vst v63  }
0x251: {  	s1 =	sadd.s32 $0x11110, s0;
	s30 =	sadd.s32 $0x20, s29  }
0x252: {  	[hbm4b:s30+s5] =	stream.linear.scatter [tilespmem:s1], [sflag:$0x5], $0x80, $0x38;
	[tilespmem:$0x19800] =	vst v63  }
0x253: {  	s1 =	sadd.s32 $0x11198, s0;
	s30 =	sadd.s32 $0x30, s29  }
0x254: {  	[hbm4b:s30+s5] =	stream.linear.scatter [tilespmem:s1], [sflag:$0x5], $0x80, $0x38;
	[tilespmem:$0x19800] =	vst v63  }
0x255: {  	s1 =	sadd.s32 $0x11220, s0;
	s30 =	sadd.s32 $0x40, s29  }
0x256: {  	[hbm4b:s30+s5] =	stream.linear.scatter [tilespmem:s1], [sflag:$0x5], $0x80, $0x38;
	[tilespmem:$0x19800] =	vst v63  }
.Ltmp9:
0x257: {  	s1 =	sadd.s32 $0x112A8, s0;
	s30 =	sadd.s32 $0x50, s29;
	(pc) =	sbr.rel @p1 .LBB2_16-.Ltmp9, $4  }
0x258: {  	[hbm4b:s30+s5] =	stream.linear.scatter [tilespmem:s1], [sflag:$0x5], $0x80, $0x38;
	[tilespmem:$0x19800] =	vst v63  }
0x259: {  	s31 =	sadd.s32 $0x70, s29;
	s1 =	sadd.s32 $0x11330, s0;
	s30 =	sadd.s32 $0x60, s29  }
0x25a: {  	[hbm4b:s30+s5] =	stream.linear.scatter [tilespmem:s1], [sflag:$0x5], $0x80, $0x38;
	[tilespmem:$0x19800] =	vst v63  }
0x25b: {  	s29 =	sadd.s32 $0x8000, s29;
	s1 =	sadd.s32 $0x113B8, s0;
	s30 =	smov.u32 s19  }
0x25c: {  	[hbm4b:s31+s5] =	stream.linear.scatter [tilespmem:s1], [sflag:$0x5], $0x80, $0x38;
	[tilespmem:$0x19800] =	vst v63  }
0x25d: {  	s0 =	sadd.s32 $0x11000, s28  }
0x25e: {  	[hbm4b:s29+s5] =	stream.linear.scatter [tilespmem:s0], [sflag:$0x5], $0x80, $0x38;
	[tilespmem:$0x19800] =	vst v63  }
0x25f: {  	s19 =	sadd.s32 $0x11088, s28;
	s31 =	sadd.s32 $0x10, s29  }
0x260: {  	[hbm4b:s31+s5] =	stream.linear.scatter [tilespmem:s19], [sflag:$0x5], $0x80, $0x38;
	[tilespmem:$0x19800] =	vst v63  }
0x261: {  	s19 =	sadd.s32 $0x11110, s28;
	s31 =	sadd.s32 $0x20, s29  }
0x262: {  	[hbm4b:s31+s5] =	stream.linear.scatter [tilespmem:s19], [sflag:$0x5], $0x80, $0x38;
	[tilespmem:$0x19800] =	vst v63  }
0x263: {  	s19 =	sadd.s32 $0x11198, s28;
	s31 =	sadd.s32 $0x30, s29  }
0x264: {  	[hbm4b:s31+s5] =	stream.linear.scatter [tilespmem:s19], [sflag:$0x5], $0x80, $0x38;
	[tilespmem:$0x19800] =	vst v63  }
0x265: {  	s19 =	sadd.s32 $0x11220, s28;
	s31 =	sadd.s32 $0x40, s29  }
0x266: {  	[hbm4b:s31+s5] =	stream.linear.scatter [tilespmem:s19], [sflag:$0x5], $0x80, $0x38;
	[tilespmem:$0x19800] =	vst v63  }
0x267: {  	s19 =	sadd.s32 $0x112A8, s28;
	s31 =	sadd.s32 $0x50, s29  }
0x268: {  	[hbm4b:s31+s5] =	stream.linear.scatter [tilespmem:s19], [sflag:$0x5], $0x80, $0x38;
	[tilespmem:$0x19800] =	vst v63  }
0x269: {  	s19 =	sadd.s32 $0x11330, s28;
	s31 =	sadd.s32 $0x60, s29  }
0x26a: {  	[hbm4b:s31+s5] =	stream.linear.scatter [tilespmem:s19], [sflag:$0x5], $0x80, $0x38;
	[tilespmem:$0x19800] =	vst v63  }
0x26b: {  	s1 =	sadd.s32 $0x113B8, s28;
	s19 =	sadd.s32 $0x70, s29  }
0x26c: {  	[hbm4b:s19+s5] =	stream.linear.scatter [tilespmem:s1], [sflag:$0x5], $0x80, $0x38;
	[tilespmem:$0x19800] =	vst v63  }
0x26d: {  	s0 =	sadd.s32 $0x4000, s26;
	s26 =	simm.s32 $0x11440  }
0x26e: {  	[hbm4b:s0+s5] =	stream.linear.scatter [tilespmem:s26], [sflag:$0x5], $0x80, $0x38;
	[tilespmem:$0x19800] =	vst v63  }
0x26f: {  	s31 =	simm.s32 $0x114C8;
	s19 =	sadd.s32 $0x10, s0  }
0x270: {  	[hbm4b:s19+s5] =	stream.linear.scatter [tilespmem:s31], [sflag:$0x5], $0x80, $0x38;
	[tilespmem:$0x19800] =	vst v63  }
0x271: {  	s26 =	simm.s32 $0x11550;
	s31 =	sadd.s32 $0x20, s0  }
0x272: {  	[hbm4b:s31+s5] =	stream.linear.scatter [tilespmem:s26], [sflag:$0x5], $0x80, $0x38;
	[tilespmem:$0x19800] =	vst v63  }
0x273: {  	s26 =	simm.s32 $0x115D8;
	s31 =	sadd.s32 $0x30, s0  }
0x274: {  	[hbm4b:s31+s5] =	stream.linear.scatter [tilespmem:s26], [sflag:$0x5], $0x80, $0x38;
	[tilespmem:$0x19800] =	vst v63  }
0x275: {  	s26 =	simm.s32 $0x11660;
	s31 =	sadd.s32 $0x40, s0  }
0x276: {  	[hbm4b:s31+s5] =	stream.linear.scatter [tilespmem:s26], [sflag:$0x5], $0x80, $0x38;
	[tilespmem:$0x19800] =	vst v63  }
0x277: {  	s30 =	sadd.s32 $0x70, s0;
	s26 =	simm.s32 $0x116E8;
	s31 =	sadd.s32 $0x50, s0  }
0x278: {  	[hbm4b:s31+s5] =	stream.linear.scatter [tilespmem:s26], [sflag:$0x5], $0x80, $0x38;
	[tilespmem:$0x19800] =	vst v63  }
0x279: {  	s28 =	sadd.s32 $0x8000, s0;
	s26 =	simm.s32 $0x11770;
	s31 =	sadd.s32 $0x60, s0  }
0x27a: {  	[hbm4b:s31+s5] =	stream.linear.scatter [tilespmem:s26], [sflag:$0x5], $0x80, $0x38;
	[tilespmem:$0x19800] =	vst v63  }
0x27b: {  	s29 =	simm.s32 $0x4400;
	s1 =	simm.s32 $0x117F8;
	s26 =	simm.s32 $0x880  }
.LBB2_18:
0x27c: {  	[hbm4b:s30+s5] =	stream.linear.scatter [tilespmem:s1], [sflag:$0x5], $0x80, $0x38;
	[tilespmem:$0x19800] =	vst v63  }
0x27d: {  	s0 =	smov.u32 s26;
	s1 =	smov.u32 s29  }
0x27e: {  	s19 =	sadd.s32 $0x2200, s29;
	s26 =	sshra.s32 s1, $0x2;
	s1 =	sadd.s32 $0x11440, s0  }
0x27f: {  	[hbm4b:s28+s5] =	stream.linear.scatter [tilespmem:s1], [sflag:$0x5], $0x80, $0x38;
	[tilespmem:$0x19800] =	vst v63  }
0x280: {  	p1 =	sne.s32 s29, $0xEE00;
	s29 =	sadd.s32 $0x10, s28;
	s1 =	sadd.s32 $0x114C8, s0  }
0x281: {  	[hbm4b:s29+s5] =	stream.linear.scatter [tilespmem:s1], [sflag:$0x5], $0x80, $0x38;
	[tilespmem:$0x19800] =	vst v63  }
0x282: {  	s1 =	sadd.s32 $0x11550, s0;
	s29 =	sadd.s32 $0x20, s28  }
0x283: {  	[hbm4b:s29+s5] =	stream.linear.scatter [tilespmem:s1], [sflag:$0x5], $0x80, $0x38;
	[tilespmem:$0x19800] =	vst v63  }
0x284: {  	s1 =	sadd.s32 $0x115D8, s0;
	s29 =	sadd.s32 $0x30, s28  }
0x285: {  	[hbm4b:s29+s5] =	stream.linear.scatter [tilespmem:s1], [sflag:$0x5], $0x80, $0x38;
	[tilespmem:$0x19800] =	vst v63  }
0x286: {  	s1 =	sadd.s32 $0x11660, s0;
	s29 =	sadd.s32 $0x40, s28  }
0x287: {  	[hbm4b:s29+s5] =	stream.linear.scatter [tilespmem:s1], [sflag:$0x5], $0x80, $0x38;
	[tilespmem:$0x19800] =	vst v63  }
.Ltmp10:
0x288: {  	s1 =	sadd.s32 $0x116E8, s0;
	s29 =	sadd.s32 $0x50, s28;
	(pc) =	sbr.rel @p1 .LBB2_18-.Ltmp10, $4  }
0x289: {  	[hbm4b:s29+s5] =	stream.linear.scatter [tilespmem:s1], [sflag:$0x5], $0x80, $0x38;
	[tilespmem:$0x19800] =	vst v63  }
0x28a: {  	s30 =	sadd.s32 $0x70, s28;
	s1 =	sadd.s32 $0x11770, s0;
	s29 =	sadd.s32 $0x60, s28  }
0x28b: {  	[hbm4b:s29+s5] =	stream.linear.scatter [tilespmem:s1], [sflag:$0x5], $0x80, $0x38;
	[tilespmem:$0x19800] =	vst v63  }
0x28c: {  	s28 =	sadd.s32 $0x8000, s28;
	s1 =	sadd.s32 $0x117F8, s0;
	s29 =	smov.u32 s19  }
0x28d: {  	[hbm4b:s30+s5] =	stream.linear.scatter [tilespmem:s1], [sflag:$0x5], $0x80, $0x38;
	[tilespmem:$0x19800] =	vst v63  }
0x28e: {  	s0 =	sadd.s32 $0x11440, s26  }
0x28f: {  	[hbm4b:s28+s5] =	stream.linear.scatter [tilespmem:s0], [sflag:$0x5], $0x80, $0x38;
	[tilespmem:$0x19800] =	vst v63  }
0x290: {  	s30 =	sadd.s32 $0x114C8, s26;
	s31 =	sadd.s32 $0x10, s28  }
0x291: {  	[hbm4b:s31+s5] =	stream.linear.scatter [tilespmem:s30], [sflag:$0x5], $0x80, $0x38;
	[tilespmem:$0x19800] =	vst v63  }
0x292: {  	s19 =	sadd.s32 $0x11550, s26;
	s29 =	sadd.s32 $0x20, s28  }
0x293: {  	[hbm4b:s29+s5] =	stream.linear.scatter [tilespmem:s19], [sflag:$0x5], $0x80, $0x38;
	[tilespmem:$0x19800] =	vst v63  }
0x294: {  	s30 =	sadd.s32 $0x115D8, s26;
	s31 =	sadd.s32 $0x30, s28  }
0x295: {  	[hbm4b:s31+s5] =	stream.linear.scatter [tilespmem:s30], [sflag:$0x5], $0x80, $0x38;
	[tilespmem:$0x19800] =	vst v63  }
0x296: {  	s1 =	sadd.s32 $0x11660, s26;
	s19 =	sadd.s32 $0x40, s28  }
0x297: {  	[hbm4b:s19+s5] =	stream.linear.scatter [tilespmem:s1], [sflag:$0x5], $0x80, $0x38;
	[tilespmem:$0x19800] =	vst v63  }
0x298: {  	s0 =	sadd.s32 @!p0 s25, s14;
	s29 =	sadd.s32 $0x116E8, s26;
	s30 =	sadd.s32 $0x50, s28  }
0x299: {  	[hbm4b:s30+s5] =	stream.linear.scatter [tilespmem:s29], [sflag:$0x5], $0x80, $0x38;
	[tilespmem:$0x19800] =	vst v63  }
0x29a: {  	s31 =	sadd.s32 $0x11770, s26;
	s19 =	sadd.s32 $0x60, s28;
	s29 =	smulhi.u32 @!p0 $0x51EB851F, s0  }
0x29b: {  	[hbm4b:s19+s5] =	stream.linear.scatter [tilespmem:s31], [sflag:$0x5], $0x80, $0x38;
	[tilespmem:$0x19800] =	vst v63  }
0x29c: {  	s30 =	sadd.s32 $0x117F8, s26;
	s26 =	simm.s32 @!p0 $0x800;
	s1 =	sshrl.u32 @!p0 s29, $0x3  }
0x29d: {  	s31 =	sadd.s32 $0x70, s28;
	s19 =	simm.s32 @!p0 $0x4000;
	s28 =	smul.u32 @!p0 $0x19, s1  }
0x29e: {  	[hbm4b:s31+s5] =	stream.linear.scatter [tilespmem:s30], [sflag:$0x5], $0x80, $0x38;
	[tilespmem:$0x19800] =	vst v63  }
0x29f: {  	s1 =	sshll.u32 @!p0 s1, $0x4;
	_ =	swait.ge [sflag:s22], $0x4000;
	s0 =	ssub.s32 @!p0 s0, s28  }
0x2a0: {  	s1 =	sadd.s32 @!p0 s8, s1;
	[sflag:s22] =	ssyncset.done $0x0;
	s0 =	sshll.u32 @!p0 s0, $0xE  }
0x2a1: {  	[sflag:s22] =	ssyncadd.s32 $0xFFFFC000;
	s0 =	sadd.s32 @!p0 s0, s1;
	s1 =	simm.s32 @!p0 $0x80  }
0x2a2: {  	[tilespmem:s26], [sflag:$0x9] =	stream.strided.gather @!p0 [hbm4b:s0+s1], $0x400, s19, s1, $0x38;
	[tilespmem:$0x19800] =	vst v63  }
0x2a3: {  	s0 =	simm.s32 @!p0 $0x8  }
0x2a4: {  	_ =	swait.ge @!p0 [sflag:s0], $0x400  }
0x2a5: {  	[sflag:s0] =	ssyncset.done @!p0 $0x0  }
0x2a6: {  	s19 =	simm.s32 @!p0 $0x4C00;
	[sflag:s0] =	ssyncadd.s32 @!p0 $0xFFFFFC00;
	s0 =	simm.s32 @!p0 $0x400  }
0x2a7: {  	[tilespmem:s19], [sflag:$0x2] =	stream.indirect.gather @!p0 [hbm4b:s7+s1], $0x10, s0, s1, $0xb8;
	[tilespmem:$0x19800] =	vst v63  }
0x2a8: {  	s0 =	simm.s32 @!p0 $0x480;
	s19 =	simm.s32 @!p0 $0x5400  }
0x2a9: {  	[tilespmem:s19], [sflag:$0x2] =	stream.indirect.gather @!p0 [hbm4b:s7+s1], $0x10, s0, s1, $0xb8;
	[tilespmem:$0x19800] =	vst v63  }
0x2aa: {  	s0 =	simm.s32 @!p0 $0x500;
	s19 =	simm.s32 @!p0 $0x5C00  }
0x2ab: {  	[tilespmem:s19], [sflag:$0x2] =	stream.indirect.gather @!p0 [hbm4b:s7+s1], $0x10, s0, s1, $0xb8;
	[tilespmem:$0x19800] =	vst v63  }
0x2ac: {  	s0 =	simm.s32 @!p0 $0x580;
	s19 =	simm.s32 @!p0 $0x6400  }
0x2ad: {  	[tilespmem:s19], [sflag:$0x2] =	stream.indirect.gather @!p0 [hbm4b:s7+s1], $0x10, s0, s1, $0xb8;
	[tilespmem:$0x19800] =	vst v63  }
0x2ae: {  	s0 =	simm.s32 @!p0 $0x600;
	s19 =	simm.s32 @!p0 $0x6C00  }
0x2af: {  	[tilespmem:s19], [sflag:$0x2] =	stream.indirect.gather @!p0 [hbm4b:s7+s1], $0x10, s0, s1, $0xb8;
	[tilespmem:$0x19800] =	vst v63  }
0x2b0: {  	s0 =	simm.s32 @!p0 $0x680;
	s19 =	simm.s32 @!p0 $0x7400  }
0x2b1: {  	[tilespmem:s19], [sflag:$0x2] =	stream.indirect.gather @!p0 [hbm4b:s7+s1], $0x10, s0, s1, $0xb8;
	[tilespmem:$0x19800] =	vst v63  }
0x2b2: {  	s0 =	simm.s32 @!p0 $0x700;
	s19 =	simm.s32 @!p0 $0x7C00  }
0x2b3: {  	[tilespmem:s19], [sflag:$0x2] =	stream.indirect.gather @!p0 [hbm4b:s7+s1], $0x10, s0, s1, $0xb8;
	[tilespmem:$0x19800] =	vst v63  }
0x2b4: {  	p1 =	seq.s32 @!p0 s24, $0x0;
	s0 =	simm.s32 @!p0 $0x780;
	s19 =	simm.s32 @!p0 $0x8400  }
0x2b5: {  	[tilespmem:s19], [sflag:$0x2] =	stream.indirect.gather @!p0 [hbm4b:s7+s1], $0x10, s0, s1, $0xb8;
	[tilespmem:$0x19800] =	vst v63  }
0x2b6: {  	p0 =	por p0, !p1  }
0x2b7: {  	_ =	swait.ge @p0 [sflag:s17], $0x2000  }
0x2b8: {  	[sflag:s17] =	ssyncset.done @p0 $0x0  }
0x2b9: {  	[sflag:s17] =	ssyncadd.s32 @p0 $0xFFFFE000  }
0x2ba: {  	_ =	swait.ge @p0 [sflag:s17], $0x2000  }
0x2bb: {  	[sflag:s17] =	ssyncset.done @p0 $0x0  }
0x2bc: {  	s28 =	simm.s32 $0x8C40;
	s26 =	simm.s32 $0x0;
	[sflag:s17] =	ssyncadd.s32 @p0 $0xFFFFE000  }
.LBB2_20:
0x2bd: {  	s0 =	simm.s32 $0x0  }
0x2be: {  	v9 =	vmov s26;
	v10 =	vmov s0  }
0x2bf: {  	v9 =	vmul.u32 $0x880, v9;
	v10 =	vshrl.u32 v10, $0x3  }
0x2c0: {  	v10 =	vshll.u32 v10, v1  }
0x2c1: {  	v10 =	vadd.s32 v9, v10  }
0x2c2: {  	v10 =	vbroadcast v10, $0x0  }
0x2c3: {  	s19 =	simm.s32 $0x1  }
0x2c4: {  	v11 =	vld [tilespmem:s28+$0xFFFFFFC0];
	v12 =	vmov s19;
	v10 =	vadd.s32 v0, v10  }
0x2c5: {  	v12 =	vshrl.u32 v12, $0x3  }
0x2c6: {  	v12 =	vshll.u32 v12, v1  }
0x2c7: {  	v12 =	vadd.s32 v9, v12  }
0x2c8: {  	v12 =	vbroadcast v12, $0x0  }
0x2c9: {  	s1 =	simm.s32 $0x2;
	[tilespmem:v10+s23+$0x0] =	vst.idx.msk $0xffff, v11  }
0x2ca: {  	v59 =	vmov s1;
	v11 =	vadd.s32 v2, v12;
	v10 =	vld [tilespmem:s28+$0xFFFFFFD0]  }
0x2cb: {  	v12 =	vshrl.u32 v59, $0x3  }
0x2cc: {  	v12 =	vshll.u32 v12, v1  }
0x2cd: {  	v12 =	vadd.s32 v9, v12  }
0x2ce: {  	v12 =	vbroadcast v12, $0x0  }
0x2cf: {  	s19 =	simm.s32 $0x3;
	[tilespmem:v11+s23+$0x0] =	vst.idx.msk $0xffff, v10  }
0x2d0: {  	v60 =	vmov s19;
	v11 =	vadd.s32 v3, v12;
	v10 =	vld [tilespmem:s28+$0xFFFFFFE0]  }
0x2d1: {  	v12 =	vshrl.u32 v60, $0x3  }
0x2d2: {  	v12 =	vshll.u32 v12, v1  }
0x2d3: {  	v12 =	vadd.s32 v9, v12  }
0x2d4: {  	v12 =	vbroadcast v12, $0x0  }
0x2d5: {  	s1 =	simm.s32 $0x4;
	[tilespmem:v11+s23+$0x0] =	vst.idx.msk $0xffff, v10  }
0x2d6: {  	v61 =	vmov s1;
	v11 =	vadd.s32 v4, v12;
	v10 =	vld [tilespmem:s28+$0xFFFFFFF0]  }
0x2d7: {  	v12 =	vshrl.u32 v61, $0x3  }
0x2d8: {  	v12 =	vshll.u32 v12, v1  }
0x2d9: {  	v12 =	vadd.s32 v9, v12  }
0x2da: {  	v12 =	vbroadcast v12, $0x0  }
0x2db: {  	s19 =	simm.s32 $0x5;
	[tilespmem:v11+s23+$0x0] =	vst.idx.msk $0xffff, v10  }
0x2dc: {  	v62 =	vmov s19;
	v11 =	vadd.s32 v5, v12;
	v10 =	vld [tilespmem:s28+$0x0]  }
0x2dd: {  	v12 =	vshrl.u32 v62, $0x3  }
0x2de: {  	v12 =	vshll.u32 v12, v1  }
0x2df: {  	v12 =	vadd.s32 v9, v12  }
0x2e0: {  	v12 =	vbroadcast v12, $0x0  }
0x2e1: {  	s1 =	simm.s32 $0x6;
	[tilespmem:v11+s23+$0x0] =	vst.idx.msk $0xffff, v10  }
0x2e2: {  	v63 =	vmov s1;
	v11 =	vadd.s32 v6, v12;
	v10 =	vld [tilespmem:s28+$0x10]  }
0x2e3: {  	v12 =	vshrl.u32 v63, $0x3  }
0x2e4: {  	v12 =	vshll.u32 v12, v1  }
0x2e5: {  	v12 =	vadd.s32 v9, v12  }
0x2e6: {  	v12 =	vbroadcast v12, $0x0  }
0x2e7: {  	s19 =	simm.s32 $0x7;
	[tilespmem:v11+s23+$0x0] =	vst.idx.msk $0xffff, v10  }
0x2e8: {  	v12 =	vadd.s32 v7, v12;
	v10 =	vmov s19;
	v11 =	vld [tilespmem:s28+$0x20]  }
0x2e9: {  	v10 =	vshrl.u32 v10, $0x3  }
0x2ea: {  	v10 =	vshll.u32 v10, v1  }
0x2eb: {  	v10 =	vadd.s32 v9, v10  }
0x2ec: {  	s29 =	simm.s32 $0xF;
	v10 =	vbroadcast v10, $0x0  }
0x2ed: {  	s31 =	simm.s32 $0x17;
	s30 =	smov.u32 s28;
	s1 =	simm.s32 $0x8;
	[tilespmem:v12+s23+$0x0] =	vst.idx.msk $0xffff, v11  }
.LBB2_21:
0x2ee: {  	p0 =	sne.s32 s31, $0x7F;
	v11 =	vmov s1;
	v12 =	vld [tilespmem:s30+$0x30];
	v10 =	vadd.s32 v8, v10  }
0x2ef: {  	v11 =	vshrl.u32 v11, $0x3  }
0x2f0: {  	v11 =	vshll.u32 v11, v1  }
0x2f1: {  	v11 =	vadd.s32 v9, v11  }
0x2f2: {  	v11 =	vbroadcast v11, $0x0  }
0x2f3: {  	s0 =	sadd.s32 $0xFFFFFFFA, s29;
	s30 =	sadd.s32 $0x80, s30;
	[tilespmem:v10+s23+$0x0] =	vst.idx.msk $0xffff, v12  }
0x2f4: {  	v12 =	vmov s0;
	v10 =	vld [tilespmem:s30+$0xFFFFFFC0];
	v11 =	vadd.s32 v0, v11  }
0x2f5: {  	v12 =	vshrl.u32 v12, $0x3  }
0x2f6: {  	v12 =	vshll.u32 v12, v1  }
0x2f7: {  	v12 =	vadd.s32 v9, v12  }
0x2f8: {  	v12 =	vbroadcast v12, $0x0  }
0x2f9: {  	s0 =	sadd.s32 $0xFFFFFFFB, s29;
	[tilespmem:v11+s23+$0x0] =	vst.idx.msk $0xffff, v10  }
0x2fa: {  	v11 =	vadd.s32 v2, v12;
	v12 =	vmov s0;
	v10 =	vld [tilespmem:s30+$0xFFFFFFD0]  }
0x2fb: {  	v12 =	vshrl.u32 v12, $0x3  }
0x2fc: {  	v12 =	vshll.u32 v12, v1  }
0x2fd: {  	v12 =	vadd.s32 v9, v12  }
0x2fe: {  	v12 =	vbroadcast v12, $0x0  }
0x2ff: {  	s0 =	sadd.s32 $0xFFFFFFFC, s29;
	[tilespmem:v11+s23+$0x0] =	vst.idx.msk $0xffff, v10  }
0x300: {  	v11 =	vadd.s32 v3, v12;
	v12 =	vmov s0;
	v10 =	vld [tilespmem:s30+$0xFFFFFFE0]  }
0x301: {  	v12 =	vshrl.u32 v12, $0x3  }
0x302: {  	v12 =	vshll.u32 v12, v1  }
0x303: {  	v12 =	vadd.s32 v9, v12  }
0x304: {  	v12 =	vbroadcast v12, $0x0  }
0x305: {  	s0 =	sadd.s32 $0xFFFFFFFD, s29;
	[tilespmem:v11+s23+$0x0] =	vst.idx.msk $0xffff, v10  }
0x306: {  	v11 =	vadd.s32 v4, v12;
	v12 =	vmov s0;
	v10 =	vld [tilespmem:s30+$0xFFFFFFF0]  }
0x307: {  	v12 =	vshrl.u32 v12, $0x3  }
0x308: {  	v12 =	vshll.u32 v12, v1  }
0x309: {  	v12 =	vadd.s32 v9, v12  }
0x30a: {  	v12 =	vbroadcast v12, $0x0  }
0x30b: {  	s0 =	sadd.s32 $0xFFFFFFFE, s29;
	[tilespmem:v11+s23+$0x0] =	vst.idx.msk $0xffff, v10  }
0x30c: {  	v11 =	vadd.s32 v5, v12;
	v12 =	vmov s0;
	v10 =	vld [tilespmem:s30+$0x0]  }
0x30d: {  	v12 =	vshrl.u32 v12, $0x3  }
0x30e: {  	v12 =	vshll.u32 v12, v1  }
0x30f: {  	v12 =	vadd.s32 v9, v12  }
0x310: {  	v12 =	vbroadcast v12, $0x0  }
0x311: {  	s0 =	sadd.s32 $0xFFFFFFFF, s29;
	[tilespmem:v11+s23+$0x0] =	vst.idx.msk $0xffff, v10  }
0x312: {  	v11 =	vadd.s32 v6, v12;
	v12 =	vmov s0;
	v10 =	vld [tilespmem:s30+$0x10]  }
0x313: {  	v12 =	vshrl.u32 v12, $0x3  }
0x314: {  	v12 =	vshll.u32 v12, v1  }
0x315: {  	v12 =	vadd.s32 v9, v12  }
0x316: {  	v12 =	vbroadcast v12, $0x0  }
0x317: {  	[tilespmem:v11+s23+$0x0] =	vst.idx.msk $0xffff, v10  }
0x318: {  	v12 =	vadd.s32 v7, v12;
	v10 =	vmov s29;
	s29 =	smov.u32 s31;
	v11 =	vld [tilespmem:s30+$0x20]  }
.Ltmp11:
0x319: {  	v10 =	vshrl.u32 v10, $0x3;
	(pc) =	sbr.rel @p0 .LBB2_21-.Ltmp11, $4  }
0x31a: {  	v10 =	vshll.u32 v10, v1  }
0x31b: {  	v10 =	vadd.s32 v9, v10  }
0x31c: {  	v10 =	vbroadcast v10, $0x0  }
0x31d: {  	s31 =	sadd.s32 $0x8, s31;
	s1 =	sadd.s32 $0xFFFFFFF9, s29;
	[tilespmem:v12+s23+$0x0] =	vst.idx.msk $0xffff, v11  }
0x31e: {  	v11 =	vmov s1;
	v12 =	vld [tilespmem:s30+$0x30];
	v10 =	vadd.s32 v8, v10  }
0x31f: {  	v11 =	vshrl.u32 v11, $0x3  }
0x320: {  	v11 =	vshll.u32 v11, v1  }
0x321: {  	v11 =	vadd.s32 v9, v11  }
0x322: {  	v11 =	vbroadcast v11, $0x0  }
0x323: {  	s0 =	sadd.s32 $0xFFFFFFFA, s29;
	s1 =	sadd.s32 $0x80, s30;
	[tilespmem:v10+s23+$0x0] =	vst.idx.msk $0xffff, v12  }
0x324: {  	v57 =	vmov s0;
	v10 =	vld [tilespmem:s1+$0xFFFFFFC0];
	v11 =	vadd.s32 v0, v11  }
0x325: {  	v12 =	vshrl.u32 v57, $0x3  }
0x326: {  	v12 =	vshll.u32 v12, v1  }
0x327: {  	v12 =	vadd.s32 v9, v12  }
0x328: {  	v12 =	vbroadcast v12, $0x0  }
0x329: {  	s30 =	sadd.s32 $0xFFFFFFFB, s29;
	[tilespmem:v11+s23+$0x0] =	vst.idx.msk $0xffff, v10  }
0x32a: {  	v58 =	vmov s30;
	v11 =	vadd.s32 v2, v12;
	v10 =	vld [tilespmem:s1+$0xFFFFFFD0]  }
0x32b: {  	v12 =	vshrl.u32 v58, $0x3  }
0x32c: {  	v12 =	vshll.u32 v12, v1  }
0x32d: {  	v12 =	vadd.s32 v9, v12  }
0x32e: {  	v12 =	vbroadcast v12, $0x0  }
0x32f: {  	s31 =	sadd.s32 $0xFFFFFFFC, s29;
	[tilespmem:v11+s23+$0x0] =	vst.idx.msk $0xffff, v10  }
0x330: {  	v59 =	vmov s31;
	v11 =	vadd.s32 v3, v12;
	v10 =	vld [tilespmem:s1+$0xFFFFFFE0]  }
0x331: {  	v12 =	vshrl.u32 v59, $0x3  }
0x332: {  	v12 =	vshll.u32 v12, v1  }
0x333: {  	v12 =	vadd.s32 v9, v12  }
0x334: {  	v12 =	vbroadcast v12, $0x0  }
0x335: {  	s19 =	sadd.s32 $0xFFFFFFFD, s29;
	[tilespmem:v11+s23+$0x0] =	vst.idx.msk $0xffff, v10  }
0x336: {  	v60 =	vmov s19;
	v11 =	vadd.s32 v4, v12;
	v10 =	vld [tilespmem:s1+$0xFFFFFFF0]  }
0x337: {  	v12 =	vshrl.u32 v60, $0x3  }
0x338: {  	v12 =	vshll.u32 v12, v1  }
0x339: {  	v12 =	vadd.s32 v9, v12  }
0x33a: {  	v12 =	vbroadcast v12, $0x0  }
0x33b: {  	s30 =	sadd.s32 $0xFFFFFFFE, s29;
	[tilespmem:v11+s23+$0x0] =	vst.idx.msk $0xffff, v10  }
0x33c: {  	v61 =	vmov s30;
	v11 =	vadd.s32 v5, v12;
	v10 =	vld [tilespmem:s1+$0x0]  }
0x33d: {  	v12 =	vshrl.u32 v61, $0x3  }
0x33e: {  	v12 =	vshll.u32 v12, v1  }
0x33f: {  	v12 =	vadd.s32 v9, v12  }
0x340: {  	v12 =	vbroadcast v12, $0x0  }
0x341: {  	s31 =	sadd.s32 $0xFFFFFFFF, s29;
	[tilespmem:v11+s23+$0x0] =	vst.idx.msk $0xffff, v10  }
0x342: {  	v62 =	vmov s31;
	v11 =	vadd.s32 v6, v12;
	v10 =	vld [tilespmem:s1+$0x10]  }
0x343: {  	v12 =	vshrl.u32 v62, $0x3  }
0x344: {  	v12 =	vshll.u32 v12, v1  }
0x345: {  	v12 =	vadd.s32 v9, v12  }
0x346: {  	v12 =	vbroadcast v12, $0x0  }
0x347: {  	[tilespmem:v11+s23+$0x0] =	vst.idx.msk $0xffff, v10  }
0x348: {  	v63 =	vmov s29;
	v11 =	vadd.s32 v7, v12;
	v10 =	vld [tilespmem:s1+$0x20]  }
0x349: {  	v12 =	vshrl.u32 v63, $0x3  }
0x34a: {  	v12 =	vshll.u32 v12, v1  }
0x34b: {  	v9 =	vadd.s32 v9, v12  }
0x34c: {  	v9 =	vbroadcast v9, $0x0  }
0x34d: {  	s26 =	sadd.s32 $0x1, s26;
	[tilespmem:v11+s23+$0x0] =	vst.idx.msk $0xffff, v10  }
0x34e: {  	p0 =	sne.s32 s26, $0x8;
	v9 =	vadd.s32 v8, v9;
	v10 =	vld [tilespmem:s1+$0x30]  }
.Ltmp12:
0x34f: {  	_ = 	snop;
	(pc) =	sbr.rel @p0 .LBB2_20-.Ltmp12, $2  }
0x350: {  	_ =	sdelay $0x2  }
0x351: {  	s28 =	sadd.s32 $0x800, s28;
	[tilespmem:v9+s23+$0x0] =	vst.idx.msk $0xffff, v10  }
0x352: {  	s0 =	sadd.s32 s25, s6  }
0x353: {  	s1 =	smulhi.u32 $0x51EB851F, s0;
	_ =	sdelay $0x1  }
0x354: {  	s1 =	sshrl.u32 s1, $0x3  }
0x355: {  	s19 =	smul.u32 $0x19, s1;
	_ =	sdelay $0x1  }
0x356: {  	s0 =	ssub.s32 s0, s19  }
0x357: {  	s1 =	sshll.u32 s1, $0xA;
	s0 =	sshll.u32 s0, $0x15  }
0x358: {  	s0 =	sadd.s32 s1, s0  }
0x359: {  	s0 =	sshrl.u32 s0, $0x3  }
0x35a: {  	s31 =	simm.s32 $0x15400;
	s25 =	sadd.s32 s4, s0  }
0x35b: {  	[hbm4b:s25+s5] =	stream.linear.scatter [tilespmem:s31], [sflag:$0x6], $0x80, $0x38;
	[tilespmem:$0x19800] =	vst v63  }
0x35c: {  	s1 =	simm.s32 $0x15488;
	s19 =	sadd.s32 $0x10, s25  }
0x35d: {  	[hbm4b:s19+s5] =	stream.linear.scatter [tilespmem:s1], [sflag:$0x6], $0x80, $0x38;
	[tilespmem:$0x19800] =	vst v63  }
0x35e: {  	s26 =	simm.s32 $0x15510;
	s31 =	sadd.s32 $0x20, s25  }
0x35f: {  	[hbm4b:s31+s5] =	stream.linear.scatter [tilespmem:s26], [sflag:$0x6], $0x80, $0x38;
	[tilespmem:$0x19800] =	vst v63  }
0x360: {  	s1 =	simm.s32 $0x15598;
	s19 =	sadd.s32 $0x30, s25  }
0x361: {  	[hbm4b:s19+s5] =	stream.linear.scatter [tilespmem:s1], [sflag:$0x6], $0x80, $0x38;
	[tilespmem:$0x19800] =	vst v63  }
0x362: {  	s26 =	simm.s32 $0x15620;
	s31 =	sadd.s32 $0x40, s25  }
0x363: {  	[hbm4b:s31+s5] =	stream.linear.scatter [tilespmem:s26], [sflag:$0x6], $0x80, $0x38;
	[tilespmem:$0x19800] =	vst v63  }
0x364: {  	s29 =	simm.s32 $0x4400;
	s1 =	simm.s32 $0x156A8;
	s19 =	sadd.s32 $0x50, s25  }
0x365: {  	[hbm4b:s19+s5] =	stream.linear.scatter [tilespmem:s1], [sflag:$0x6], $0x80, $0x38;
	[tilespmem:$0x19800] =	vst v63  }
0x366: {  	s30 =	sadd.s32 $0x70, s25;
	s26 =	simm.s32 $0x15730;
	s31 =	sadd.s32 $0x60, s25  }
0x367: {  	[hbm4b:s31+s5] =	stream.linear.scatter [tilespmem:s26], [sflag:$0x6], $0x80, $0x38;
	[tilespmem:$0x19800] =	vst v63  }
0x368: {  	s28 =	sadd.s32 $0x8000, s25;
	s1 =	simm.s32 $0x157B8;
	s26 =	simm.s32 $0x880  }
.LBB2_24:
0x369: {  	[hbm4b:s30+s5] =	stream.linear.scatter [tilespmem:s1], [sflag:$0x6], $0x80, $0x38;
	[tilespmem:$0x19800] =	vst v63  }
0x36a: {  	s0 =	smov.u32 s26;
	s1 =	smov.u32 s29  }
0x36b: {  	s19 =	sadd.s32 $0x2200, s29;
	s26 =	sshra.s32 s1, $0x2;
	s1 =	sadd.s32 $0x15400, s0  }
0x36c: {  	[hbm4b:s28+s5] =	stream.linear.scatter [tilespmem:s1], [sflag:$0x6], $0x80, $0x38;
	[tilespmem:$0x19800] =	vst v63  }
0x36d: {  	p0 =	sne.s32 s29, $0xEE00;
	s29 =	sadd.s32 $0x10, s28;
	s1 =	sadd.s32 $0x15488, s0  }
0x36e: {  	[hbm4b:s29+s5] =	stream.linear.scatter [tilespmem:s1], [sflag:$0x6], $0x80, $0x38;
	[tilespmem:$0x19800] =	vst v63  }
0x36f: {  	s1 =	sadd.s32 $0x15510, s0;
	s29 =	sadd.s32 $0x20, s28  }
0x370: {  	[hbm4b:s29+s5] =	stream.linear.scatter [tilespmem:s1], [sflag:$0x6], $0x80, $0x38;
	[tilespmem:$0x19800] =	vst v63  }
0x371: {  	s1 =	sadd.s32 $0x15598, s0;
	s29 =	sadd.s32 $0x30, s28  }
0x372: {  	[hbm4b:s29+s5] =	stream.linear.scatter [tilespmem:s1], [sflag:$0x6], $0x80, $0x38;
	[tilespmem:$0x19800] =	vst v63  }
0x373: {  	s1 =	sadd.s32 $0x15620, s0;
	s29 =	sadd.s32 $0x40, s28  }
0x374: {  	[hbm4b:s29+s5] =	stream.linear.scatter [tilespmem:s1], [sflag:$0x6], $0x80, $0x38;
	[tilespmem:$0x19800] =	vst v63  }
.Ltmp13:
0x375: {  	s1 =	sadd.s32 $0x156A8, s0;
	s29 =	sadd.s32 $0x50, s28;
	(pc) =	sbr.rel @p0 .LBB2_24-.Ltmp13, $4  }
0x376: {  	[hbm4b:s29+s5] =	stream.linear.scatter [tilespmem:s1], [sflag:$0x6], $0x80, $0x38;
	[tilespmem:$0x19800] =	vst v63  }
0x377: {  	s30 =	sadd.s32 $0x70, s28;
	s1 =	sadd.s32 $0x15730, s0;
	s29 =	sadd.s32 $0x60, s28  }
0x378: {  	[hbm4b:s29+s5] =	stream.linear.scatter [tilespmem:s1], [sflag:$0x6], $0x80, $0x38;
	[tilespmem:$0x19800] =	vst v63  }
0x379: {  	s28 =	sadd.s32 $0x8000, s28;
	s1 =	sadd.s32 $0x157B8, s0;
	s29 =	smov.u32 s19  }
0x37a: {  	[hbm4b:s30+s5] =	stream.linear.scatter [tilespmem:s1], [sflag:$0x6], $0x80, $0x38;
	[tilespmem:$0x19800] =	vst v63  }
0x37b: {  	s0 =	sadd.s32 $0x15400, s26  }
0x37c: {  	[hbm4b:s28+s5] =	stream.linear.scatter [tilespmem:s0], [sflag:$0x6], $0x80, $0x38;
	[tilespmem:$0x19800] =	vst v63  }
0x37d: {  	s1 =	sadd.s32 $0x15488, s26;
	s19 =	sadd.s32 $0x10, s28  }
0x37e: {  	[hbm4b:s19+s5] =	stream.linear.scatter [tilespmem:s1], [sflag:$0x6], $0x80, $0x38;
	[tilespmem:$0x19800] =	vst v63  }
0x37f: {  	s30 =	sadd.s32 $0x15510, s26;
	s31 =	sadd.s32 $0x20, s28  }
0x380: {  	[hbm4b:s31+s5] =	stream.linear.scatter [tilespmem:s30], [sflag:$0x6], $0x80, $0x38;
	[tilespmem:$0x19800] =	vst v63  }
0x381: {  	s1 =	sadd.s32 $0x15598, s26;
	s19 =	sadd.s32 $0x30, s28  }
0x382: {  	[hbm4b:s19+s5] =	stream.linear.scatter [tilespmem:s1], [sflag:$0x6], $0x80, $0x38;
	[tilespmem:$0x19800] =	vst v63  }
0x383: {  	s30 =	sadd.s32 $0x15620, s26;
	s31 =	sadd.s32 $0x40, s28  }
0x384: {  	[hbm4b:s31+s5] =	stream.linear.scatter [tilespmem:s30], [sflag:$0x6], $0x80, $0x38;
	[tilespmem:$0x19800] =	vst v63  }
0x385: {  	s1 =	sadd.s32 $0x156A8, s26;
	s19 =	sadd.s32 $0x50, s28  }
0x386: {  	[hbm4b:s19+s5] =	stream.linear.scatter [tilespmem:s1], [sflag:$0x6], $0x80, $0x38;
	[tilespmem:$0x19800] =	vst v63  }
0x387: {  	s30 =	sadd.s32 $0x15730, s26;
	s31 =	sadd.s32 $0x60, s28  }
0x388: {  	[hbm4b:s31+s5] =	stream.linear.scatter [tilespmem:s30], [sflag:$0x6], $0x80, $0x38;
	[tilespmem:$0x19800] =	vst v63  }
0x389: {  	s1 =	sadd.s32 $0x157B8, s26;
	s19 =	sadd.s32 $0x70, s28  }
0x38a: {  	[hbm4b:s19+s5] =	stream.linear.scatter [tilespmem:s1], [sflag:$0x6], $0x80, $0x38;
	[tilespmem:$0x19800] =	vst v63  }
0x38b: {  	s0 =	sadd.s32 $0x4000, s25;
	s25 =	simm.s32 $0x15840  }
0x38c: {  	[hbm4b:s0+s5] =	stream.linear.scatter [tilespmem:s25], [sflag:$0x6], $0x80, $0x38;
	[tilespmem:$0x19800] =	vst v63  }
0x38d: {  	s26 =	simm.s32 $0x158C8;
	s19 =	sadd.s32 $0x10, s0  }
0x38e: {  	[hbm4b:s19+s5] =	stream.linear.scatter [tilespmem:s26], [sflag:$0x6], $0x80, $0x38;
	[tilespmem:$0x19800] =	vst v63  }
0x38f: {  	s29 =	sadd.s32 $0x70, s0;
	s30 =	simm.s32 $0x15950;
	s31 =	sadd.s32 $0x20, s0  }
0x390: {  	[hbm4b:s31+s5] =	stream.linear.scatter [tilespmem:s30], [sflag:$0x6], $0x80, $0x38;
	[tilespmem:$0x19800] =	vst v63  }
0x391: {  	s28 =	simm.s32 $0x4400;
	s25 =	simm.s32 $0x159D8;
	s26 =	sadd.s32 $0x30, s0  }
0x392: {  	[hbm4b:s26+s5] =	stream.linear.scatter [tilespmem:s25], [sflag:$0x6], $0x80, $0x38;
	[tilespmem:$0x19800] =	vst v63  }
0x393: {  	s1 =	simm.s32 $0x15BF8;
	s30 =	simm.s32 $0x15A60;
	s31 =	sadd.s32 $0x40, s0  }
0x394: {  	[hbm4b:s31+s5] =	stream.linear.scatter [tilespmem:s30], [sflag:$0x6], $0x80, $0x38;
	[tilespmem:$0x19800] =	vst v63  }
0x395: {  	s25 =	simm.s32 $0x15AE8;
	s26 =	sadd.s32 $0x50, s0;
	s30 =	simm.s32 $0x15B70  }
0x396: {  	[hbm4b:s26+s5] =	stream.linear.scatter [tilespmem:s25], [sflag:$0x6], $0x80, $0x38;
	[tilespmem:$0x19800] =	vst v63  }
0x397: {  	s31 =	sadd.s32 $0x60, s0;
	s25 =	simm.s32 $0x880;
	s26 =	sadd.s32 $0x8000, s0  }
0x398: {  	[hbm4b:s31+s5] =	stream.linear.scatter [tilespmem:s30], [sflag:$0x6], $0x80, $0x38;
	[tilespmem:$0x19800] =	vst v63  }
.LBB2_26:
0x399: {  	[hbm4b:s29+s5] =	stream.linear.scatter [tilespmem:s1], [sflag:$0x6], $0x80, $0x38;
	[tilespmem:$0x19800] =	vst v63  }
0x39a: {  	s0 =	smov.u32 s25;
	s1 =	smov.u32 s28  }
0x39b: {  	s19 =	sadd.s32 $0x2200, s28;
	s25 =	sshra.s32 s1, $0x2;
	s1 =	sadd.s32 $0x15840, s0  }
0x39c: {  	[hbm4b:s26+s5] =	stream.linear.scatter [tilespmem:s1], [sflag:$0x6], $0x80, $0x38;
	[tilespmem:$0x19800] =	vst v63  }
0x39d: {  	p0 =	sne.s32 s28, $0xEE00;
	s28 =	sadd.s32 $0x10, s26;
	s1 =	sadd.s32 $0x158C8, s0  }
0x39e: {  	[hbm4b:s28+s5] =	stream.linear.scatter [tilespmem:s1], [sflag:$0x6], $0x80, $0x38;
	[tilespmem:$0x19800] =	vst v63  }
0x39f: {  	s1 =	sadd.s32 $0x15950, s0;
	s28 =	sadd.s32 $0x20, s26  }
0x3a0: {  	[hbm4b:s28+s5] =	stream.linear.scatter [tilespmem:s1], [sflag:$0x6], $0x80, $0x38;
	[tilespmem:$0x19800] =	vst v63  }
0x3a1: {  	s1 =	sadd.s32 $0x159D8, s0;
	s28 =	sadd.s32 $0x30, s26  }
0x3a2: {  	[hbm4b:s28+s5] =	stream.linear.scatter [tilespmem:s1], [sflag:$0x6], $0x80, $0x38;
	[tilespmem:$0x19800] =	vst v63  }
0x3a3: {  	s1 =	sadd.s32 $0x15A60, s0;
	s28 =	sadd.s32 $0x40, s26  }
0x3a4: {  	[hbm4b:s28+s5] =	stream.linear.scatter [tilespmem:s1], [sflag:$0x6], $0x80, $0x38;
	[tilespmem:$0x19800] =	vst v63  }
.Ltmp14:
0x3a5: {  	s1 =	sadd.s32 $0x15AE8, s0;
	s28 =	sadd.s32 $0x50, s26;
	(pc) =	sbr.rel @p0 .LBB2_26-.Ltmp14, $4  }
0x3a6: {  	[hbm4b:s28+s5] =	stream.linear.scatter [tilespmem:s1], [sflag:$0x6], $0x80, $0x38;
	[tilespmem:$0x19800] =	vst v63  }
0x3a7: {  	s29 =	sadd.s32 $0x70, s26;
	s1 =	sadd.s32 $0x15B70, s0;
	s28 =	sadd.s32 $0x60, s26  }
0x3a8: {  	[hbm4b:s28+s5] =	stream.linear.scatter [tilespmem:s1], [sflag:$0x6], $0x80, $0x38;
	[tilespmem:$0x19800] =	vst v63  }
0x3a9: {  	s26 =	sadd.s32 $0x8000, s26;
	s1 =	sadd.s32 $0x15BF8, s0;
	s28 =	smov.u32 s19  }
0x3aa: {  	[hbm4b:s29+s5] =	stream.linear.scatter [tilespmem:s1], [sflag:$0x6], $0x80, $0x38;
	[tilespmem:$0x19800] =	vst v63  }
0x3ab: {  	s0 =	sadd.s32 $0x15840, s25  }
0x3ac: {  	[hbm4b:s26+s5] =	stream.linear.scatter [tilespmem:s0], [sflag:$0x6], $0x80, $0x38;
	[tilespmem:$0x19800] =	vst v63  }
0x3ad: {  	s30 =	sadd.s32 $0x158C8, s25;
	s31 =	sadd.s32 $0x10, s26  }
0x3ae: {  	[hbm4b:s31+s5] =	stream.linear.scatter [tilespmem:s30], [sflag:$0x6], $0x80, $0x38;
	[tilespmem:$0x19800] =	vst v63  }
0x3af: {  	s1 =	sadd.s32 $0x15950, s25;
	s19 =	sadd.s32 $0x20, s26  }
0x3b0: {  	[hbm4b:s19+s5] =	stream.linear.scatter [tilespmem:s1], [sflag:$0x6], $0x80, $0x38;
	[tilespmem:$0x19800] =	vst v63  }
0x3b1: {  	s28 =	sadd.s32 $0x159D8, s25;
	s29 =	sadd.s32 $0x30, s26  }
0x3b2: {  	[hbm4b:s29+s5] =	stream.linear.scatter [tilespmem:s28], [sflag:$0x6], $0x80, $0x38;
	[tilespmem:$0x19800] =	vst v63  }
0x3b3: {  	s24 =	sadd.s32 $0x1, s24;
	s30 =	sadd.s32 $0x15A60, s25;
	s31 =	sadd.s32 $0x40, s26  }
0x3b4: {  	[hbm4b:s31+s5] =	stream.linear.scatter [tilespmem:s30], [sflag:$0x6], $0x80, $0x38;
	[tilespmem:$0x19800] =	vst v63  }
0x3b5: {  	p0 =	sne.s32 s24, $0x22;
	s1 =	sadd.s32 $0x15AE8, s25;
	s19 =	sadd.s32 $0x50, s26  }
0x3b6: {  	[hbm4b:s19+s5] =	stream.linear.scatter [tilespmem:s1], [sflag:$0x6], $0x80, $0x38;
	[tilespmem:$0x19800] =	vst v63  }
.Ltmp15:
0x3b7: {  	_ = 	snop;
	(pc) =	sbr.rel @p0 .LBB2_2-.Ltmp15, $4  }
.Ltmp16:
0x3b8: {  	s28 =	sadd.s32 $0x15B70, s25;
	s29 =	sadd.s32 $0x60, s26;
	(pc) =	sbr.rel @!p0 .LBB2_28-.Ltmp16, $4  }
0x3b9: {  	[hbm4b:s29+s5] =	stream.linear.scatter [tilespmem:s28], [sflag:$0x6], $0x80, $0x38;
	[tilespmem:$0x19800] =	vst v63  }
0x3ba: {  	s30 =	sadd.s32 $0x15BF8, s25;
	s31 =	sadd.s32 $0x70, s26  }
0x3bb: {  	[hbm4b:s31+s5] =	stream.linear.scatter [tilespmem:s30], [sflag:$0x6], $0x80, $0x38;
	[tilespmem:$0x19800] =	vst v63  }
0x3bc: {  	_ = 	snop  }
.LBB2_29:
0x3bd: {  	_ =	sfence.sel $0x180000  }
0x3be: {  	[bflag:$0x0] =	sbarrier.arrive $0xFFFF  }
0x3bf: {  	_ =	strace $0x90000047  }
0x3c0: {  	s0 =	stileid.u32;
	[bflag:$0x2] =	sbarrier.arrive $0xFFFF  }
0x3c1: {  	p0 =	sne.s32 s0, $0x0;
	s0 =	rddreg [dreg:$0x2]  }
0x3c2: {  	s0 =	sadd.s32 @!p0 $0x100000, s0  }
0x3c3: {  	[sflag:s0] =	ssyncadd.tile.s32 @!p0 $0x1;
	_ =	shalt  }
.Lfunc_end2:
_tile_overlayer_lowered:
.L_overlay_start_2:
0x3c4: {  	(tag) =	ssettag $0x2  }
0x3c5: {  	s0 =	rddreg [dreg:$0x0];
	s2 =	stileid.u32  }
0x3c6: {  	s1 =	rddreg [dreg:$0x1];
	p0 =	sne.s32 s2, $0x0  }
0x3c7: {  	s3 =	rddreg [dreg:$0x2];
	[bflag:$0x3] =	sbarrier.arrive $0xFFFF;
	s2 =	simm.s32 @!p0 $0x1C0A  }
0x3c8: {  	[timem:s3], [sflag:s2] =	dma.local @!p0 [hbm:s0], s1  }
0x3c9: {  	s0 =	simm.s32 @!p0 $0xA  }
0x3ca: {  	_ =	swait.ge @!p0 [sflag:s0], s1  }
0x3cb: {  	s1 =	ssub.s32 @!p0 $0x0, s1;
	[sflag:s0] =	ssyncset.done @!p0 $0x0  }
0x3cc: {  	[sflag:s0] =	ssyncadd.s32 @!p0 s1  }
0x3cd: {  	[bflag:$0x3] =	sbarrier.arrive $0xFFFF  }
0x3ce: {  	_ =	shalt  }

</sc_bundles>
